<compile_context>
chip_gen: v7x
topology: tpu7x:2x2x1
jax: 0.10.2.dev20260603
libtpu: 0.0.44.dev20260713+nightly
codegen_flags: <defaults>
</compile_context>

<pallas_src>
import functools

import jax
import jax.numpy as jnp
from jax import lax
from jax.experimental import pallas as pl
from jax.experimental.pallas import tpu as pltpu
from jax.experimental.pallas import tpu_sc as plsc

NN = 10000
EE = 320000
FD = 128
GG = 64
NC, NS, LANES = 2, 16, 16
NW = NC * NS
FPW = FD // NW
EPW = EE // NW
ECH = 20000
NCHUNK = EE // ECH

_sc_mesh = plsc.VectorSubcoreMesh(core_axis_name="c", subcore_axis_name="s")
_sc_params = pltpu.CompilerParams(needs_layout_passes=False)



@functools.partial(
    pl.kernel,
    out_type=jax.ShapeDtypeStruct((NW, NN), jnp.float32),
    mesh=_sc_mesh,
    compiler_params=_sc_params,
    scratch_types=[
        pltpu.VMEM((EPW,), jnp.int32),
        pltpu.VMEM((NN,), jnp.float32),
    ],
)
def _deg_kernel(dst_hbm, out_hbm, idx_v, acc_v):
    wid = lax.axis_index("s") * NC + lax.axis_index("c")
    pltpu.sync_copy(dst_hbm.at[pl.ds(wid * EPW, EPW)], idx_v)

    zero = jnp.zeros((LANES,), jnp.float32)

    def zbody(i, _):
        acc_v[pl.ds(i * LANES, LANES)] = zero
        return 0

    lax.fori_loop(0, NN // LANES, zbody, 0)

    ones = jnp.ones((LANES,), jnp.float32)

    def body(i, _):
        d = idx_v[pl.ds(i * LANES, LANES)]
        plsc.addupdate_scatter(acc_v, [d], ones)
        return 0

    lax.fori_loop(0, EPW // LANES, body, 0)
    pltpu.sync_copy(acc_v, out_hbm.at[wid])


@functools.partial(
    pl.kernel,
    out_type=jax.ShapeDtypeStruct((FD, NN), jnp.float32),
    mesh=_sc_mesh,
    compiler_params=_sc_params,
    scratch_types=(
        [pltpu.VMEM((NN,), jnp.float32) for _ in range(2 * FPW)]
        + [pltpu.VMEM((ECH,), jnp.int32) for _ in range(2)]
        + [pltpu.SemaphoreType.DMA] * 3
    ),
)
def _agg_kernel(u_hbm, ed_hbm, out_hbm,
                t0, t1, t2, t3, a0, a1, a2, a3,
                ebuf0, ebuf1, sem0, sem1, tsem):
    wid = lax.axis_index("s") * NC + lax.axis_index("c")
    fbase = wid * FPW
    tabs = (t0, t1, t2, t3)
    accs = (a0, a1, a2, a3)
    ebufs = (ebuf0, ebuf1)
    sems = (sem0, sem1)

    for f in range(FPW):
        row = u_hbm.at[fbase + f]
        pltpu.async_copy(row, tabs[f], tsem)
        pltpu.async_copy(row, accs[f], tsem)

    for b in range(2):
        pltpu.async_copy(ed_hbm.at[pl.ds(b * ECH, ECH)], ebufs[b], sems[b])

    for f in range(FPW):
        row = u_hbm.at[fbase + f]
        pltpu.make_async_copy(row, tabs[f], tsem).wait()
        pltpu.make_async_copy(row, accs[f], tsem).wait()

    mask16 = jnp.full((LANES,), 0xFFFF, jnp.int32)

    def chunk_pair(c0, _):
        for b in range(2):
            c = c0 * 2 + b
            ebuf, sem = ebufs[b], sems[b]
            pltpu.make_async_copy(ed_hbm.at[pl.ds(0, ECH)], ebuf, sem).wait()

            @plsc.parallel_loop(0, ECH // LANES, 1, unroll=4)
            def ebody(i):
                w = ebuf[pl.ds(i * LANES, LANES)]
                s = lax.bitwise_and(w, mask16)
                d = lax.shift_right_logical(w, 16)
                vals = [plsc.load_gather(tabs[f], [s]) for f in range(FPW)]
                for f in range(FPW):
                    plsc.addupdate_scatter(accs[f], [d], vals[f])

            @pl.when(c + 2 < NCHUNK)
            def _():
                base = (c + 2) * ECH
                pltpu.async_copy(ed_hbm.at[pl.ds(base, ECH)], ebuf, sem)

        return 0

    lax.fori_loop(0, NCHUNK // 2, chunk_pair, 0)
    for f in range(FPW):
        pltpu.sync_copy(accs[f], out_hbm.at[fbase + f])



def _tc_pack_body(ei_ref, ed_ref):
    ed_ref[...] = lax.bitwise_or(ei_ref[0:1, :],
                                 lax.shift_left(ei_ref[1:2, :], 16))


_tc_pack = pl.pallas_call(
    _tc_pack_body,
    out_shape=jax.ShapeDtypeStruct((1, EE), jnp.int32),
)


def _tc_first_body(x_ref, w_ref, degp_ref, u_ref, dinv_ref):
    deg = jnp.sum(degp_ref[...], axis=0, keepdims=True) + 1.0
    dinv = lax.rsqrt(deg)
    h = lax.dot_general(w_ref[...], x_ref[...], (((0,), (1,)), ((), ())),
                        preferred_element_type=jnp.float32)
    u_ref[...] = h * dinv
    dinv_ref[...] = dinv


_tc_first = pl.pallas_call(
    _tc_first_body,
    out_shape=[
        jax.ShapeDtypeStruct((FD, NN), jnp.float32),
        jax.ShapeDtypeStruct((1, NN), jnp.float32),
    ],
)


def _bn_relu(aggT, dinv, b, g, be):
    z = aggT * dinv + b
    m = jnp.mean(z, axis=1, keepdims=True)
    zc = z - m
    v = jnp.mean(zc * zc, axis=1, keepdims=True)
    return jnp.maximum(zc * lax.rsqrt(v + 1e-5) * g + be, 0.0)


def _tc_mid_body(agg_ref, dinv_ref, b_ref, g_ref, be_ref, w_ref, u_ref):
    dinv = dinv_ref[...]
    y = _bn_relu(agg_ref[...], dinv, b_ref[...], g_ref[...], be_ref[...])
    u_ref[...] = lax.dot_general(w_ref[...], y, (((0,), (0,)), ((), ())),
                                 preferred_element_type=jnp.float32) * dinv


_tc_mid = pl.pallas_call(
    _tc_mid_body,
    out_shape=jax.ShapeDtypeStruct((FD, NN), jnp.float32),
)


def _tc_final_body(agg_ref, dinv_ref, b_ref, g_ref, be_ref, batch_ref,
                   wl_ref, bl_ref, out_ref):
    y = _bn_relu(agg_ref[...], dinv_ref[...], b_ref[...], g_ref[...],
                 be_ref[...])
    gid = lax.broadcasted_iota(jnp.int32, (GG, NN), 0)
    onehot = jnp.where(gid == batch_ref[...], 1.0, 0.0)
    cnt = lax.dot_general(jnp.ones((1, NN), jnp.float32), onehot,
                          (((1,), (1,)), ((), ())),
                          preferred_element_type=jnp.float32, precision=lax.Precision.HIGHEST)
    sums = lax.dot_general(y, onehot, (((1,), (1,)), ((), ())),
                           preferred_element_type=jnp.float32, precision=lax.Precision.HIGHEST)
    pooled = sums / jnp.maximum(cnt, 1.0)
    out_ref[...] = lax.dot_general(pooled, wl_ref[...], (((0,), (0,)), ((), ())),
                                   preferred_element_type=jnp.float32) + bl_ref[...]


_tc_final = pl.pallas_call(
    _tc_final_body,
    out_shape=jax.ShapeDtypeStruct((GG, 1), jnp.float32),
)



def kernel(x, edge_index, batch, W1, b1, g1, be1, W2, b2, g2, be2,
           W3, b3, g3, be3, Wl, bl):
    dst = edge_index[1]
    col = lambda p: p.reshape(FD, 1)

    packed = _tc_pack(edge_index).reshape(EE)
    degp = _deg_kernel(dst)
    u1, dinv = _tc_first(x, W1, degp)
    agg1 = _agg_kernel(u1, packed)
    u2 = _tc_mid(agg1, dinv, col(b1), col(g1), col(be1), W2)
    agg2 = _agg_kernel(u2, packed)
    u3 = _tc_mid(agg2, dinv, col(b2), col(g2), col(be2), W3)
    agg3 = _agg_kernel(u3, packed)
    out = _tc_final(agg3, dinv, col(b3), col(g3), col(be3),
                    batch.reshape(1, NN), Wl, bl.reshape(1, 1))
    return out

# --- scband reference (transcript-rebuilt; emitter-appended) ---
"""Pipeline reference for scband-gcn-4758823764123 (READ-ONLY COPY).

The authoritative reference and input builder live on the scoring server;
editing this copy changes nothing except your own understanding.
"""

import jax, jax.numpy as jnp
import numpy as np

N = 10000
E = 320000
D = 128
H = 128
G = 64


def setup_inputs(seed: int = 0) -> dict:
    key = jax.random.key(seed)
    ks = jax.random.split(key, 20)
    x = jax.random.normal(ks[0], (N, D), dtype=jnp.float32)
    edge_index = jax.random.randint(ks[1], (2, E), 0, N, dtype=jnp.int32)
    batch = jnp.sort(jax.random.randint(ks[2], (N,), 0, G, dtype=jnp.int32))
    s = 0.05
    W1 = jax.random.normal(ks[3], (D, H), dtype=jnp.float32) * s
    b1 = jnp.zeros((H,), jnp.float32)
    g1 = jnp.ones((H,), jnp.float32)
    be1 = jnp.zeros((H,), jnp.float32)
    W2 = jax.random.normal(ks[4], (H, H), dtype=jnp.float32) * s
    b2 = jnp.zeros((H,), jnp.float32)
    g2 = jnp.ones((H,), jnp.float32)
    be2 = jnp.zeros((H,), jnp.float32)
    W3 = jax.random.normal(ks[5], (H, H), dtype=jnp.float32) * s
    b3 = jnp.zeros((H,), jnp.float32)
    g3 = jnp.ones((H,), jnp.float32)
    be3 = jnp.zeros((H,), jnp.float32)
    Wl = jax.random.normal(ks[6], (H, 1), dtype=jnp.float32) * s
    bl = jnp.zeros((1,), jnp.float32)
    return {"x": x, "edge_index": edge_index, "batch": batch,
            "W1": W1, "b1": b1, "g1": g1, "be1": be1,
            "W2": W2, "b2": b2, "g2": g2, "be2": be2,
            "W3": W3, "b3": b3, "g3": g3, "be3": be3,
            "Wl": Wl, "bl": bl}


def _gcn_conv(x, src, dst, W, b, n):
    h = x @ W
    deg = jnp.zeros((n,), jnp.float32).at[dst].add(1.0)
    dinv = jnp.where(deg > 0, jax.lax.rsqrt(jnp.maximum(deg, 1e-12)), 0.0)
    norm = dinv[src] * dinv[dst]
    msg = h[src] * norm[:, None]
    out = jnp.zeros_like(h).at[dst].add(msg)
    return out + b


def _bn(x, g, b, eps=1e-5):
    m = x.mean(axis=0)
    v = x.var(axis=0)
    return (x - m) * jax.lax.rsqrt(v + eps) * g + b


def reference(x, edge_index, batch, W1, b1, g1, be1, W2, b2, g2, be2, W3, b3, g3, be3, Wl, bl):
    # add self loops (PyG GCNConv default)
    loop = jnp.arange(N, dtype=edge_index.dtype)
    src = jnp.concatenate([edge_index[0], loop])
    dst = jnp.concatenate([edge_index[1], loop])
    h = _gcn_conv(x, src, dst, W1, b1, N)
    h = jax.nn.relu(_bn(h, g1, be1))
    h = _gcn_conv(h, src, dst, W2, b2, N)
    h = jax.nn.relu(_bn(h, g2, be2))
    h = _gcn_conv(h, src, dst, W3, b3, N)
    h = jax.nn.relu(_bn(h, g3, be3))
    # global mean pool over graphs
    sums = jax.ops.segment_sum(h, batch, num_segments=G)
    cnt = jax.ops.segment_sum(jnp.ones((N,), jnp.float32), batch, num_segments=G)
    pooled = sums / jnp.maximum(cnt, 1.0)[:, None]
    return pooled @ Wl + bl

if __name__ == "__main__":
    import jax
    _d = setup_inputs()
    print(jax.jit(kernel)(*tuple(_d.values())))

</pallas_src>

<mosaic_0001>
#map = affine_map<(d0, d1) -> (0, 0)>
#map1 = affine_map<(d0, d1) -> (0)>
module attributes {stable_mosaic.version = 14 : i64} {
  func.func @_agg_kernel(%arg0: i32, %arg1: i32, %arg2: memref<128x10000xf32, #tpu.memory_space<hbm>>, %arg3: memref<320000xi32, #tpu.memory_space<hbm>>, %arg4: memref<128x10000xf32, #tpu.memory_space<hbm>>, %arg5: memref<10000xf32, #tpu.memory_space<vmem>>, %arg6: memref<10000xf32, #tpu.memory_space<vmem>>, %arg7: memref<10000xf32, #tpu.memory_space<vmem>>, %arg8: memref<10000xf32, #tpu.memory_space<vmem>>, %arg9: memref<10000xf32, #tpu.memory_space<vmem>>, %arg10: memref<10000xf32, #tpu.memory_space<vmem>>, %arg11: memref<10000xf32, #tpu.memory_space<vmem>>, %arg12: memref<10000xf32, #tpu.memory_space<vmem>>, %arg13: memref<20000xi32, #tpu.memory_space<vmem>>, %arg14: memref<20000xi32, #tpu.memory_space<vmem>>, %arg15: memref<!tpu.dma_semaphore, #tpu.memory_space<semaphore_mem>>, %arg16: memref<!tpu.dma_semaphore, #tpu.memory_space<semaphore_mem>>, %arg17: memref<!tpu.dma_semaphore, #tpu.memory_space<semaphore_mem>>) attributes {dimension_semantics = [#tpu.dimension_semantics<core_parallel>, #tpu.dimension_semantics<subcore_parallel>], iteration_bounds = array<i64: 2, 16>, scalar_prefetch = 0 : i64, scratch_operands = 13 : i64, tpu.core_type = #tpu.core_type<sc_vector_subcore>, window_params = [{transform_indices = #map}, {transform_indices = #map1}, {transform_indices = #map}]} {
    %mul3A = arith.constant 2 : i32
    %mul3A_0 = arith.muli %arg1, %mul3A : i32
    %add3A = arith.addi %mul3A_0, %arg0 : i32
    %mul3A_1 = arith.constant 4 : i32
    %mul3A_2 = arith.muli %add3A, %mul3A_1 : i32
    %add3A_3 = arith.constant 0 : i32
    %add3A_4 = arith.addi %mul3A_2, %add3A_3 : i32
    %dma_start3A = arith.constant 0 : i32
    %dma_start3A_5 = tpu.memref_slice %arg2[%add3A_4, %dma_start3A] : memref<128x10000xf32, #tpu.memory_space<hbm>> -> memref<1x10000xf32, #tpu.memory_space<hbm>>
    %dma_start3A_6 = tpu.memref_squeeze %dma_start3A_5 : memref<1x10000xf32, #tpu.memory_space<hbm>> -> memref<10000xf32, #tpu.memory_space<hbm>>
    %dma_start3A_7 = arith.constant 0 : i32
    %dma_start3A_8 = tpu.memref_slice %arg2[%add3A_4, %dma_start3A_7] : memref<128x10000xf32, #tpu.memory_space<hbm>> -> memref<1x10000xf32, #tpu.memory_space<hbm>>
    %dma_start3A_9 = tpu.memref_squeeze %dma_start3A_8 : memref<1x10000xf32, #tpu.memory_space<hbm>> -> memref<10000xf32, #tpu.memory_space<hbm>>
    tpu.enqueue_dma source(%dma_start3A_9 : memref<10000xf32, #tpu.memory_space<hbm>>) target(%arg5 : memref<10000xf32, #tpu.memory_space<vmem>>) target_semaphore(%arg17 : memref<!tpu.dma_semaphore, #tpu.memory_space<semaphore_mem>>)
    %dma_start3A_10 = arith.constant 0 : i32
    %dma_start3A_11 = tpu.memref_slice %arg2[%add3A_4, %dma_start3A_10] : memref<128x10000xf32, #tpu.memory_space<hbm>> -> memref<1x10000xf32, #tpu.memory_space<hbm>>
    %dma_start3A_12 = tpu.memref_squeeze %dma_start3A_11 : memref<1x10000xf32, #tpu.memory_space<hbm>> -> memref<10000xf32, #tpu.memory_space<hbm>>
    %dma_start3A_13 = arith.constant 0 : i32
    %dma_start3A_14 = tpu.memref_slice %arg2[%add3A_4, %dma_start3A_13] : memref<128x10000xf32, #tpu.memory_space<hbm>> -> memref<1x10000xf32, #tpu.memory_space<hbm>>
    %dma_start3A_15 = tpu.memref_squeeze %dma_start3A_14 : memref<1x10000xf32, #tpu.memory_space<hbm>> -> memref<10000xf32, #tpu.memory_space<hbm>>
    tpu.enqueue_dma source(%dma_start3A_15 : memref<10000xf32, #tpu.memory_space<hbm>>) target(%arg9 : memref<10000xf32, #tpu.memory_space<vmem>>) target_semaphore(%arg17 : memref<!tpu.dma_semaphore, #tpu.memory_space<semaphore_mem>>)
    %add3A_16 = arith.constant 1 : i32
    %add3A_17 = arith.addi %mul3A_2, %add3A_16 : i32
    %dma_start3A_18 = arith.constant 0 : i32
    %dma_start3A_19 = tpu.memref_slice %arg2[%add3A_17, %dma_start3A_18] : memref<128x10000xf32, #tpu.memory_space<hbm>> -> memref<1x10000xf32, #tpu.memory_space<hbm>>
    %dma_start3A_20 = tpu.memref_squeeze %dma_start3A_19 : memref<1x10000xf32, #tpu.memory_space<hbm>> -> memref<10000xf32, #tpu.memory_space<hbm>>
    %dma_start3A_21 = arith.constant 0 : i32
    %dma_start3A_22 = tpu.memref_slice %arg2[%add3A_17, %dma_start3A_21] : memref<128x10000xf32, #tpu.memory_space<hbm>> -> memref<1x10000xf32, #tpu.memory_space<hbm>>
    %dma_start3A_23 = tpu.memref_squeeze %dma_start3A_22 : memref<1x10000xf32, #tpu.memory_space<hbm>> -> memref<10000xf32, #tpu.memory_space<hbm>>
    tpu.enqueue_dma source(%dma_start3A_23 : memref<10000xf32, #tpu.memory_space<hbm>>) target(%arg6 : memref<10000xf32, #tpu.memory_space<vmem>>) target_semaphore(%arg17 : memref<!tpu.dma_semaphore, #tpu.memory_space<semaphore_mem>>)
    %dma_start3A_24 = arith.constant 0 : i32
    %dma_start3A_25 = tpu.memref_slice %arg2[%add3A_17, %dma_start3A_24] : memref<128x10000xf32, #tpu.memory_space<hbm>> -> memref<1x10000xf32, #tpu.memory_space<hbm>>
    %dma_start3A_26 = tpu.memref_squeeze %dma_start3A_25 : memref<1x10000xf32, #tpu.memory_space<hbm>> -> memref<10000xf32, #tpu.memory_space<hbm>>
    %dma_start3A_27 = arith.constant 0 : i32
    %dma_start3A_28 = tpu.memref_slice %arg2[%add3A_17, %dma_start3A_27] : memref<128x10000xf32, #tpu.memory_space<hbm>> -> memref<1x10000xf32, #tpu.memory_space<hbm>>
    %dma_start3A_29 = tpu.memref_squeeze %dma_start3A_28 : memref<1x10000xf32, #tpu.memory_space<hbm>> -> memref<10000xf32, #tpu.memory_space<hbm>>
    tpu.enqueue_dma source(%dma_start3A_29 : memref<10000xf32, #tpu.memory_space<hbm>>) target(%arg10 : memref<10000xf32, #tpu.memory_space<vmem>>) target_semaphore(%arg17 : memref<!tpu.dma_semaphore, #tpu.memory_space<semaphore_mem>>)
    %add3A_30 = arith.constant 2 : i32
    %add3A_31 = arith.addi %mul3A_2, %add3A_30 : i32
    %dma_start3A_32 = arith.constant 0 : i32
    %dma_start3A_33 = tpu.memref_slice %arg2[%add3A_31, %dma_start3A_32] : memref<128x10000xf32, #tpu.memory_space<hbm>> -> memref<1x10000xf32, #tpu.memory_space<hbm>>
    %dma_start3A_34 = tpu.memref_squeeze %dma_start3A_33 : memref<1x10000xf32, #tpu.memory_space<hbm>> -> memref<10000xf32, #tpu.memory_space<hbm>>
    %dma_start3A_35 = arith.constant 0 : i32
    %dma_start3A_36 = tpu.memref_slice %arg2[%add3A_31, %dma_start3A_35] : memref<128x10000xf32, #tpu.memory_space<hbm>> -> memref<1x10000xf32, #tpu.memory_space<hbm>>
    %dma_start3A_37 = tpu.memref_squeeze %dma_start3A_36 : memref<1x10000xf32, #tpu.memory_space<hbm>> -> memref<10000xf32, #tpu.memory_space<hbm>>
    tpu.enqueue_dma source(%dma_start3A_37 : memref<10000xf32, #tpu.memory_space<hbm>>) target(%arg7 : memref<10000xf32, #tpu.memory_space<vmem>>) target_semaphore(%arg17 : memref<!tpu.dma_semaphore, #tpu.memory_space<semaphore_mem>>)
    %dma_start3A_38 = arith.constant 0 : i32
    %dma_start3A_39 = tpu.memref_slice %arg2[%add3A_31, %dma_start3A_38] : memref<128x10000xf32, #tpu.memory_space<hbm>> -> memref<1x10000xf32, #tpu.memory_space<hbm>>
    %dma_start3A_40 = tpu.memref_squeeze %dma_start3A_39 : memref<1x10000xf32, #tpu.memory_space<hbm>> -> memref<10000xf32, #tpu.memory_space<hbm>>
    %dma_start3A_41 = arith.constant 0 : i32
    %dma_start3A_42 = tpu.memref_slice %arg2[%add3A_31, %dma_start3A_41] : memref<128x10000xf32, #tpu.memory_space<hbm>> -> memref<1x10000xf32, #tpu.memory_space<hbm>>
    %dma_start3A_43 = tpu.memref_squeeze %dma_start3A_42 : memref<1x10000xf32, #tpu.memory_space<hbm>> -> memref<10000xf32, #tpu.memory_space<hbm>>
    tpu.enqueue_dma source(%dma_start3A_43 : memref<10000xf32, #tpu.memory_space<hbm>>) target(%arg11 : memref<10000xf32, #tpu.memory_space<vmem>>) target_semaphore(%arg17 : memref<!tpu.dma_semaphore, #tpu.memory_space<semaphore_mem>>)
    %add3A_44 = arith.constant 3 : i32
    %add3A_45 = arith.addi %mul3A_2, %add3A_44 : i32
    %dma_start3A_46 = arith.constant 0 : i32
    %dma_start3A_47 = tpu.memref_slice %arg2[%add3A_45, %dma_start3A_46] : memref<128x10000xf32, #tpu.memory_space<hbm>> -> memref<1x10000xf32, #tpu.memory_space<hbm>>
    %dma_start3A_48 = tpu.memref_squeeze %dma_start3A_47 : memref<1x10000xf32, #tpu.memory_space<hbm>> -> memref<10000xf32, #tpu.memory_space<hbm>>
    %dma_start3A_49 = arith.constant 0 : i32
    %dma_start3A_50 = tpu.memref_slice %arg2[%add3A_45, %dma_start3A_49] : memref<128x10000xf32, #tpu.memory_space<hbm>> -> memref<1x10000xf32, #tpu.memory_space<hbm>>
    %dma_start3A_51 = tpu.memref_squeeze %dma_start3A_50 : memref<1x10000xf32, #tpu.memory_space<hbm>> -> memref<10000xf32, #tpu.memory_space<hbm>>
    tpu.enqueue_dma source(%dma_start3A_51 : memref<10000xf32, #tpu.memory_space<hbm>>) target(%arg8 : memref<10000xf32, #tpu.memory_space<vmem>>) target_semaphore(%arg17 : memref<!tpu.dma_semaphore, #tpu.memory_space<semaphore_mem>>)
    %dma_start3A_52 = arith.constant 0 : i32
    %dma_start3A_53 = tpu.memref_slice %arg2[%add3A_45, %dma_start3A_52] : memref<128x10000xf32, #tpu.memory_space<hbm>> -> memref<1x10000xf32, #tpu.memory_space<hbm>>
    %dma_start3A_54 = tpu.memref_squeeze %dma_start3A_53 : memref<1x10000xf32, #tpu.memory_space<hbm>> -> memref<10000xf32, #tpu.memory_space<hbm>>
    %dma_start3A_55 = arith.constant 0 : i32
    %dma_start3A_56 = tpu.memref_slice %arg2[%add3A_45, %dma_start3A_55] : memref<128x10000xf32, #tpu.memory_space<hbm>> -> memref<1x10000xf32, #tpu.memory_space<hbm>>
    %dma_start3A_57 = tpu.memref_squeeze %dma_start3A_56 : memref<1x10000xf32, #tpu.memory_space<hbm>> -> memref<10000xf32, #tpu.memory_space<hbm>>
    tpu.enqueue_dma source(%dma_start3A_57 : memref<10000xf32, #tpu.memory_space<hbm>>) target(%arg12 : memref<10000xf32, #tpu.memory_space<vmem>>) target_semaphore(%arg17 : memref<!tpu.dma_semaphore, #tpu.memory_space<semaphore_mem>>)
    %dma_start3A_58 = arith.constant 0 : i32
    %dma_start3A_59 = tpu.memref_slice %arg3[%dma_start3A_58] : memref<320000xi32, #tpu.memory_space<hbm>> -> memref<20000xi32, #tpu.memory_space<hbm>>
    %dma_start3A_60 = arith.constant 0 : i32
    %dma_start3A_61 = tpu.memref_slice %arg3[%dma_start3A_60] : memref<320000xi32, #tpu.memory_space<hbm>> -> memref<20000xi32, #tpu.memory_space<hbm>>
    tpu.enqueue_dma source(%dma_start3A_61 : memref<20000xi32, #tpu.memory_space<hbm>>) target(%arg13 : memref<20000xi32, #tpu.memory_space<vmem>>) target_semaphore(%arg15 : memref<!tpu.dma_semaphore, #tpu.memory_space<semaphore_mem>>)
    %dma_start3A_62 = arith.constant 20000 : i32
    %dma_start3A_63 = tpu.memref_slice %arg3[%dma_start3A_62] : memref<320000xi32, #tpu.memory_space<hbm>> -> memref<20000xi32, #tpu.memory_space<hbm>>
    %dma_start3A_64 = arith.constant 20000 : i32
    %dma_start3A_65 = tpu.memref_slice %arg3[%dma_start3A_64] : memref<320000xi32, #tpu.memory_space<hbm>> -> memref<20000xi32, #tpu.memory_space<hbm>>
    tpu.enqueue_dma source(%dma_start3A_65 : memref<20000xi32, #tpu.memory_space<hbm>>) target(%arg14 : memref<20000xi32, #tpu.memory_space<vmem>>) target_semaphore(%arg16 : memref<!tpu.dma_semaphore, #tpu.memory_space<semaphore_mem>>)
    %add3A_66 = arith.constant 0 : i32
    %add3A_67 = arith.addi %mul3A_2, %add3A_66 : i32
    %dma_wait3A = arith.constant 0 : i32
    %dma_wait3A_68 = tpu.memref_slice %arg2[%add3A_67, %dma_wait3A] : memref<128x10000xf32, #tpu.memory_space<hbm>> -> memref<1x10000xf32, #tpu.memory_space<hbm>>
    %dma_wait3A_69 = tpu.memref_squeeze %dma_wait3A_68 : memref<1x10000xf32, #tpu.memory_space<hbm>> -> memref<10000xf32, #tpu.memory_space<hbm>>
    %dma_wait3A_70 = arith.constant 0 : i32
    %dma_wait3A_71 = tpu.memref_slice %arg2[%add3A_67, %dma_wait3A_70] : memref<128x10000xf32, #tpu.memory_space<hbm>> -> memref<1x10000xf32, #tpu.memory_space<hbm>>
    %dma_wait3A_72 = tpu.memref_squeeze %dma_wait3A_71 : memref<1x10000xf32, #tpu.memory_space<hbm>> -> memref<10000xf32, #tpu.memory_space<hbm>>
    tpu.wait_dma2 semaphore(%arg17 : memref<!tpu.dma_semaphore, #tpu.memory_space<semaphore_mem>>) src(%dma_wait3A_72 : memref<10000xf32, #tpu.memory_space<hbm>>) dst(%arg5 : memref<10000xf32, #tpu.memory_space<vmem>>)
    %dma_wait3A_73 = arith.constant 0 : i32
    %dma_wait3A_74 = tpu.memref_slice %arg2[%add3A_67, %dma_wait3A_73] : memref<128x10000xf32, #tpu.memory_space<hbm>> -> memref<1x10000xf32, #tpu.memory_space<hbm>>
    %dma_wait3A_75 = tpu.memref_squeeze %dma_wait3A_74 : memref<1x10000xf32, #tpu.memory_space<hbm>> -> memref<10000xf32, #tpu.memory_space<hbm>>
    %dma_wait3A_76 = arith.constant 0 : i32
    %dma_wait3A_77 = tpu.memref_slice %arg2[%add3A_67, %dma_wait3A_76] : memref<128x10000xf32, #tpu.memory_space<hbm>> -> memref<1x10000xf32, #tpu.memory_space<hbm>>
    %dma_wait3A_78 = tpu.memref_squeeze %dma_wait3A_77 : memref<1x10000xf32, #tpu.memory_space<hbm>> -> memref<10000xf32, #tpu.memory_space<hbm>>
    tpu.wait_dma2 semaphore(%arg17 : memref<!tpu.dma_semaphore, #tpu.memory_space<semaphore_mem>>) src(%dma_wait3A_78 : memref<10000xf32, #tpu.memory_space<hbm>>) dst(%arg9 : memref<10000xf32, #tpu.memory_space<vmem>>)
    %add3A_79 = arith.constant 1 : i32
    %add3A_80 = arith.addi %mul3A_2, %add3A_79 : i32
    %dma_wait3A_81 = arith.constant 0 : i32
    %dma_wait3A_82 = tpu.memref_slice %arg2[%add3A_80, %dma_wait3A_81] : memref<128x10000xf32, #tpu.memory_space<hbm>> -> memref<1x10000xf32, #tpu.memory_space<hbm>>
    %dma_wait3A_83 = tpu.memref_squeeze %dma_wait3A_82 : memref<1x10000xf32, #tpu.memory_space<hbm>> -> memref<10000xf32, #tpu.memory_space<hbm>>
    %dma_wait3A_84 = arith.constant 0 : i32
    %dma_wait3A_85 = tpu.memref_slice %arg2[%add3A_80, %dma_wait3A_84] : memref<128x10000xf32, #tpu.memory_space<hbm>> -> memref<1x10000xf32, #tpu.memory_space<hbm>>
    %dma_wait3A_86 = tpu.memref_squeeze %dma_wait3A_85 : memref<1x10000xf32, #tpu.memory_space<hbm>> -> memref<10000xf32, #tpu.memory_space<hbm>>
    tpu.wait_dma2 semaphore(%arg17 : memref<!tpu.dma_semaphore, #tpu.memory_space<semaphore_mem>>) src(%dma_wait3A_86 : memref<10000xf32, #tpu.memory_space<hbm>>) dst(%arg6 : memref<10000xf32, #tpu.memory_space<vmem>>)
    %dma_wait3A_87 = arith.constant 0 : i32
    %dma_wait3A_88 = tpu.memref_slice %arg2[%add3A_80, %dma_wait3A_87] : memref<128x10000xf32, #tpu.memory_space<hbm>> -> memref<1x10000xf32, #tpu.memory_space<hbm>>
    %dma_wait3A_89 = tpu.memref_squeeze %dma_wait3A_88 : memref<1x10000xf32, #tpu.memory_space<hbm>> -> memref<10000xf32, #tpu.memory_space<hbm>>
    %dma_wait3A_90 = arith.constant 0 : i32
    %dma_wait3A_91 = tpu.memref_slice %arg2[%add3A_80, %dma_wait3A_90] : memref<128x10000xf32, #tpu.memory_space<hbm>> -> memref<1x10000xf32, #tpu.memory_space<hbm>>
    %dma_wait3A_92 = tpu.memref_squeeze %dma_wait3A_91 : memref<1x10000xf32, #tpu.memory_space<hbm>> -> memref<10000xf32, #tpu.memory_space<hbm>>
    tpu.wait_dma2 semaphore(%arg17 : memref<!tpu.dma_semaphore, #tpu.memory_space<semaphore_mem>>) src(%dma_wait3A_92 : memref<10000xf32, #tpu.memory_space<hbm>>) dst(%arg10 : memref<10000xf32, #tpu.memory_space<vmem>>)
    %add3A_93 = arith.constant 2 : i32
    %add3A_94 = arith.addi %mul3A_2, %add3A_93 : i32
    %dma_wait3A_95 = arith.constant 0 : i32
    %dma_wait3A_96 = tpu.memref_slice %arg2[%add3A_94, %dma_wait3A_95] : memref<128x10000xf32, #tpu.memory_space<hbm>> -> memref<1x10000xf32, #tpu.memory_space<hbm>>
    %dma_wait3A_97 = tpu.memref_squeeze %dma_wait3A_96 : memref<1x10000xf32, #tpu.memory_space<hbm>> -> memref<10000xf32, #tpu.memory_space<hbm>>
    %dma_wait3A_98 = arith.constant 0 : i32
    %dma_wait3A_99 = tpu.memref_slice %arg2[%add3A_94, %dma_wait3A_98] : memref<128x10000xf32, #tpu.memory_space<hbm>> -> memref<1x10000xf32, #tpu.memory_space<hbm>>
    %dma_wait3A_100 = tpu.memref_squeeze %dma_wait3A_99 : memref<1x10000xf32, #tpu.memory_space<hbm>> -> memref<10000xf32, #tpu.memory_space<hbm>>
    tpu.wait_dma2 semaphore(%arg17 : memref<!tpu.dma_semaphore, #tpu.memory_space<semaphore_mem>>) src(%dma_wait3A_100 : memref<10000xf32, #tpu.memory_space<hbm>>) dst(%arg7 : memref<10000xf32, #tpu.memory_space<vmem>>)
    %dma_wait3A_101 = arith.constant 0 : i32
    %dma_wait3A_102 = tpu.memref_slice %arg2[%add3A_94, %dma_wait3A_101] : memref<128x10000xf32, #tpu.memory_space<hbm>> -> memref<1x10000xf32, #tpu.memory_space<hbm>>
    %dma_wait3A_103 = tpu.memref_squeeze %dma_wait3A_102 : memref<1x10000xf32, #tpu.memory_space<hbm>> -> memref<10000xf32, #tpu.memory_space<hbm>>
    %dma_wait3A_104 = arith.constant 0 : i32
    %dma_wait3A_105 = tpu.memref_slice %arg2[%add3A_94, %dma_wait3A_104] : memref<128x10000xf32, #tpu.memory_space<hbm>> -> memref<1x10000xf32, #tpu.memory_space<hbm>>
    %dma_wait3A_106 = tpu.memref_squeeze %dma_wait3A_105 : memref<1x10000xf32, #tpu.memory_space<hbm>> -> memref<10000xf32, #tpu.memory_space<hbm>>
    tpu.wait_dma2 semaphore(%arg17 : memref<!tpu.dma_semaphore, #tpu.memory_space<semaphore_mem>>) src(%dma_wait3A_106 : memref<10000xf32, #tpu.memory_space<hbm>>) dst(%arg11 : memref<10000xf32, #tpu.memory_space<vmem>>)
    %add3A_107 = arith.constant 3 : i32
    %add3A_108 = arith.addi %mul3A_2, %add3A_107 : i32
    %dma_wait3A_109 = arith.constant 0 : i32
    %dma_wait3A_110 = tpu.memref_slice %arg2[%add3A_108, %dma_wait3A_109] : memref<128x10000xf32, #tpu.memory_space<hbm>> -> memref<1x10000xf32, #tpu.memory_space<hbm>>
    %dma_wait3A_111 = tpu.memref_squeeze %dma_wait3A_110 : memref<1x10000xf32, #tpu.memory_space<hbm>> -> memref<10000xf32, #tpu.memory_space<hbm>>
    %dma_wait3A_112 = arith.constant 0 : i32
    %dma_wait3A_113 = tpu.memref_slice %arg2[%add3A_108, %dma_wait3A_112] : memref<128x10000xf32, #tpu.memory_space<hbm>> -> memref<1x10000xf32, #tpu.memory_space<hbm>>
    %dma_wait3A_114 = tpu.memref_squeeze %dma_wait3A_113 : memref<1x10000xf32, #tpu.memory_space<hbm>> -> memref<10000xf32, #tpu.memory_space<hbm>>
    tpu.wait_dma2 semaphore(%arg17 : memref<!tpu.dma_semaphore, #tpu.memory_space<semaphore_mem>>) src(%dma_wait3A_114 : memref<10000xf32, #tpu.memory_space<hbm>>) dst(%arg8 : memref<10000xf32, #tpu.memory_space<vmem>>)
    %dma_wait3A_115 = arith.constant 0 : i32
    %dma_wait3A_116 = tpu.memref_slice %arg2[%add3A_108, %dma_wait3A_115] : memref<128x10000xf32, #tpu.memory_space<hbm>> -> memref<1x10000xf32, #tpu.memory_space<hbm>>
    %dma_wait3A_117 = tpu.memref_squeeze %dma_wait3A_116 : memref<1x10000xf32, #tpu.memory_space<hbm>> -> memref<10000xf32, #tpu.memory_space<hbm>>
    %dma_wait3A_118 = arith.constant 0 : i32
    %dma_wait3A_119 = tpu.memref_slice %arg2[%add3A_108, %dma_wait3A_118] : memref<128x10000xf32, #tpu.memory_space<hbm>> -> memref<1x10000xf32, #tpu.memory_space<hbm>>
    %dma_wait3A_120 = tpu.memref_squeeze %dma_wait3A_119 : memref<1x10000xf32, #tpu.memory_space<hbm>> -> memref<10000xf32, #tpu.memory_space<hbm>>
    tpu.wait_dma2 semaphore(%arg17 : memref<!tpu.dma_semaphore, #tpu.memory_space<semaphore_mem>>) src(%dma_wait3A_120 : memref<10000xf32, #tpu.memory_space<hbm>>) dst(%arg12 : memref<10000xf32, #tpu.memory_space<vmem>>)
    %broadcast_in_dim3A = arith.constant 65535 : i32
    %broadcast_in_dim3A_121 = vector.broadcast %broadcast_in_dim3A : i32 to vector<16xi32>
    %scan3A = arith.constant 0 : i32
    %scan3A_122 = arith.constant 0 : i32
    %scan3A_123 = arith.constant 8 : i32
    %scan3A_124 = arith.addi %scan3A_122, %scan3A_123 : i32
    %scan3A_125 = arith.constant 1 : i32
    %scan3A_126 = scf.for %scan3A_136 = %scan3A_122 to %scan3A_124 step %scan3A_125 iter_args(%scan3A_137 = %scan3A) -> (i32)  : i32 {
      %mul3A_138 = arith.constant 2 : i32
      %mul3A_139 = arith.muli %scan3A_136, %mul3A_138 : i32
      %add3A_140 = arith.constant 0 : i32
      %add3A_141 = arith.addi %mul3A_139, %add3A_140 : i32
      %dma_wait3A_142 = arith.constant 0 : i32
      %dma_wait3A_143 = tpu.memref_slice %arg3[%dma_wait3A_142] : memref<320000xi32, #tpu.memory_space<hbm>> -> memref<20000xi32, #tpu.memory_space<hbm>>
      %dma_wait3A_144 = arith.constant 0 : i32
      %dma_wait3A_145 = tpu.memref_slice %arg3[%dma_wait3A_144] : memref<320000xi32, #tpu.memory_space<hbm>> -> memref<20000xi32, #tpu.memory_space<hbm>>
      tpu.wait_dma2 semaphore(%arg15 : memref<!tpu.dma_semaphore, #tpu.memory_space<semaphore_mem>>) src(%dma_wait3A_145 : memref<20000xi32, #tpu.memory_space<hbm>>) dst(%arg13 : memref<20000xi32, #tpu.memory_space<vmem>>)
      %parallel_loop3A = arith.constant 0 : i32
      %parallel_loop3A_146 = arith.constant 1250 : i32
      %parallel_loop3A_147 = arith.constant 1 : i32
      scf.for %parallel_loop3A_171 = %parallel_loop3A to %parallel_loop3A_146 step %parallel_loop3A_147  : i32 {
        %parallel_loop3A_172 = arith.constant 16 : i32
        %parallel_loop3A_173 = arith.muli %parallel_loop3A_171, %parallel_loop3A_172 : i32
        %parallel_loop3A_174 = arith.index_cast %parallel_loop3A_173 : i32 to index
        %parallel_loop3A_175 = tpu.vector_load %arg13[%parallel_loop3A_174] {strides = array<i32>} : memref<20000xi32, #tpu.memory_space<vmem>>, vector<16xi32>,
        %parallel_loop3A_176 = arith.andi %parallel_loop3A_175, %broadcast_in_dim3A_121 : vector<16xi32>
        %parallel_loop3A_177 = arith.constant 16 : i32
        %parallel_loop3A_178 = vector.broadcast %parallel_loop3A_177 : i32 to vector<16xi32>
        %parallel_loop3A_179 = arith.shrui %parallel_loop3A_175, %parallel_loop3A_178 : vector<16xi32>
        %parallel_loop3A_180 = tpu.vector_load_idx %arg5[%parallel_loop3A_176] : memref<10000xf32, #tpu.memory_space<vmem>>[vector<16xi32>], vector<16xf32>,
        %parallel_loop3A_181 = tpu.vector_load_idx %arg6[%parallel_loop3A_176] : memref<10000xf32, #tpu.memory_space<vmem>>[vector<16xi32>], vector<16xf32>,
        %parallel_loop3A_182 = tpu.vector_load_idx %arg7[%parallel_loop3A_176] : memref<10000xf32, #tpu.memory_space<vmem>>[vector<16xi32>], vector<16xf32>,
        %parallel_loop3A_183 = tpu.vector_load_idx %arg8[%parallel_loop3A_176] : memref<10000xf32, #tpu.memory_space<vmem>>[vector<16xi32>], vector<16xf32>,
        tpu.vector_store_idx %arg9[%parallel_loop3A_179], %parallel_loop3A_180 {add = true} : memref<10000xf32, #tpu.memory_space<vmem>>[vector<16xi32>], vector<16xf32>,
        tpu.vector_store_idx %arg10[%parallel_loop3A_179], %parallel_loop3A_181 {add = true} : memref<10000xf32, #tpu.memory_space<vmem>>[vector<16xi32>], vector<16xf32>,
        tpu.vector_store_idx %arg11[%parallel_loop3A_179], %parallel_loop3A_182 {add = true} : memref<10000xf32, #tpu.memory_space<vmem>>[vector<16xi32>], vector<16xf32>,
        tpu.vector_store_idx %arg12[%parallel_loop3A_179], %parallel_loop3A_183 {add = true} : memref<10000xf32, #tpu.memory_space<vmem>>[vector<16xi32>], vector<16xf32>,
      } {sc.loop_unroll_factor = 4 : i64, sc.parallel_access}
      %add3A_148 = arith.constant 2 : i32
      %add3A_149 = arith.addi %add3A_141, %add3A_148 : i32
      %lt3A = arith.constant 16 : i32
      %lt3A_150 = arith.cmpi slt, %add3A_149, %lt3A : i32
      %convert_element_type3A = arith.extui %lt3A_150 : i1 to i32
      %cond3A = arith.constant 0 : i32
      %cond3A_151 = arith.cmpi ne, %convert_element_type3A, %cond3A : i32
      scf.if %cond3A_151 {
        %add3A_171 = arith.constant 2 : i32
        %add3A_172 = arith.addi %add3A_141, %add3A_171 : i32
        %mul3A_173 = arith.constant 20000 : i32
        %mul3A_174 = arith.muli %add3A_172, %mul3A_173 : i32
        %dma_start3A_175 = tpu.memref_slice %arg3[%mul3A_174] : memref<320000xi32, #tpu.memory_space<hbm>> -> memref<20000xi32, #tpu.memory_space<hbm>>
        %dma_start3A_176 = tpu.memref_slice %arg3[%mul3A_174] : memref<320000xi32, #tpu.memory_space<hbm>> -> memref<20000xi32, #tpu.memory_space<hbm>>
        tpu.enqueue_dma source(%dma_start3A_176 : memref<20000xi32, #tpu.memory_space<hbm>>) target(%arg13 : memref<20000xi32, #tpu.memory_space<vmem>>) target_semaphore(%arg15 : memref<!tpu.dma_semaphore, #tpu.memory_space<semaphore_mem>>)
      } else {
      }
      %mul3A_152 = arith.constant 2 : i32
      %mul3A_153 = arith.muli %scan3A_136, %mul3A_152 : i32
      %add3A_154 = arith.constant 1 : i32
      %add3A_155 = arith.addi %mul3A_153, %add3A_154 : i32
      %dma_wait3A_156 = arith.constant 0 : i32
      %dma_wait3A_157 = tpu.memref_slice %arg3[%dma_wait3A_156] : memref<320000xi32, #tpu.memory_space<hbm>> -> memref<20000xi32, #tpu.memory_space<hbm>>
      %dma_wait3A_158 = arith.constant 0 : i32
      %dma_wait3A_159 = tpu.memref_slice %arg3[%dma_wait3A_158] : memref<320000xi32, #tpu.memory_space<hbm>> -> memref<20000xi32, #tpu.memory_space<hbm>>
      tpu.wait_dma2 semaphore(%arg16 : memref<!tpu.dma_semaphore, #tpu.memory_space<semaphore_mem>>) src(%dma_wait3A_159 : memref<20000xi32, #tpu.memory_space<hbm>>) dst(%arg14 : memref<20000xi32, #tpu.memory_space<vmem>>)
      %parallel_loop3A_160 = arith.constant 0 : i32
      %parallel_loop3A_161 = arith.constant 1250 : i32
      %parallel_loop3A_162 = arith.constant 1 : i32
      scf.for %parallel_loop3A_171 = %parallel_loop3A_160 to %parallel_loop3A_161 step %parallel_loop3A_162  : i32 {
        %parallel_loop3A_172 = arith.constant 16 : i32
        %parallel_loop3A_173 = arith.muli %parallel_loop3A_171, %parallel_loop3A_172 : i32
        %parallel_loop3A_174 = arith.index_cast %parallel_loop3A_173 : i32 to index
        %parallel_loop3A_175 = tpu.vector_load %arg14[%parallel_loop3A_174] {strides = array<i32>} : memref<20000xi32, #tpu.memory_space<vmem>>, vector<16xi32>,
        %parallel_loop3A_176 = arith.andi %parallel_loop3A_175, %broadcast_in_dim3A_121 : vector<16xi32>
        %parallel_loop3A_177 = arith.constant 16 : i32
        %parallel_loop3A_178 = vector.broadcast %parallel_loop3A_177 : i32 to vector<16xi32>
        %parallel_loop3A_179 = arith.shrui %parallel_loop3A_175, %parallel_loop3A_178 : vector<16xi32>
        %parallel_loop3A_180 = tpu.vector_load_idx %arg5[%parallel_loop3A_176] : memref<10000xf32, #tpu.memory_space<vmem>>[vector<16xi32>], vector<16xf32>,
        %parallel_loop3A_181 = tpu.vector_load_idx %arg6[%parallel_loop3A_176] : memref<10000xf32, #tpu.memory_space<vmem>>[vector<16xi32>], vector<16xf32>,
        %parallel_loop3A_182 = tpu.vector_load_idx %arg7[%parallel_loop3A_176] : memref<10000xf32, #tpu.memory_space<vmem>>[vector<16xi32>], vector<16xf32>,
        %parallel_loop3A_183 = tpu.vector_load_idx %arg8[%parallel_loop3A_176] : memref<10000xf32, #tpu.memory_space<vmem>>[vector<16xi32>], vector<16xf32>,
        tpu.vector_store_idx %arg9[%parallel_loop3A_179], %parallel_loop3A_180 {add = true} : memref<10000xf32, #tpu.memory_space<vmem>>[vector<16xi32>], vector<16xf32>,
        tpu.vector_store_idx %arg10[%parallel_loop3A_179], %parallel_loop3A_181 {add = true} : memref<10000xf32, #tpu.memory_space<vmem>>[vector<16xi32>], vector<16xf32>,
        tpu.vector_store_idx %arg11[%parallel_loop3A_179], %parallel_loop3A_182 {add = true} : memref<10000xf32, #tpu.memory_space<vmem>>[vector<16xi32>], vector<16xf32>,
        tpu.vector_store_idx %arg12[%parallel_loop3A_179], %parallel_loop3A_183 {add = true} : memref<10000xf32, #tpu.memory_space<vmem>>[vector<16xi32>], vector<16xf32>,
      } {sc.loop_unroll_factor = 4 : i64, sc.parallel_access}
      %add3A_163 = arith.constant 2 : i32
      %add3A_164 = arith.addi %add3A_155, %add3A_163 : i32
      %lt3A_165 = arith.constant 16 : i32
      %lt3A_166 = arith.cmpi slt, %add3A_164, %lt3A_165 : i32
      %convert_element_type3A_167 = arith.extui %lt3A_166 : i1 to i32
      %cond3A_168 = arith.constant 0 : i32
      %cond3A_169 = arith.cmpi ne, %convert_element_type3A_167, %cond3A_168 : i32
      scf.if %cond3A_169 {
        %add3A_171 = arith.constant 2 : i32
        %add3A_172 = arith.addi %add3A_155, %add3A_171 : i32
        %mul3A_173 = arith.constant 20000 : i32
        %mul3A_174 = arith.muli %add3A_172, %mul3A_173 : i32
        %dma_start3A_175 = tpu.memref_slice %arg3[%mul3A_174] : memref<320000xi32, #tpu.memory_space<hbm>> -> memref<20000xi32, #tpu.memory_space<hbm>>
        %dma_start3A_176 = tpu.memref_slice %arg3[%mul3A_174] : memref<320000xi32, #tpu.memory_space<hbm>> -> memref<20000xi32, #tpu.memory_space<hbm>>
        tpu.enqueue_dma source(%dma_start3A_176 : memref<20000xi32, #tpu.memory_space<hbm>>) target(%arg14 : memref<20000xi32, #tpu.memory_space<vmem>>) target_semaphore(%arg16 : memref<!tpu.dma_semaphore, #tpu.memory_space<semaphore_mem>>)
      } else {
      }
      %scan3A_170 = arith.constant 0 : i32
      scf.yield %scan3A_170 : i32
    }
    %scan3A_127 = arith.constant 8 : i32
    %add3A_128 = arith.constant 0 : i32
    %add3A_129 = arith.addi %mul3A_2, %add3A_128 : i32
    "tpu.region"() ({
      %run_scoped3A = tpu.sem_alloc : memref<!tpu.dma_semaphore, #tpu.memory_space<semaphore_mem>>
      %dma_start3A_136 = arith.constant 0 : i32
      %dma_start3A_137 = tpu.memref_slice %arg4[%add3A_129, %dma_start3A_136] : memref<128x10000xf32, #tpu.memory_space<hbm>> -> memref<1x10000xf32, #tpu.memory_space<hbm>>
      %dma_start3A_138 = tpu.memref_squeeze %dma_start3A_137 : memref<1x10000xf32, #tpu.memory_space<hbm>> -> memref<10000xf32, #tpu.memory_space<hbm>>
      %dma_start3A_139 = arith.constant 0 : i32
      %dma_start3A_140 = tpu.memref_slice %arg4[%add3A_129, %dma_start3A_139] : memref<128x10000xf32, #tpu.memory_space<hbm>> -> memref<1x10000xf32, #tpu.memory_space<hbm>>
      %dma_start3A_141 = tpu.memref_squeeze %dma_start3A_140 : memref<1x10000xf32, #tpu.memory_space<hbm>> -> memref<10000xf32, #tpu.memory_space<hbm>>
      tpu.enqueue_dma source(%arg9 : memref<10000xf32, #tpu.memory_space<vmem>>) target(%dma_start3A_141 : memref<10000xf32, #tpu.memory_space<hbm>>) target_semaphore(%run_scoped3A : memref<!tpu.dma_semaphore, #tpu.memory_space<semaphore_mem>>)
      %dma_wait3A_142 = arith.constant 0 : i32
      %dma_wait3A_143 = tpu.memref_slice %arg4[%add3A_129, %dma_wait3A_142] : memref<128x10000xf32, #tpu.memory_space<hbm>> -> memref<1x10000xf32, #tpu.memory_space<hbm>>
      %dma_wait3A_144 = tpu.memref_squeeze %dma_wait3A_143 : memref<1x10000xf32, #tpu.memory_space<hbm>> -> memref<10000xf32, #tpu.memory_space<hbm>>
      %dma_wait3A_145 = arith.constant 0 : i32
      %dma_wait3A_146 = tpu.memref_slice %arg4[%add3A_129, %dma_wait3A_145] : memref<128x10000xf32, #tpu.memory_space<hbm>> -> memref<1x10000xf32, #tpu.memory_space<hbm>>
      %dma_wait3A_147 = tpu.memref_squeeze %dma_wait3A_146 : memref<1x10000xf32, #tpu.memory_space<hbm>> -> memref<10000xf32, #tpu.memory_space<hbm>>
      tpu.wait_dma2 semaphore(%run_scoped3A : memref<!tpu.dma_semaphore, #tpu.memory_space<semaphore_mem>>) src(%arg9 : memref<10000xf32, #tpu.memory_space<vmem>>) dst(%dma_wait3A_147 : memref<10000xf32, #tpu.memory_space<hbm>>)
      tpu.yield
    }) : () -> ()
    %add3A_130 = arith.constant 1 : i32
    %add3A_131 = arith.addi %mul3A_2, %add3A_130 : i32
    "tpu.region"() ({
      %run_scoped3A = tpu.sem_alloc : memref<!tpu.dma_semaphore, #tpu.memory_space<semaphore_mem>>
      %dma_start3A_136 = arith.constant 0 : i32
      %dma_start3A_137 = tpu.memref_slice %arg4[%add3A_131, %dma_start3A_136] : memref<128x10000xf32, #tpu.memory_space<hbm>> -> memref<1x10000xf32, #tpu.memory_space<hbm>>
      %dma_start3A_138 = tpu.memref_squeeze %dma_start3A_137 : memref<1x10000xf32, #tpu.memory_space<hbm>> -> memref<10000xf32, #tpu.memory_space<hbm>>
      %dma_start3A_139 = arith.constant 0 : i32
      %dma_start3A_140 = tpu.memref_slice %arg4[%add3A_131, %dma_start3A_139] : memref<128x10000xf32, #tpu.memory_space<hbm>> -> memref<1x10000xf32, #tpu.memory_space<hbm>>
      %dma_start3A_141 = tpu.memref_squeeze %dma_start3A_140 : memref<1x10000xf32, #tpu.memory_space<hbm>> -> memref<10000xf32, #tpu.memory_space<hbm>>
      tpu.enqueue_dma source(%arg10 : memref<10000xf32, #tpu.memory_space<vmem>>) target(%dma_start3A_141 : memref<10000xf32, #tpu.memory_space<hbm>>) target_semaphore(%run_scoped3A : memref<!tpu.dma_semaphore, #tpu.memory_space<semaphore_mem>>)
      %dma_wait3A_142 = arith.constant 0 : i32
      %dma_wait3A_143 = tpu.memref_slice %arg4[%add3A_131, %dma_wait3A_142] : memref<128x10000xf32, #tpu.memory_space<hbm>> -> memref<1x10000xf32, #tpu.memory_space<hbm>>
      %dma_wait3A_144 = tpu.memref_squeeze %dma_wait3A_143 : memref<1x10000xf32, #tpu.memory_space<hbm>> -> memref<10000xf32, #tpu.memory_space<hbm>>
      %dma_wait3A_145 = arith.constant 0 : i32
      %dma_wait3A_146 = tpu.memref_slice %arg4[%add3A_131, %dma_wait3A_145] : memref<128x10000xf32, #tpu.memory_space<hbm>> -> memref<1x10000xf32, #tpu.memory_space<hbm>>
      %dma_wait3A_147 = tpu.memref_squeeze %dma_wait3A_146 : memref<1x10000xf32, #tpu.memory_space<hbm>> -> memref<10000xf32, #tpu.memory_space<hbm>>
      tpu.wait_dma2 semaphore(%run_scoped3A : memref<!tpu.dma_semaphore, #tpu.memory_space<semaphore_mem>>) src(%arg10 : memref<10000xf32, #tpu.memory_space<vmem>>) dst(%dma_wait3A_147 : memref<10000xf32, #tpu.memory_space<hbm>>)
      tpu.yield
    }) : () -> ()
    %add3A_132 = arith.constant 2 : i32
    %add3A_133 = arith.addi %mul3A_2, %add3A_132 : i32
    "tpu.region"() ({
      %run_scoped3A = tpu.sem_alloc : memref<!tpu.dma_semaphore, #tpu.memory_space<semaphore_mem>>
      %dma_start3A_136 = arith.constant 0 : i32
      %dma_start3A_137 = tpu.memref_slice %arg4[%add3A_133, %dma_start3A_136] : memref<128x10000xf32, #tpu.memory_space<hbm>> -> memref<1x10000xf32, #tpu.memory_space<hbm>>
      %dma_start3A_138 = tpu.memref_squeeze %dma_start3A_137 : memref<1x10000xf32, #tpu.memory_space<hbm>> -> memref<10000xf32, #tpu.memory_space<hbm>>
      %dma_start3A_139 = arith.constant 0 : i32
      %dma_start3A_140 = tpu.memref_slice %arg4[%add3A_133, %dma_start3A_139] : memref<128x10000xf32, #tpu.memory_space<hbm>> -> memref<1x10000xf32, #tpu.memory_space<hbm>>
      %dma_start3A_141 = tpu.memref_squeeze %dma_start3A_140 : memref<1x10000xf32, #tpu.memory_space<hbm>> -> memref<10000xf32, #tpu.memory_space<hbm>>
      tpu.enqueue_dma source(%arg11 : memref<10000xf32, #tpu.memory_space<vmem>>) target(%dma_start3A_141 : memref<10000xf32, #tpu.memory_space<hbm>>) target_semaphore(%run_scoped3A : memref<!tpu.dma_semaphore, #tpu.memory_space<semaphore_mem>>)
      %dma_wait3A_142 = arith.constant 0 : i32
      %dma_wait3A_143 = tpu.memref_slice %arg4[%add3A_133, %dma_wait3A_142] : memref<128x10000xf32, #tpu.memory_space<hbm>> -> memref<1x10000xf32, #tpu.memory_space<hbm>>
      %dma_wait3A_144 = tpu.memref_squeeze %dma_wait3A_143 : memref<1x10000xf32, #tpu.memory_space<hbm>> -> memref<10000xf32, #tpu.memory_space<hbm>>
      %dma_wait3A_145 = arith.constant 0 : i32
      %dma_wait3A_146 = tpu.memref_slice %arg4[%add3A_133, %dma_wait3A_145] : memref<128x10000xf32, #tpu.memory_space<hbm>> -> memref<1x10000xf32, #tpu.memory_space<hbm>>
      %dma_wait3A_147 = tpu.memref_squeeze %dma_wait3A_146 : memref<1x10000xf32, #tpu.memory_space<hbm>> -> memref<10000xf32, #tpu.memory_space<hbm>>
      tpu.wait_dma2 semaphore(%run_scoped3A : memref<!tpu.dma_semaphore, #tpu.memory_space<semaphore_mem>>) src(%arg11 : memref<10000xf32, #tpu.memory_space<vmem>>) dst(%dma_wait3A_147 : memref<10000xf32, #tpu.memory_space<hbm>>)
      tpu.yield
    }) : () -> ()
    %add3A_134 = arith.constant 3 : i32
    %add3A_135 = arith.addi %mul3A_2, %add3A_134 : i32
    "tpu.region"() ({
      %run_scoped3A = tpu.sem_alloc : memref<!tpu.dma_semaphore, #tpu.memory_space<semaphore_mem>>
      %dma_start3A_136 = arith.constant 0 : i32
      %dma_start3A_137 = tpu.memref_slice %arg4[%add3A_135, %dma_start3A_136] : memref<128x10000xf32, #tpu.memory_space<hbm>> -> memref<1x10000xf32, #tpu.memory_space<hbm>>
      %dma_start3A_138 = tpu.memref_squeeze %dma_start3A_137 : memref<1x10000xf32, #tpu.memory_space<hbm>> -> memref<10000xf32, #tpu.memory_space<hbm>>
      %dma_start3A_139 = arith.constant 0 : i32
      %dma_start3A_140 = tpu.memref_slice %arg4[%add3A_135, %dma_start3A_139] : memref<128x10000xf32, #tpu.memory_space<hbm>> -> memref<1x10000xf32, #tpu.memory_space<hbm>>
      %dma_start3A_141 = tpu.memref_squeeze %dma_start3A_140 : memref<1x10000xf32, #tpu.memory_space<hbm>> -> memref<10000xf32, #tpu.memory_space<hbm>>
      tpu.enqueue_dma source(%arg12 : memref<10000xf32, #tpu.memory_space<vmem>>) target(%dma_start3A_141 : memref<10000xf32, #tpu.memory_space<hbm>>) target_semaphore(%run_scoped3A : memref<!tpu.dma_semaphore, #tpu.memory_space<semaphore_mem>>)
      %dma_wait3A_142 = arith.constant 0 : i32
      %dma_wait3A_143 = tpu.memref_slice %arg4[%add3A_135, %dma_wait3A_142] : memref<128x10000xf32, #tpu.memory_space<hbm>> -> memref<1x10000xf32, #tpu.memory_space<hbm>>
      %dma_wait3A_144 = tpu.memref_squeeze %dma_wait3A_143 : memref<1x10000xf32, #tpu.memory_space<hbm>> -> memref<10000xf32, #tpu.memory_space<hbm>>
      %dma_wait3A_145 = arith.constant 0 : i32
      %dma_wait3A_146 = tpu.memref_slice %arg4[%add3A_135, %dma_wait3A_145] : memref<128x10000xf32, #tpu.memory_space<hbm>> -> memref<1x10000xf32, #tpu.memory_space<hbm>>
      %dma_wait3A_147 = tpu.memref_squeeze %dma_wait3A_146 : memref<1x10000xf32, #tpu.memory_space<hbm>> -> memref<10000xf32, #tpu.memory_space<hbm>>
      tpu.wait_dma2 semaphore(%run_scoped3A : memref<!tpu.dma_semaphore, #tpu.memory_space<semaphore_mem>>) src(%arg12 : memref<10000xf32, #tpu.memory_space<vmem>>) dst(%dma_wait3A_147 : memref<10000xf32, #tpu.memory_space<hbm>>)
      tpu.yield
    }) : () -> ()
    return
  }
}

#map = affine_map<(d0, d1) -> (0, 0)>
#map1 = affine_map<(d0, d1) -> (0)>
module attributes {stable_mosaic.version = 14 : i64} {
  func.func @_agg_kernel(%arg0: i32, %arg1: i32, %arg2: memref<128x10000xf32, #tpu.memory_space<hbm>>, %arg3: memref<320000xi32, #tpu.memory_space<hbm>>, %arg4: memref<128x10000xf32, #tpu.memory_space<hbm>>, %arg5: memref<10000xf32, #tpu.memory_space<vmem>>, %arg6: memref<10000xf32, #tpu.memory_space<vmem>>, %arg7: memref<10000xf32, #tpu.memory_space<vmem>>, %arg8: memref<10000xf32, #tpu.memory_space<vmem>>, %arg9: memref<10000xf32, #tpu.memory_space<vmem>>, %arg10: memref<10000xf32, #tpu.memory_space<vmem>>, %arg11: memref<10000xf32, #tpu.memory_space<vmem>>, %arg12: memref<10000xf32, #tpu.memory_space<vmem>>, %arg13: memref<20000xi32, #tpu.memory_space<vmem>>, %arg14: memref<20000xi32, #tpu.memory_space<vmem>>, %arg15: memref<!tpu.dma_semaphore, #tpu.memory_space<semaphore_mem>>, %arg16: memref<!tpu.dma_semaphore, #tpu.memory_space<semaphore_mem>>, %arg17: memref<!tpu.dma_semaphore, #tpu.memory_space<semaphore_mem>>) attributes {dimension_semantics = [#tpu.dimension_semantics<core_parallel>, #tpu.dimension_semantics<subcore_parallel>], iteration_bounds = array<i64: 2, 16>, scalar_prefetch = 0 : i64, scratch_operands = 13 : i64, tpu.core_type = #tpu.core_type<sc_vector_subcore>, window_params = [{transform_indices = #map}, {transform_indices = #map1}, {transform_indices = #map}]} {
    %mul3A = arith.constant 2 : i32
    %mul3A_0 = arith.muli %arg1, %mul3A : i32
    %add3A = arith.addi %mul3A_0, %arg0 : i32
    %mul3A_1 = arith.constant 4 : i32
    %mul3A_2 = arith.muli %add3A, %mul3A_1 : i32
    %add3A_3 = arith.constant 0 : i32
    %add3A_4 = arith.addi %mul3A_2, %add3A_3 : i32
    %dma_start3A = arith.constant 0 : i32
    %dma_start3A_5 = tpu.memref_slice %arg2[%add3A_4, %dma_start3A] : memref<128x10000xf32, #tpu.memory_space<hbm>> -> memref<1x10000xf32, #tpu.memory_space<hbm>>
    %dma_start3A_6 = tpu.memref_squeeze %dma_start3A_5 : memref<1x10000xf32, #tpu.memory_space<hbm>> -> memref<10000xf32, #tpu.memory_space<hbm>>
    %dma_start3A_7 = arith.constant 0 : i32
    %dma_start3A_8 = tpu.memref_slice %arg2[%add3A_4, %dma_start3A_7] : memref<128x10000xf32, #tpu.memory_space<hbm>> -> memref<1x10000xf32, #tpu.memory_space<hbm>>
    %dma_start3A_9 = tpu.memref_squeeze %dma_start3A_8 : memref<1x10000xf32, #tpu.memory_space<hbm>> -> memref<10000xf32, #tpu.memory_space<hbm>>
    tpu.enqueue_dma source(%dma_start3A_9 : memref<10000xf32, #tpu.memory_space<hbm>>) target(%arg5 : memref<10000xf32, #tpu.memory_space<vmem>>) target_semaphore(%arg17 : memref<!tpu.dma_semaphore, #tpu.memory_space<semaphore_mem>>)
    %dma_start3A_10 = arith.constant 0 : i32
    %dma_start3A_11 = tpu.memref_slice %arg2[%add3A_4, %dma_start3A_10] : memref<128x10000xf32, #tpu.memory_space<hbm>> -> memref<1x10000xf32, #tpu.memory_space<hbm>>
    %dma_start3A_12 = tpu.memref_squeeze %dma_start3A_11 : memref<1x10000xf32, #tpu.memory_space<hbm>> -> memref<10000xf32, #tpu.memory_space<hbm>>
    %dma_start3A_13 = arith.constant 0 : i32
    %dma_start3A_14 = tpu.memref_slice %arg2[%add3A_4, %dma_start3A_13] : memref<128x10000xf32, #tpu.memory_space<hbm>> -> memref<1x10000xf32, #tpu.memory_space<hbm>>
    %dma_start3A_15 = tpu.memref_squeeze %dma_start3A_14 : memref<1x10000xf32, #tpu.memory_space<hbm>> -> memref<10000xf32, #tpu.memory_space<hbm>>
    tpu.enqueue_dma source(%dma_start3A_15 : memref<10000xf32, #tpu.memory_space<hbm>>) target(%arg9 : memref<10000xf32, #tpu.memory_space<vmem>>) target_semaphore(%arg17 : memref<!tpu.dma_semaphore, #tpu.memory_space<semaphore_mem>>)
    %add3A_16 = arith.constant 1 : i32
    %add3A_17 = arith.addi %mul3A_2, %add3A_16 : i32
    %dma_start3A_18 = arith.constant 0 : i32
    %dma_start3A_19 = tpu.memref_slice %arg2[%add3A_17, %dma_start3A_18] : memref<128x10000xf32, #tpu.memory_space<hbm>> -> memref<1x10000xf32, #tpu.memory_space<hbm>>
    %dma_start3A_20 = tpu.memref_squeeze %dma_start3A_19 : memref<1x10000xf32, #tpu.memory_space<hbm>> -> memref<10000xf32, #tpu.memory_space<hbm>>
    %dma_start3A_21 = arith.constant 0 : i32
    %dma_start3A_22 = tpu.memref_slice %arg2[%add3A_17, %dma_start3A_21] : memref<128x10000xf32, #tpu.memory_space<hbm>> -> memref<1x10000xf32, #tpu.memory_space<hbm>>
    %dma_start3A_23 = tpu.memref_squeeze %dma_start3A_22 : memref<1x10000xf32, #tpu.memory_space<hbm>> -> memref<10000xf32, #tpu.memory_space<hbm>>
    tpu.enqueue_dma source(%dma_start3A_23 : memref<10000xf32, #tpu.memory_space<hbm>>) target(%arg6 : memref<10000xf32, #tpu.memory_space<vmem>>) target_semaphore(%arg17 : memref<!tpu.dma_semaphore, #tpu.memory_space<semaphore_mem>>)
    %dma_start3A_24 = arith.constant 0 : i32
    %dma_start3A_25 = tpu.memref_slice %arg2[%add3A_17, %dma_start3A_24] : memref<128x10000xf32, #tpu.memory_space<hbm>> -> memref<1x10000xf32, #tpu.memory_space<hbm>>
    %dma_start3A_26 = tpu.memref_squeeze %dma_start3A_25 : memref<1x10000xf32, #tpu.memory_space<hbm>> -> memref<10000xf32, #tpu.memory_space<hbm>>
    %dma_start3A_27 = arith.constant 0 : i32
    %dma_start3A_28 = tpu.memref_slice %arg2[%add3A_17, %dma_start3A_27] : memref<128x10000xf32, #tpu.memory_space<hbm>> -> memref<1x10000xf32, #tpu.memory_space<hbm>>
    %dma_start3A_29 = tpu.memref_squeeze %dma_start3A_28 : memref<1x10000xf32, #tpu.memory_space<hbm>> -> memref<10000xf32, #tpu.memory_space<hbm>>
    tpu.enqueue_dma source(%dma_start3A_29 : memref<10000xf32, #tpu.memory_space<hbm>>) target(%arg10 : memref<10000xf32, #tpu.memory_space<vmem>>) target_semaphore(%arg17 : memref<!tpu.dma_semaphore, #tpu.memory_space<semaphore_mem>>)
    %add3A_30 = arith.constant 2 : i32
    %add3A_31 = arith.addi %mul3A_2, %add3A_30 : i32
    %dma_start3A_32 = arith.constant 0 : i32
    %dma_start3A_33 = tpu.memref_slice %arg2[%add3A_31, %dma_start3A_32] : memref<128x10000xf32, #tpu.memory_space<hbm>> -> memref<1x10000xf32, #tpu.memory_space<hbm>>
    %dma_start3A_34 = tpu.memref_squeeze %dma_start3A_33 : memref<1x10000xf32, #tpu.memory_space<hbm>> -> memref<10000xf32, #tpu.memory_space<hbm>>
    %dma_start3A_35 = arith.constant 0 : i32
    %dma_start3A_36 = tpu.memref_slice %arg2[%add3A_31, %dma_start3A_35] : memref<128x10000xf32, #tpu.memory_space<hbm>> -> memref<1x10000xf32, #tpu.memory_space<hbm>>
    %dma_start3A_37 = tpu.memref_squeeze %dma_start3A_36 : memref<1x10000xf32, #tpu.memory_space<hbm>> -> memref<10000xf32, #tpu.memory_space<hbm>>
    tpu.enqueue_dma source(%dma_start3A_37 : memref<10000xf32, #tpu.memory_space<hbm>>) target(%arg7 : memref<10000xf32, #tpu.memory_space<vmem>>) target_semaphore(%arg17 : memref<!tpu.dma_semaphore, #tpu.memory_space<semaphore_mem>>)
    %dma_start3A_38 = arith.constant 0 : i32
    %dma_start3A_39 = tpu.memref_slice %arg2[%add3A_31, %dma_start3A_38] : memref<128x10000xf32, #tpu.memory_space<hbm>> -> memref<1x10000xf32, #tpu.memory_space<hbm>>
    %dma_start3A_40 = tpu.memref_squeeze %dma_start3A_39 : memref<1x10000xf32, #tpu.memory_space<hbm>> -> memref<10000xf32, #tpu.memory_space<hbm>>
    %dma_start3A_41 = arith.constant 0 : i32
    %dma_start3A_42 = tpu.memref_slice %arg2[%add3A_31, %dma_start3A_41] : memref<128x10000xf32, #tpu.memory_space<hbm>> -> memref<1x10000xf32, #tpu.memory_space<hbm>>
    %dma_start3A_43 = tpu.memref_squeeze %dma_start3A_42 : memref<1x10000xf32, #tpu.memory_space<hbm>> -> memref<10000xf32, #tpu.memory_space<hbm>>
    tpu.enqueue_dma source(%dma_start3A_43 : memref<10000xf32, #tpu.memory_space<hbm>>) target(%arg11 : memref<10000xf32, #tpu.memory_space<vmem>>) target_semaphore(%arg17 : memref<!tpu.dma_semaphore, #tpu.memory_space<semaphore_mem>>)
    %add3A_44 = arith.constant 3 : i32
    %add3A_45 = arith.addi %mul3A_2, %add3A_44 : i32
    %dma_start3A_46 = arith.constant 0 : i32
    %dma_start3A_47 = tpu.memref_slice %arg2[%add3A_45, %dma_start3A_46] : memref<128x10000xf32, #tpu.memory_space<hbm>> -> memref<1x10000xf32, #tpu.memory_space<hbm>>
    %dma_start3A_48 = tpu.memref_squeeze %dma_start3A_47 : memref<1x10000xf32, #tpu.memory_space<hbm>> -> memref<10000xf32, #tpu.memory_space<hbm>>
    %dma_start3A_49 = arith.constant 0 : i32
    %dma_start3A_50 = tpu.memref_slice %arg2[%add3A_45, %dma_start3A_49] : memref<128x10000xf32, #tpu.memory_space<hbm>> -> memref<1x10000xf32, #tpu.memory_space<hbm>>
    %dma_start3A_51 = tpu.memref_squeeze %dma_start3A_50 : memref<1x10000xf32, #tpu.memory_space<hbm>> -> memref<10000xf32, #tpu.memory_space<hbm>>
    tpu.enqueue_dma source(%dma_start3A_51 : memref<10000xf32, #tpu.memory_space<hbm>>) target(%arg8 : memref<10000xf32, #tpu.memory_space<vmem>>) target_semaphore(%arg17 : memref<!tpu.dma_semaphore, #tpu.memory_space<semaphore_mem>>)
    %dma_start3A_52 = arith.constant 0 : i32
    %dma_start3A_53 = tpu.memref_slice %arg2[%add3A_45, %dma_start3A_52] : memref<128x10000xf32, #tpu.memory_space<hbm>> -> memref<1x10000xf32, #tpu.memory_space<hbm>>
    %dma_start3A_54 = tpu.memref_squeeze %dma_start3A_53 : memref<1x10000xf32, #tpu.memory_space<hbm>> -> memref<10000xf32, #tpu.memory_space<hbm>>
    %dma_start3A_55 = arith.constant 0 : i32
    %dma_start3A_56 = tpu.memref_slice %arg2[%add3A_45, %dma_start3A_55] : memref<128x10000xf32, #tpu.memory_space<hbm>> -> memref<1x10000xf32, #tpu.memory_space<hbm>>
    %dma_start3A_57 = tpu.memref_squeeze %dma_start3A_56 : memref<1x10000xf32, #tpu.memory_space<hbm>> -> memref<10000xf32, #tpu.memory_space<hbm>>
    tpu.enqueue_dma source(%dma_start3A_57 : memref<10000xf32, #tpu.memory_space<hbm>>) target(%arg12 : memref<10000xf32, #tpu.memory_space<vmem>>) target_semaphore(%arg17 : memref<!tpu.dma_semaphore, #tpu.memory_space<semaphore_mem>>)
    %dma_start3A_58 = arith.constant 0 : i32
    %dma_start3A_59 = tpu.memref_slice %arg3[%dma_start3A_58] : memref<320000xi32, #tpu.memory_space<hbm>> -> memref<20000xi32, #tpu.memory_space<hbm>>
    %dma_start3A_60 = arith.constant 0 : i32
    %dma_start3A_61 = tpu.memref_slice %arg3[%dma_start3A_60] : memref<320000xi32, #tpu.memory_space<hbm>> -> memref<20000xi32, #tpu.memory_space<hbm>>
    tpu.enqueue_dma source(%dma_start3A_61 : memref<20000xi32, #tpu.memory_space<hbm>>) target(%arg13 : memref<20000xi32, #tpu.memory_space<vmem>>) target_semaphore(%arg15 : memref<!tpu.dma_semaphore, #tpu.memory_space<semaphore_mem>>)
    %dma_start3A_62 = arith.constant 20000 : i32
    %dma_start3A_63 = tpu.memref_slice %arg3[%dma_start3A_62] : memref<320000xi32, #tpu.memory_space<hbm>> -> memref<20000xi32, #tpu.memory_space<hbm>>
    %dma_start3A_64 = arith.constant 20000 : i32
    %dma_start3A_65 = tpu.memref_slice %arg3[%dma_start3A_64] : memref<320000xi32, #tpu.memory_space<hbm>> -> memref<20000xi32, #tpu.memory_space<hbm>>
    tpu.enqueue_dma source(%dma_start3A_65 : memref<20000xi32, #tpu.memory_space<hbm>>) target(%arg14 : memref<20000xi32, #tpu.memory_space<vmem>>) target_semaphore(%arg16 : memref<!tpu.dma_semaphore, #tpu.memory_space<semaphore_mem>>)
    %add3A_66 = arith.constant 0 : i32
    %add3A_67 = arith.addi %mul3A_2, %add3A_66 : i32
    %dma_wait3A = arith.constant 0 : i32
    %dma_wait3A_68 = tpu.memref_slice %arg2[%add3A_67, %dma_wait3A] : memref<128x10000xf32, #tpu.memory_space<hbm>> -> memref<1x10000xf32, #tpu.memory_space<hbm>>
    %dma_wait3A_69 = tpu.memref_squeeze %dma_wait3A_68 : memref<1x10000xf32, #tpu.memory_space<hbm>> -> memref<10000xf32, #tpu.memory_space<hbm>>
    %dma_wait3A_70 = arith.constant 0 : i32
    %dma_wait3A_71 = tpu.memref_slice %arg2[%add3A_67, %dma_wait3A_70] : memref<128x10000xf32, #tpu.memory_space<hbm>> -> memref<1x10000xf32, #tpu.memory_space<hbm>>
    %dma_wait3A_72 = tpu.memref_squeeze %dma_wait3A_71 : memref<1x10000xf32, #tpu.memory_space<hbm>> -> memref<10000xf32, #tpu.memory_space<hbm>>
    tpu.wait_dma2 semaphore(%arg17 : memref<!tpu.dma_semaphore, #tpu.memory_space<semaphore_mem>>) src(%dma_wait3A_72 : memref<10000xf32, #tpu.memory_space<hbm>>) dst(%arg5 : memref<10000xf32, #tpu.memory_space<vmem>>)
    %dma_wait3A_73 = arith.constant 0 : i32
    %dma_wait3A_74 = tpu.memref_slice %arg2[%add3A_67, %dma_wait3A_73] : memref<128x10000xf32, #tpu.memory_space<hbm>> -> memref<1x10000xf32, #tpu.memory_space<hbm>>
    %dma_wait3A_75 = tpu.memref_squeeze %dma_wait3A_74 : memref<1x10000xf32, #tpu.memory_space<hbm>> -> memref<10000xf32, #tpu.memory_space<hbm>>
    %dma_wait3A_76 = arith.constant 0 : i32
    %dma_wait3A_77 = tpu.memref_slice %arg2[%add3A_67, %dma_wait3A_76] : memref<128x10000xf32, #tpu.memory_space<hbm>> -> memref<1x10000xf32, #tpu.memory_space<hbm>>
    %dma_wait3A_78 = tpu.memref_squeeze %dma_wait3A_77 : memref<1x10000xf32, #tpu.memory_space<hbm>> -> memref<10000xf32, #tpu.memory_space<hbm>>
    tpu.wait_dma2 semaphore(%arg17 : memref<!tpu.dma_semaphore, #tpu.memory_space<semaphore_mem>>) src(%dma_wait3A_78 : memref<10000xf32, #tpu.memory_space<hbm>>) dst(%arg9 : memref<10000xf32, #tpu.memory_space<vmem>>)
    %add3A_79 = arith.constant 1 : i32
    %add3A_80 = arith.addi %mul3A_2, %add3A_79 : i32
    %dma_wait3A_81 = arith.constant 0 : i32
    %dma_wait3A_82 = tpu.memref_slice %arg2[%add3A_80, %dma_wait3A_81] : memref<128x10000xf32, #tpu.memory_space<hbm>> -> memref<1x10000xf32, #tpu.memory_space<hbm>>
    %dma_wait3A_83 = tpu.memref_squeeze %dma_wait3A_82 : memref<1x10000xf32, #tpu.memory_space<hbm>> -> memref<10000xf32, #tpu.memory_space<hbm>>
    %dma_wait3A_84 = arith.constant 0 : i32
    %dma_wait3A_85 = tpu.memref_slice %arg2[%add3A_80, %dma_wait3A_84] : memref<128x10000xf32, #tpu.memory_space<hbm>> -> memref<1x10000xf32, #tpu.memory_space<hbm>>
    %dma_wait3A_86 = tpu.memref_squeeze %dma_wait3A_85 : memref<1x10000xf32, #tpu.memory_space<hbm>> -> memref<10000xf32, #tpu.memory_space<hbm>>
    tpu.wait_dma2 semaphore(%arg17 : memref<!tpu.dma_semaphore, #tpu.memory_space<semaphore_mem>>) src(%dma_wait3A_86 : memref<10000xf32, #tpu.memory_space<hbm>>) dst(%arg6 : memref<10000xf32, #tpu.memory_space<vmem>>)
    %dma_wait3A_87 = arith.constant 0 : i32
    %dma_wait3A_88 = tpu.memref_slice %arg2[%add3A_80, %dma_wait3A_87] : memref<128x10000xf32, #tpu.memory_space<hbm>> -> memref<1x10000xf32, #tpu.memory_space<hbm>>
    %dma_wait3A_89 = tpu.memref_squeeze %dma_wait3A_88 : memref<1x10000xf32, #tpu.memory_space<hbm>> -> memref<10000xf32, #tpu.memory_space<hbm>>
    %dma_wait3A_90 = arith.constant 0 : i32
    %dma_wait3A_91 = tpu.memref_slice %arg2[%add3A_80, %dma_wait3A_90] : memref<128x10000xf32, #tpu.memory_space<hbm>> -> memref<1x10000xf32, #tpu.memory_space<hbm>>
    %dma_wait3A_92 = tpu.memref_squeeze %dma_wait3A_91 : memref<1x10000xf32, #tpu.memory_space<hbm>> -> memref<10000xf32, #tpu.memory_space<hbm>>
    tpu.wait_dma2 semaphore(%arg17 : memref<!tpu.dma_semaphore, #tpu.memory_space<semaphore_mem>>) src(%dma_wait3A_92 : memref<10000xf32, #tpu.memory_space<hbm>>) dst(%arg10 : memref<10000xf32, #tpu.memory_space<vmem>>)
    %add3A_93 = arith.constant 2 : i32
    %add3A_94 = arith.addi %mul3A_2, %add3A_93 : i32
    %dma_wait3A_95 = arith.constant 0 : i32
    %dma_wait3A_96 = tpu.memref_slice %arg2[%add3A_94, %dma_wait3A_95] : memref<128x10000xf32, #tpu.memory_space<hbm>> -> memref<1x10000xf32, #tpu.memory_space<hbm>>
    %dma_wait3A_97 = tpu.memref_squeeze %dma_wait3A_96 : memref<1x10000xf32, #tpu.memory_space<hbm>> -> memref<10000xf32, #tpu.memory_space<hbm>>
    %dma_wait3A_98 = arith.constant 0 : i32
    %dma_wait3A_99 = tpu.memref_slice %arg2[%add3A_94, %dma_wait3A_98] : memref<128x10000xf32, #tpu.memory_space<hbm>> -> memref<1x10000xf32, #tpu.memory_space<hbm>>
    %dma_wait3A_100 = tpu.memref_squeeze %dma_wait3A_99 : memref<1x10000xf32, #tpu.memory_space<hbm>> -> memref<10000xf32, #tpu.memory_space<hbm>>
    tpu.wait_dma2 semaphore(%arg17 : memref<!tpu.dma_semaphore, #tpu.memory_space<semaphore_mem>>) src(%dma_wait3A_100 : memref<10000xf32, #tpu.memory_space<hbm>>) dst(%arg7 : memref<10000xf32, #tpu.memory_space<vmem>>)
    %dma_wait3A_101 = arith.constant 0 : i32
    %dma_wait3A_102 = tpu.memref_slice %arg2[%add3A_94, %dma_wait3A_101] : memref<128x10000xf32, #tpu.memory_space<hbm>> -> memref<1x10000xf32, #tpu.memory_space<hbm>>
    %dma_wait3A_103 = tpu.memref_squeeze %dma_wait3A_102 : memref<1x10000xf32, #tpu.memory_space<hbm>> -> memref<10000xf32, #tpu.memory_space<hbm>>
    %dma_wait3A_104 = arith.constant 0 : i32
    %dma_wait3A_105 = tpu.memref_slice %arg2[%add3A_94, %dma_wait3A_104] : memref<128x10000xf32, #tpu.memory_space<hbm>> -> memref<1x10000xf32, #tpu.memory_space<hbm>>
    %dma_wait3A_106 = tpu.memref_squeeze %dma_wait3A_105 : memref<1x10000xf32, #tpu.memory_space<hbm>> -> memref<10000xf32, #tpu.memory_space<hbm>>
    tpu.wait_dma2 semaphore(%arg17 : memref<!tpu.dma_semaphore, #tpu.memory_space<semaphore_mem>>) src(%dma_wait3A_106 : memref<10000xf32, #tpu.memory_space<hbm>>) dst(%arg11 : memref<10000xf32, #tpu.memory_space<vmem>>)
    %add3A_107 = arith.constant 3 : i32
    %add3A_108 = arith.addi %mul3A_2, %add3A_107 : i32
    %dma_wait3A_109 = arith.constant 0 : i32
    %dma_wait3A_110 = tpu.memref_slice %arg2[%add3A_108, %dma_wait3A_109] : memref<128x10000xf32, #tpu.memory_space<hbm>> -> memref<1x10000xf32, #tpu.memory_space<hbm>>
    %dma_wait3A_111 = tpu.memref_squeeze %dma_wait3A_110 : memref<1x10000xf32, #tpu.memory_space<hbm>> -> memref<10000xf32, #tpu.memory_space<hbm>>
    %dma_wait3A_112 = arith.constant 0 : i32
    %dma_wait3A_113 = tpu.memref_slice %arg2[%add3A_108, %dma_wait3A_112] : memref<128x10000xf32, #tpu.memory_space<hbm>> -> memref<1x10000xf32, #tpu.memory_space<hbm>>
    %dma_wait3A_114 = tpu.memref_squeeze %dma_wait3A_113 : memref<1x10000xf32, #tpu.memory_space<hbm>> -> memref<10000xf32, #tpu.memory_space<hbm>>
    tpu.wait_dma2 semaphore(%arg17 : memref<!tpu.dma_semaphore, #tpu.memory_space<semaphore_mem>>) src(%dma_wait3A_114 : memref<10000xf32, #tpu.memory_space<hbm>>) dst(%arg8 : memref<10000xf32, #tpu.memory_space<vmem>>)
    %dma_wait3A_115 = arith.constant 0 : i32
    %dma_wait3A_116 = tpu.memref_slice %arg2[%add3A_108, %dma_wait3A_115] : memref<128x10000xf32, #tpu.memory_space<hbm>> -> memref<1x10000xf32, #tpu.memory_space<hbm>>
    %dma_wait3A_117 = tpu.memref_squeeze %dma_wait3A_116 : memref<1x10000xf32, #tpu.memory_space<hbm>> -> memref<10000xf32, #tpu.memory_space<hbm>>
    %dma_wait3A_118 = arith.constant 0 : i32
    %dma_wait3A_119 = tpu.memref_slice %arg2[%add3A_108, %dma_wait3A_118] : memref<128x10000xf32, #tpu.memory_space<hbm>> -> memref<1x10000xf32, #tpu.memory_space<hbm>>
    %dma_wait3A_120 = tpu.memref_squeeze %dma_wait3A_119 : memref<1x10000xf32, #tpu.memory_space<hbm>> -> memref<10000xf32, #tpu.memory_space<hbm>>
    tpu.wait_dma2 semaphore(%arg17 : memref<!tpu.dma_semaphore, #tpu.memory_space<semaphore_mem>>) src(%dma_wait3A_120 : memref<10000xf32, #tpu.memory_space<hbm>>) dst(%arg12 : memref<10000xf32, #tpu.memory_space<vmem>>)
    %broadcast_in_dim3A = arith.constant 65535 : i32
    %broadcast_in_dim3A_121 = vector.broadcast %broadcast_in_dim3A : i32 to vector<16xi32>
    %scan3A = arith.constant 0 : i32
    %scan3A_122 = arith.constant 0 : i32
    %scan3A_123 = arith.constant 8 : i32
    %scan3A_124 = arith.addi %scan3A_122, %scan3A_123 : i32
    %scan3A_125 = arith.constant 1 : i32
    %scan3A_126 = scf.for %scan3A_136 = %scan3A_122 to %scan3A_124 step %scan3A_125 iter_args(%scan3A_137 = %scan3A) -> (i32)  : i32 {
      %mul3A_138 = arith.constant 2 : i32
      %mul3A_139 = arith.muli %scan3A_136, %mul3A_138 : i32
      %add3A_140 = arith.constant 0 : i32
      %add3A_141 = arith.addi %mul3A_139, %add3A_140 : i32
      %dma_wait3A_142 = arith.constant 0 : i32
      %dma_wait3A_143 = tpu.memref_slice %arg3[%dma_wait3A_142] : memref<320000xi32, #tpu.memory_space<hbm>> -> memref<20000xi32, #tpu.memory_space<hbm>>
      %dma_wait3A_144 = arith.constant 0 : i32
      %dma_wait3A_145 = tpu.memref_slice %arg3[%dma_wait3A_144] : memref<320000xi32, #tpu.memory_space<hbm>> -> memref<20000xi32, #tpu.memory_space<hbm>>
      tpu.wait_dma2 semaphore(%arg15 : memref<!tpu.dma_semaphore, #tpu.memory_space<semaphore_mem>>) src(%dma_wait3A_145 : memref<20000xi32, #tpu.memory_space<hbm>>) dst(%arg13 : memref<20000xi32, #tpu.memory_space<vmem>>)
      %parallel_loop3A = arith.constant 0 : i32
      %parallel_loop3A_146 = arith.constant 1250 : i32
      %parallel_loop3A_147 = arith.constant 1 : i32
      scf.for %parallel_loop3A_171 = %parallel_loop3A to %parallel_loop3A_146 step %parallel_loop3A_147  : i32 {
        %parallel_loop3A_172 = arith.constant 16 : i32
        %parallel_loop3A_173 = arith.muli %parallel_loop3A_171, %parallel_loop3A_172 : i32
        %parallel_loop3A_174 = arith.index_cast %parallel_loop3A_173 : i32 to index
        %parallel_loop3A_175 = tpu.vector_load %arg13[%parallel_loop3A_174] {strides = array<i32>} : memref<20000xi32, #tpu.memory_space<vmem>>, vector<16xi32>,
        %parallel_loop3A_176 = arith.andi %parallel_loop3A_175, %broadcast_in_dim3A_121 : vector<16xi32>
        %parallel_loop3A_177 = arith.constant 16 : i32
        %parallel_loop3A_178 = vector.broadcast %parallel_loop3A_177 : i32 to vector<16xi32>
        %parallel_loop3A_179 = arith.shrui %parallel_loop3A_175, %parallel_loop3A_178 : vector<16xi32>
        %parallel_loop3A_180 = tpu.vector_load_idx %arg5[%parallel_loop3A_176] : memref<10000xf32, #tpu.memory_space<vmem>>[vector<16xi32>], vector<16xf32>,
        %parallel_loop3A_181 = tpu.vector_load_idx %arg6[%parallel_loop3A_176] : memref<10000xf32, #tpu.memory_space<vmem>>[vector<16xi32>], vector<16xf32>,
        %parallel_loop3A_182 = tpu.vector_load_idx %arg7[%parallel_loop3A_176] : memref<10000xf32, #tpu.memory_space<vmem>>[vector<16xi32>], vector<16xf32>,
        %parallel_loop3A_183 = tpu.vector_load_idx %arg8[%parallel_loop3A_176] : memref<10000xf32, #tpu.memory_space<vmem>>[vector<16xi32>], vector<16xf32>,
        tpu.vector_store_idx %arg9[%parallel_loop3A_179], %parallel_loop3A_180 {add = true} : memref<10000xf32, #tpu.memory_space<vmem>>[vector<16xi32>], vector<16xf32>,
        tpu.vector_store_idx %arg10[%parallel_loop3A_179], %parallel_loop3A_181 {add = true} : memref<10000xf32, #tpu.memory_space<vmem>>[vector<16xi32>], vector<16xf32>,
        tpu.vector_store_idx %arg11[%parallel_loop3A_179], %parallel_loop3A_182 {add = true} : memref<10000xf32, #tpu.memory_space<vmem>>[vector<16xi32>], vector<16xf32>,
        tpu.vector_store_idx %arg12[%parallel_loop3A_179], %parallel_loop3A_183 {add = true} : memref<10000xf32, #tpu.memory_space<vmem>>[vector<16xi32>], vector<16xf32>,
      } {sc.loop_unroll_factor = 4 : i64, sc.parallel_access}
      %add3A_148 = arith.constant 2 : i32
      %add3A_149 = arith.addi %add3A_141, %add3A_148 : i32
      %lt3A = arith.constant 16 : i32
      %lt3A_150 = arith.cmpi slt, %add3A_149, %lt3A : i32
      %convert_element_type3A = arith.extui %lt3A_150 : i1 to i32
      %cond3A = arith.constant 0 : i32
      %cond3A_151 = arith.cmpi ne, %convert_element_type3A, %cond3A : i32
      scf.if %cond3A_151 {
        %add3A_171 = arith.constant 2 : i32
        %add3A_172 = arith.addi %add3A_141, %add3A_171 : i32
        %mul3A_173 = arith.constant 20000 : i32
        %mul3A_174 = arith.muli %add3A_172, %mul3A_173 : i32
        %dma_start3A_175 = tpu.memref_slice %arg3[%mul3A_174] : memref<320000xi32, #tpu.memory_space<hbm>> -> memref<20000xi32, #tpu.memory_space<hbm>>
        %dma_start3A_176 = tpu.memref_slice %arg3[%mul3A_174] : memref<320000xi32, #tpu.memory_space<hbm>> -> memref<20000xi32, #tpu.memory_space<hbm>>
        tpu.enqueue_dma source(%dma_start3A_176 : memref<20000xi32, #tpu.memory_space<hbm>>) target(%arg13 : memref<20000xi32, #tpu.memory_space<vmem>>) target_semaphore(%arg15 : memref<!tpu.dma_semaphore, #tpu.memory_space<semaphore_mem>>)
      } else {
      }
      %mul3A_152 = arith.constant 2 : i32
      %mul3A_153 = arith.muli %scan3A_136, %mul3A_152 : i32
      %add3A_154 = arith.constant 1 : i32
      %add3A_155 = arith.addi %mul3A_153, %add3A_154 : i32
      %dma_wait3A_156 = arith.constant 0 : i32
      %dma_wait3A_157 = tpu.memref_slice %arg3[%dma_wait3A_156] : memref<320000xi32, #tpu.memory_space<hbm>> -> memref<20000xi32, #tpu.memory_space<hbm>>
      %dma_wait3A_158 = arith.constant 0 : i32
      %dma_wait3A_159 = tpu.memref_slice %arg3[%dma_wait3A_158] : memref<320000xi32, #tpu.memory_space<hbm>> -> memref<20000xi32, #tpu.memory_space<hbm>>
      tpu.wait_dma2 semaphore(%arg16 : memref<!tpu.dma_semaphore, #tpu.memory_space<semaphore_mem>>) src(%dma_wait3A_159 : memref<20000xi32, #tpu.memory_space<hbm>>) dst(%arg14 : memref<20000xi32, #tpu.memory_space<vmem>>)
      %parallel_loop3A_160 = arith.constant 0 : i32
      %parallel_loop3A_161 = arith.constant 1250 : i32
      %parallel_loop3A_162 = arith.constant 1 : i32
      scf.for %parallel_loop3A_171 = %parallel_loop3A_160 to %parallel_loop3A_161 step %parallel_loop3A_162  : i32 {
        %parallel_loop3A_172 = arith.constant 16 : i32
        %parallel_loop3A_173 = arith.muli %parallel_loop3A_171, %parallel_loop3A_172 : i32
        %parallel_loop3A_174 = arith.index_cast %parallel_loop3A_173 : i32 to index
        %parallel_loop3A_175 = tpu.vector_load %arg14[%parallel_loop3A_174] {strides = array<i32>} : memref<20000xi32, #tpu.memory_space<vmem>>, vector<16xi32>,
        %parallel_loop3A_176 = arith.andi %parallel_loop3A_175, %broadcast_in_dim3A_121 : vector<16xi32>
        %parallel_loop3A_177 = arith.constant 16 : i32
        %parallel_loop3A_178 = vector.broadcast %parallel_loop3A_177 : i32 to vector<16xi32>
        %parallel_loop3A_179 = arith.shrui %parallel_loop3A_175, %parallel_loop3A_178 : vector<16xi32>
        %parallel_loop3A_180 = tpu.vector_load_idx %arg5[%parallel_loop3A_176] : memref<10000xf32, #tpu.memory_space<vmem>>[vector<16xi32>], vector<16xf32>,
        %parallel_loop3A_181 = tpu.vector_load_idx %arg6[%parallel_loop3A_176] : memref<10000xf32, #tpu.memory_space<vmem>>[vector<16xi32>], vector<16xf32>,
        %parallel_loop3A_182 = tpu.vector_load_idx %arg7[%parallel_loop3A_176] : memref<10000xf32, #tpu.memory_space<vmem>>[vector<16xi32>], vector<16xf32>,
        %parallel_loop3A_183 = tpu.vector_load_idx %arg8[%parallel_loop3A_176] : memref<10000xf32, #tpu.memory_space<vmem>>[vector<16xi32>], vector<16xf32>,
        tpu.vector_store_idx %arg9[%parallel_loop3A_179], %parallel_loop3A_180 {add = true} : memref<10000xf32, #tpu.memory_space<vmem>>[vector<16xi32>], vector<16xf32>,
        tpu.vector_store_idx %arg10[%parallel_loop3A_179], %parallel_loop3A_181 {add = true} : memref<10000xf32, #tpu.memory_space<vmem>>[vector<16xi32>], vector<16xf32>,
        tpu.vector_store_idx %arg11[%parallel_loop3A_179], %parallel_loop3A_182 {add = true} : memref<10000xf32, #tpu.memory_space<vmem>>[vector<16xi32>], vector<16xf32>,
        tpu.vector_store_idx %arg12[%parallel_loop3A_179], %parallel_loop3A_183 {add = true} : memref<10000xf32, #tpu.memory_space<vmem>>[vector<16xi32>], vector<16xf32>,
      } {sc.loop_unroll_factor = 4 : i64, sc.parallel_access}
      %add3A_163 = arith.constant 2 : i32
      %add3A_164 = arith.addi %add3A_155, %add3A_163 : i32
      %lt3A_165 = arith.constant 16 : i32
      %lt3A_166 = arith.cmpi slt, %add3A_164, %lt3A_165 : i32
      %convert_element_type3A_167 = arith.extui %lt3A_166 : i1 to i32
      %cond3A_168 = arith.constant 0 : i32
      %cond3A_169 = arith.cmpi ne, %convert_element_type3A_167, %cond3A_168 : i32
      scf.if %cond3A_169 {
        %add3A_171 = arith.constant 2 : i32
        %add3A_172 = arith.addi %add3A_155, %add3A_171 : i32
        %mul3A_173 = arith.constant 20000 : i32
        %mul3A_174 = arith.muli %add3A_172, %mul3A_173 : i32
        %dma_start3A_175 = tpu.memref_slice %arg3[%mul3A_174] : memref<320000xi32, #tpu.memory_space<hbm>> -> memref<20000xi32, #tpu.memory_space<hbm>>
        %dma_start3A_176 = tpu.memref_slice %arg3[%mul3A_174] : memref<320000xi32, #tpu.memory_space<hbm>> -> memref<20000xi32, #tpu.memory_space<hbm>>
        tpu.enqueue_dma source(%dma_start3A_176 : memref<20000xi32, #tpu.memory_space<hbm>>) target(%arg14 : memref<20000xi32, #tpu.memory_space<vmem>>) target_semaphore(%arg16 : memref<!tpu.dma_semaphore, #tpu.memory_space<semaphore_mem>>)
      } else {
      }
      %scan3A_170 = arith.constant 0 : i32
      scf.yield %scan3A_170 : i32
    }
    %scan3A_127 = arith.constant 8 : i32
    %add3A_128 = arith.constant 0 : i32
    %add3A_129 = arith.addi %mul3A_2, %add3A_128 : i32
    "tpu.region"() ({
      %run_scoped3A = tpu.sem_alloc : memref<!tpu.dma_semaphore, #tpu.memory_space<semaphore_mem>>
      %dma_start3A_136 = arith.constant 0 : i32
      %dma_start3A_137 = tpu.memref_slice %arg4[%add3A_129, %dma_start3A_136] : memref<128x10000xf32, #tpu.memory_space<hbm>> -> memref<1x10000xf32, #tpu.memory_space<hbm>>
      %dma_start3A_138 = tpu.memref_squeeze %dma_start3A_137 : memref<1x10000xf32, #tpu.memory_space<hbm>> -> memref<10000xf32, #tpu.memory_space<hbm>>
      %dma_start3A_139 = arith.constant 0 : i32
      %dma_start3A_140 = tpu.memref_slice %arg4[%add3A_129, %dma_start3A_139] : memref<128x10000xf32, #tpu.memory_space<hbm>> -> memref<1x10000xf32, #tpu.memory_space<hbm>>
      %dma_start3A_141 = tpu.memref_squeeze %dma_start3A_140 : memref<1x10000xf32, #tpu.memory_space<hbm>> -> memref<10000xf32, #tpu.memory_space<hbm>>
      tpu.enqueue_dma source(%arg9 : memref<10000xf32, #tpu.memory_space<vmem>>) target(%dma_start3A_141 : memref<10000xf32, #tpu.memory_space<hbm>>) target_semaphore(%run_scoped3A : memref<!tpu.dma_semaphore, #tpu.memory_space<semaphore_mem>>)
      %dma_wait3A_142 = arith.constant 0 : i32
      %dma_wait3A_143 = tpu.memref_slice %arg4[%add3A_129, %dma_wait3A_142] : memref<128x10000xf32, #tpu.memory_space<hbm>> -> memref<1x10000xf32, #tpu.memory_space<hbm>>
      %dma_wait3A_144 = tpu.memref_squeeze %dma_wait3A_143 : memref<1x10000xf32, #tpu.memory_space<hbm>> -> memref<10000xf32, #tpu.memory_space<hbm>>
      %dma_wait3A_145 = arith.constant 0 : i32
      %dma_wait3A_146 = tpu.memref_slice %arg4[%add3A_129, %dma_wait3A_145] : memref<128x10000xf32, #tpu.memory_space<hbm>> -> memref<1x10000xf32, #tpu.memory_space<hbm>>
      %dma_wait3A_147 = tpu.memref_squeeze %dma_wait3A_146 : memref<1x10000xf32, #tpu.memory_space<hbm>> -> memref<10000xf32, #tpu.memory_space<hbm>>
      tpu.wait_dma2 semaphore(%run_scoped3A : memref<!tpu.dma_semaphore, #tpu.memory_space<semaphore_mem>>) src(%arg9 : memref<10000xf32, #tpu.memory_space<vmem>>) dst(%dma_wait3A_147 : memref<10000xf32, #tpu.memory_space<hbm>>)
      tpu.yield
    }) : () -> ()
    %add3A_130 = arith.constant 1 : i32
    %add3A_131 = arith.addi %mul3A_2, %add3A_130 : i32
    "tpu.region"() ({
      %run_scoped3A = tpu.sem_alloc : memref<!tpu.dma_semaphore, #tpu.memory_space<semaphore_mem>>
      %dma_start3A_136 = arith.constant 0 : i32
      %dma_start3A_137 = tpu.memref_slice %arg4[%add3A_131, %dma_start3A_136] : memref<128x10000xf32, #tpu.memory_space<hbm>> -> memref<1x10000xf32, #tpu.memory_space<hbm>>
      %dma_start3A_138 = tpu.memref_squeeze %dma_start3A_137 : memref<1x10000xf32, #tpu.memory_space<hbm>> -> memref<10000xf32, #tpu.memory_space<hbm>>
      %dma_start3A_139 = arith.constant 0 : i32
      %dma_start3A_140 = tpu.memref_slice %arg4[%add3A_131, %dma_start3A_139] : memref<128x10000xf32, #tpu.memory_space<hbm>> -> memref<1x10000xf32, #tpu.memory_space<hbm>>
      %dma_start3A_141 = tpu.memref_squeeze %dma_start3A_140 : memref<1x10000xf32, #tpu.memory_space<hbm>> -> memref<10000xf32, #tpu.memory_space<hbm>>
      tpu.enqueue_dma source(%arg10 : memref<10000xf32, #tpu.memory_space<vmem>>) target(%dma_start3A_141 : memref<10000xf32, #tpu.memory_space<hbm>>) target_semaphore(%run_scoped3A : memref<!tpu.dma_semaphore, #tpu.memory_space<semaphore_mem>>)
      %dma_wait3A_142 = arith.constant 0 : i32
      %dma_wait3A_143 = tpu.memref_slice %arg4[%add3A_131, %dma_wait3A_142] : memref<128x10000xf32, #tpu.memory_space<hbm>> -> memref<1x10000xf32, #tpu.memory_space<hbm>>
      %dma_wait3A_144 = tpu.memref_squeeze %dma_wait3A_143 : memref<1x10000xf32, #tpu.memory_space<hbm>> -> memref<10000xf32, #tpu.memory_space<hbm>>
      %dma_wait3A_145 = arith.constant 0 : i32
      %dma_wait3A_146 = tpu.memref_slice %arg4[%add3A_131, %dma_wait3A_145] : memref<128x10000xf32, #tpu.memory_space<hbm>> -> memref<1x10000xf32, #tpu.memory_space<hbm>>
      %dma_wait3A_147 = tpu.memref_squeeze %dma_wait3A_146 : memref<1x10000xf32, #tpu.memory_space<hbm>> -> memref<10000xf32, #tpu.memory_space<hbm>>
      tpu.wait_dma2 semaphore(%run_scoped3A : memref<!tpu.dma_semaphore, #tpu.memory_space<semaphore_mem>>) src(%arg10 : memref<10000xf32, #tpu.memory_space<vmem>>) dst(%dma_wait3A_147 : memref<10000xf32, #tpu.memory_space<hbm>>)
      tpu.yield
    }) : () -> ()
    %add3A_132 = arith.constant 2 : i32
    %add3A_133 = arith.addi %mul3A_2, %add3A_132 : i32
    "tpu.region"() ({
      %run_scoped3A = tpu.sem_alloc : memref<!tpu.dma_semaphore, #tpu.memory_space<semaphore_mem>>
      %dma_start3A_136 = arith.constant 0 : i32
      %dma_start3A_137 = tpu.memref_slice %arg4[%add3A_133, %dma_start3A_136] : memref<128x10000xf32, #tpu.memory_space<hbm>> -> memref<1x10000xf32, #tpu.memory_space<hbm>>
      %dma_start3A_138 = tpu.memref_squeeze %dma_start3A_137 : memref<1x10000xf32, #tpu.memory_space<hbm>> -> memref<10000xf32, #tpu.memory_space<hbm>>
      %dma_start3A_139 = arith.constant 0 : i32
      %dma_start3A_140 = tpu.memref_slice %arg4[%add3A_133, %dma_start3A_139] : memref<128x10000xf32, #tpu.memory_space<hbm>> -> memref<1x10000xf32, #tpu.memory_space<hbm>>
      %dma_start3A_141 = tpu.memref_squeeze %dma_start3A_140 : memref<1x10000xf32, #tpu.memory_space<hbm>> -> memref<10000xf32, #tpu.memory_space<hbm>>
      tpu.enqueue_dma source(%arg11 : memref<10000xf32, #tpu.memory_space<vmem>>) target(%dma_start3A_141 : memref<10000xf32, #tpu.memory_space<hbm>>) target_semaphore(%run_scoped3A : memref<!tpu.dma_semaphore, #tpu.memory_space<semaphore_mem>>)
      %dma_wait3A_142 = arith.constant 0 : i32
      %dma_wait3A_143 = tpu.memref_slice %arg4[%add3A_133, %dma_wait3A_142] : memref<128x10000xf32, #tpu.memory_space<hbm>> -> memref<1x10000xf32, #tpu.memory_space<hbm>>
      %dma_wait3A_144 = tpu.memref_squeeze %dma_wait3A_143 : memref<1x10000xf32, #tpu.memory_space<hbm>> -> memref<10000xf32, #tpu.memory_space<hbm>>
      %dma_wait3A_145 = arith.constant 0 : i32
      %dma_wait3A_146 = tpu.memref_slice %arg4[%add3A_133, %dma_wait3A_145] : memref<128x10000xf32, #tpu.memory_space<hbm>> -> memref<1x10000xf32, #tpu.memory_space<hbm>>
      %dma_wait3A_147 = tpu.memref_squeeze %dma_wait3A_146 : memref<1x10000xf32, #tpu.memory_space<hbm>> -> memref<10000xf32, #tpu.memory_space<hbm>>
      tpu.wait_dma2 semaphore(%run_scoped3A : memref<!tpu.dma_semaphore, #tpu.memory_space<semaphore_mem>>) src(%arg11 : memref<10000xf32, #tpu.memory_space<vmem>>) dst(%dma_wait3A_147 : memref<10000xf32, #tpu.memory_space<hbm>>)
      tpu.yield
    }) : () -> ()
    %add3A_134 = arith.constant 3 : i32
    %add3A_135 = arith.addi %mul3A_2, %add3A_134 : i32
    "tpu.region"() ({
      %run_scoped3A = tpu.sem_alloc : memref<!tpu.dma_semaphore, #tpu.memory_space<semaphore_mem>>
      %dma_start3A_136 = arith.constant 0 : i32
      %dma_start3A_137 = tpu.memref_slice %arg4[%add3A_135, %dma_start3A_136] : memref<128x10000xf32, #tpu.memory_space<hbm>> -> memref<1x10000xf32, #tpu.memory_space<hbm>>
      %dma_start3A_138 = tpu.memref_squeeze %dma_start3A_137 : memref<1x10000xf32, #tpu.memory_space<hbm>> -> memref<10000xf32, #tpu.memory_space<hbm>>
      %dma_start3A_139 = arith.constant 0 : i32
      %dma_start3A_140 = tpu.memref_slice %arg4[%add3A_135, %dma_start3A_139] : memref<128x10000xf32, #tpu.memory_space<hbm>> -> memref<1x10000xf32, #tpu.memory_space<hbm>>
      %dma_start3A_141 = tpu.memref_squeeze %dma_start3A_140 : memref<1x10000xf32, #tpu.memory_space<hbm>> -> memref<10000xf32, #tpu.memory_space<hbm>>
      tpu.enqueue_dma source(%arg12 : memref<10000xf32, #tpu.memory_space<vmem>>) target(%dma_start3A_141 : memref<10000xf32, #tpu.memory_space<hbm>>) target_semaphore(%run_scoped3A : memref<!tpu.dma_semaphore, #tpu.memory_space<semaphore_mem>>)
      %dma_wait3A_142 = arith.constant 0 : i32
      %dma_wait3A_143 = tpu.memref_slice %arg4[%add3A_135, %dma_wait3A_142] : memref<128x10000xf32, #tpu.memory_space<hbm>> -> memref<1x10000xf32, #tpu.memory_space<hbm>>
      %dma_wait3A_144 = tpu.memref_squeeze %dma_wait3A_143 : memref<1x10000xf32, #tpu.memory_space<hbm>> -> memref<10000xf32, #tpu.memory_space<hbm>>
      %dma_wait3A_145 = arith.constant 0 : i32
      %dma_wait3A_146 = tpu.memref_slice %arg4[%add3A_135, %dma_wait3A_145] : memref<128x10000xf32, #tpu.memory_space<hbm>> -> memref<1x10000xf32, #tpu.memory_space<hbm>>
      %dma_wait3A_147 = tpu.memref_squeeze %dma_wait3A_146 : memref<1x10000xf32, #tpu.memory_space<hbm>> -> memref<10000xf32, #tpu.memory_space<hbm>>
      tpu.wait_dma2 semaphore(%run_scoped3A : memref<!tpu.dma_semaphore, #tpu.memory_space<semaphore_mem>>) src(%arg12 : memref<10000xf32, #tpu.memory_space<vmem>>) dst(%dma_wait3A_147 : memref<10000xf32, #tpu.memory_space<hbm>>)
      tpu.yield
    }) : () -> ()
    return
  }
}

#map = affine_map<(d0, d1) -> (0)>
#map1 = affine_map<(d0, d1) -> (0, 0)>
module attributes {stable_mosaic.version = 14 : i64} {
  func.func @_deg_kernel(%arg0: i32, %arg1: i32, %arg2: memref<320000xi32, #tpu.memory_space<hbm>>, %arg3: memref<32x10000xf32, #tpu.memory_space<hbm>>, %arg4: memref<10000xi32, #tpu.memory_space<vmem>>, %arg5: memref<10000xf32, #tpu.memory_space<vmem>>) attributes {dimension_semantics = [#tpu.dimension_semantics<core_parallel>, #tpu.dimension_semantics<subcore_parallel>], iteration_bounds = array<i64: 2, 16>, scalar_prefetch = 0 : i64, scratch_operands = 2 : i64, tpu.core_type = #tpu.core_type<sc_vector_subcore>, window_params = [{transform_indices = #map}, {transform_indices = #map1}]} {
    %mul3A = arith.constant 2 : i32
    %mul3A_0 = arith.muli %arg1, %mul3A : i32
    %add3A = arith.addi %mul3A_0, %arg0 : i32
    %mul3A_1 = arith.constant 10000 : i32
    %mul3A_2 = arith.muli %add3A, %mul3A_1 : i32
    "tpu.region"() ({
      %run_scoped3A = tpu.sem_alloc : memref<!tpu.dma_semaphore, #tpu.memory_space<semaphore_mem>>
      %dma_start3A = tpu.memref_slice %arg2[%mul3A_2] : memref<320000xi32, #tpu.memory_space<hbm>> -> memref<10000xi32, #tpu.memory_space<hbm>>
      %dma_start3A_19 = tpu.memref_slice %arg2[%mul3A_2] : memref<320000xi32, #tpu.memory_space<hbm>> -> memref<10000xi32, #tpu.memory_space<hbm>>
      tpu.enqueue_dma source(%dma_start3A_19 : memref<10000xi32, #tpu.memory_space<hbm>>) target(%arg4 : memref<10000xi32, #tpu.memory_space<vmem>>) target_semaphore(%run_scoped3A : memref<!tpu.dma_semaphore, #tpu.memory_space<semaphore_mem>>)
      %dma_wait3A = tpu.memref_slice %arg2[%mul3A_2] : memref<320000xi32, #tpu.memory_space<hbm>> -> memref<10000xi32, #tpu.memory_space<hbm>>
      %dma_wait3A_20 = tpu.memref_slice %arg2[%mul3A_2] : memref<320000xi32, #tpu.memory_space<hbm>> -> memref<10000xi32, #tpu.memory_space<hbm>>
      tpu.wait_dma2 semaphore(%run_scoped3A : memref<!tpu.dma_semaphore, #tpu.memory_space<semaphore_mem>>) src(%dma_wait3A_20 : memref<10000xi32, #tpu.memory_space<hbm>>) dst(%arg4 : memref<10000xi32, #tpu.memory_space<vmem>>)
      tpu.yield
    }) : () -> ()
    %broadcast_in_dim3A = arith.constant 0.000000e+00 : f32
    %broadcast_in_dim3A_3 = vector.broadcast %broadcast_in_dim3A : f32 to vector<16xf32>
    %scan3A = arith.constant 0 : i32
    %scan3A_4 = arith.constant 0 : i32
    %scan3A_5 = arith.constant 625 : i32
    %scan3A_6 = arith.addi %scan3A_4, %scan3A_5 : i32
    %scan3A_7 = arith.constant 1 : i32
    %scan3A_8 = scf.for %scan3A_19 = %scan3A_4 to %scan3A_6 step %scan3A_7 iter_args(%scan3A_20 = %scan3A) -> (i32)  : i32 {
      %mul3A_21 = arith.constant 16 : i32
      %mul3A_22 = arith.muli %scan3A_19, %mul3A_21 : i32
      %swap3A = arith.index_cast %mul3A_22 : i32 to index
      %swap3A_23 = tpu.vector_load %arg5[%swap3A] {strides = array<i32>} : memref<10000xf32, #tpu.memory_space<vmem>>, vector<16xf32>,
      tpu.vector_store %arg5[%swap3A], %broadcast_in_dim3A_3 {strides = array<i32>} : memref<10000xf32, #tpu.memory_space<vmem>>, vector<16xf32>,
      %scan3A_24 = arith.constant 0 : i32
      scf.yield %scan3A_24 : i32
    }
    %scan3A_9 = arith.constant 625 : i32
    %broadcast_in_dim3A_10 = arith.constant 1.000000e+00 : f32
    %broadcast_in_dim3A_11 = vector.broadcast %broadcast_in_dim3A_10 : f32 to vector<16xf32>
    %scan3A_12 = arith.constant 0 : i32
    %scan3A_13 = arith.constant 0 : i32
    %scan3A_14 = arith.constant 625 : i32
    %scan3A_15 = arith.addi %scan3A_13, %scan3A_14 : i32
    %scan3A_16 = arith.constant 1 : i32
    %scan3A_17 = scf.for %scan3A_19 = %scan3A_13 to %scan3A_15 step %scan3A_16 iter_args(%scan3A_20 = %scan3A_12) -> (i32)  : i32 {
      %mul3A_21 = arith.constant 16 : i32
      %mul3A_22 = arith.muli %scan3A_19, %mul3A_21 : i32
      %get3A = arith.index_cast %mul3A_22 : i32 to index
      %get3A_23 = tpu.vector_load %arg4[%get3A] {strides = array<i32>} : memref<10000xi32, #tpu.memory_space<vmem>>, vector<16xi32>,
      tpu.vector_store_idx %arg5[%get3A_23], %broadcast_in_dim3A_11 {add = true} : memref<10000xf32, #tpu.memory_space<vmem>>[vector<16xi32>], vector<16xf32>,
      %scan3A_24 = arith.constant 0 : i32
      scf.yield %scan3A_24 : i32
    }
    %scan3A_18 = arith.constant 625 : i32
    "tpu.region"() ({
      %run_scoped3A = tpu.sem_alloc : memref<!tpu.dma_semaphore, #tpu.memory_space<semaphore_mem>>
      %dma_start3A = arith.constant 0 : i32
      %dma_start3A_19 = tpu.memref_slice %arg3[%add3A, %dma_start3A] : memref<32x10000xf32, #tpu.memory_space<hbm>> -> memref<1x10000xf32, #tpu.memory_space<hbm>>
      %dma_start3A_20 = tpu.memref_squeeze %dma_start3A_19 : memref<1x10000xf32, #tpu.memory_space<hbm>> -> memref<10000xf32, #tpu.memory_space<hbm>>
      %dma_start3A_21 = arith.constant 0 : i32
      %dma_start3A_22 = tpu.memref_slice %arg3[%add3A, %dma_start3A_21] : memref<32x10000xf32, #tpu.memory_space<hbm>> -> memref<1x10000xf32, #tpu.memory_space<hbm>>
      %dma_start3A_23 = tpu.memref_squeeze %dma_start3A_22 : memref<1x10000xf32, #tpu.memory_space<hbm>> -> memref<10000xf32, #tpu.memory_space<hbm>>
      tpu.enqueue_dma source(%arg5 : memref<10000xf32, #tpu.memory_space<vmem>>) target(%dma_start3A_23 : memref<10000xf32, #tpu.memory_space<hbm>>) target_semaphore(%run_scoped3A : memref<!tpu.dma_semaphore, #tpu.memory_space<semaphore_mem>>)
      %dma_wait3A = arith.constant 0 : i32
      %dma_wait3A_24 = tpu.memref_slice %arg3[%add3A, %dma_wait3A] : memref<32x10000xf32, #tpu.memory_space<hbm>> -> memref<1x10000xf32, #tpu.memory_space<hbm>>
      %dma_wait3A_25 = tpu.memref_squeeze %dma_wait3A_24 : memref<1x10000xf32, #tpu.memory_space<hbm>> -> memref<10000xf32, #tpu.memory_space<hbm>>
      %dma_wait3A_26 = arith.constant 0 : i32
      %dma_wait3A_27 = tpu.memref_slice %arg3[%add3A, %dma_wait3A_26] : memref<32x10000xf32, #tpu.memory_space<hbm>> -> memref<1x10000xf32, #tpu.memory_space<hbm>>
      %dma_wait3A_28 = tpu.memref_squeeze %dma_wait3A_27 : memref<1x10000xf32, #tpu.memory_space<hbm>> -> memref<10000xf32, #tpu.memory_space<hbm>>
      tpu.wait_dma2 semaphore(%run_scoped3A : memref<!tpu.dma_semaphore, #tpu.memory_space<semaphore_mem>>) src(%arg5 : memref<10000xf32, #tpu.memory_space<vmem>>) dst(%dma_wait3A_28 : memref<10000xf32, #tpu.memory_space<hbm>>)
      tpu.yield
    }) : () -> ()
    return
  }
}

#map = affine_map<(d0, d1) -> (0, 0)>
#map1 = affine_map<(d0, d1) -> (0)>
module attributes {stable_mosaic.version = 14 : i64} {
  func.func @_agg_kernel(%arg0: i32, %arg1: i32, %arg2: memref<128x10000xf32, #tpu.memory_space<hbm>>, %arg3: memref<320000xi32, #tpu.memory_space<hbm>>, %arg4: memref<128x10000xf32, #tpu.memory_space<hbm>>, %arg5: memref<10000xf32, #tpu.memory_space<vmem>>, %arg6: memref<10000xf32, #tpu.memory_space<vmem>>, %arg7: memref<10000xf32, #tpu.memory_space<vmem>>, %arg8: memref<10000xf32, #tpu.memory_space<vmem>>, %arg9: memref<10000xf32, #tpu.memory_space<vmem>>, %arg10: memref<10000xf32, #tpu.memory_space<vmem>>, %arg11: memref<10000xf32, #tpu.memory_space<vmem>>, %arg12: memref<10000xf32, #tpu.memory_space<vmem>>, %arg13: memref<20000xi32, #tpu.memory_space<vmem>>, %arg14: memref<20000xi32, #tpu.memory_space<vmem>>, %arg15: memref<!tpu.dma_semaphore, #tpu.memory_space<semaphore_mem>>, %arg16: memref<!tpu.dma_semaphore, #tpu.memory_space<semaphore_mem>>, %arg17: memref<!tpu.dma_semaphore, #tpu.memory_space<semaphore_mem>>) attributes {dimension_semantics = [#tpu.dimension_semantics<core_parallel>, #tpu.dimension_semantics<subcore_parallel>], iteration_bounds = array<i64: 2, 16>, scalar_prefetch = 0 : i64, scratch_operands = 13 : i64, tpu.core_type = #tpu.core_type<sc_vector_subcore>, window_params = [{transform_indices = #map}, {transform_indices = #map1}, {transform_indices = #map}]} {
    %mul3A = arith.constant 2 : i32
    %mul3A_0 = arith.muli %arg1, %mul3A : i32
    %add3A = arith.addi %mul3A_0, %arg0 : i32
    %mul3A_1 = arith.constant 4 : i32
    %mul3A_2 = arith.muli %add3A, %mul3A_1 : i32
    %add3A_3 = arith.constant 0 : i32
    %add3A_4 = arith.addi %mul3A_2, %add3A_3 : i32
    %dma_start3A = arith.constant 0 : i32
    %dma_start3A_5 = tpu.memref_slice %arg2[%add3A_4, %dma_start3A] : memref<128x10000xf32, #tpu.memory_space<hbm>> -> memref<1x10000xf32, #tpu.memory_space<hbm>>
    %dma_start3A_6 = tpu.memref_squeeze %dma_start3A_5 : memref<1x10000xf32, #tpu.memory_space<hbm>> -> memref<10000xf32, #tpu.memory_space<hbm>>
    %dma_start3A_7 = arith.constant 0 : i32
    %dma_start3A_8 = tpu.memref_slice %arg2[%add3A_4, %dma_start3A_7] : memref<128x10000xf32, #tpu.memory_space<hbm>> -> memref<1x10000xf32, #tpu.memory_space<hbm>>
    %dma_start3A_9 = tpu.memref_squeeze %dma_start3A_8 : memref<1x10000xf32, #tpu.memory_space<hbm>> -> memref<10000xf32, #tpu.memory_space<hbm>>
    tpu.enqueue_dma source(%dma_start3A_9 : memref<10000xf32, #tpu.memory_space<hbm>>) target(%arg5 : memref<10000xf32, #tpu.memory_space<vmem>>) target_semaphore(%arg17 : memref<!tpu.dma_semaphore, #tpu.memory_space<semaphore_mem>>)
    %dma_start3A_10 = arith.constant 0 : i32
    %dma_start3A_11 = tpu.memref_slice %arg2[%add3A_4, %dma_start3A_10] : memref<128x10000xf32, #tpu.memory_space<hbm>> -> memref<1x10000xf32, #tpu.memory_space<hbm>>
    %dma_start3A_12 = tpu.memref_squeeze %dma_start3A_11 : memref<1x10000xf32, #tpu.memory_space<hbm>> -> memref<10000xf32, #tpu.memory_space<hbm>>
    %dma_start3A_13 = arith.constant 0 : i32
    %dma_start3A_14 = tpu.memref_slice %arg2[%add3A_4, %dma_start3A_13] : memref<128x10000xf32, #tpu.memory_space<hbm>> -> memref<1x10000xf32, #tpu.memory_space<hbm>>
    %dma_start3A_15 = tpu.memref_squeeze %dma_start3A_14 : memref<1x10000xf32, #tpu.memory_space<hbm>> -> memref<10000xf32, #tpu.memory_space<hbm>>
    tpu.enqueue_dma source(%dma_start3A_15 : memref<10000xf32, #tpu.memory_space<hbm>>) target(%arg9 : memref<10000xf32, #tpu.memory_space<vmem>>) target_semaphore(%arg17 : memref<!tpu.dma_semaphore, #tpu.memory_space<semaphore_mem>>)
    %add3A_16 = arith.constant 1 : i32
    %add3A_17 = arith.addi %mul3A_2, %add3A_16 : i32
    %dma_start3A_18 = arith.constant 0 : i32
    %dma_start3A_19 = tpu.memref_slice %arg2[%add3A_17, %dma_start3A_18] : memref<128x10000xf32, #tpu.memory_space<hbm>> -> memref<1x10000xf32, #tpu.memory_space<hbm>>
    %dma_start3A_20 = tpu.memref_squeeze %dma_start3A_19 : memref<1x10000xf32, #tpu.memory_space<hbm>> -> memref<10000xf32, #tpu.memory_space<hbm>>
    %dma_start3A_21 = arith.constant 0 : i32
    %dma_start3A_22 = tpu.memref_slice %arg2[%add3A_17, %dma_start3A_21] : memref<128x10000xf32, #tpu.memory_space<hbm>> -> memref<1x10000xf32, #tpu.memory_space<hbm>>
    %dma_start3A_23 = tpu.memref_squeeze %dma_start3A_22 : memref<1x10000xf32, #tpu.memory_space<hbm>> -> memref<10000xf32, #tpu.memory_space<hbm>>
    tpu.enqueue_dma source(%dma_start3A_23 : memref<10000xf32, #tpu.memory_space<hbm>>) target(%arg6 : memref<10000xf32, #tpu.memory_space<vmem>>) target_semaphore(%arg17 : memref<!tpu.dma_semaphore, #tpu.memory_space<semaphore_mem>>)
    %dma_start3A_24 = arith.constant 0 : i32
    %dma_start3A_25 = tpu.memref_slice %arg2[%add3A_17, %dma_start3A_24] : memref<128x10000xf32, #tpu.memory_space<hbm>> -> memref<1x10000xf32, #tpu.memory_space<hbm>>
    %dma_start3A_26 = tpu.memref_squeeze %dma_start3A_25 : memref<1x10000xf32, #tpu.memory_space<hbm>> -> memref<10000xf32, #tpu.memory_space<hbm>>
    %dma_start3A_27 = arith.constant 0 : i32
    %dma_start3A_28 = tpu.memref_slice %arg2[%add3A_17, %dma_start3A_27] : memref<128x10000xf32, #tpu.memory_space<hbm>> -> memref<1x10000xf32, #tpu.memory_space<hbm>>
    %dma_start3A_29 = tpu.memref_squeeze %dma_start3A_28 : memref<1x10000xf32, #tpu.memory_space<hbm>> -> memref<10000xf32, #tpu.memory_space<hbm>>
    tpu.enqueue_dma source(%dma_start3A_29 : memref<10000xf32, #tpu.memory_space<hbm>>) target(%arg10 : memref<10000xf32, #tpu.memory_space<vmem>>) target_semaphore(%arg17 : memref<!tpu.dma_semaphore, #tpu.memory_space<semaphore_mem>>)
    %add3A_30 = arith.constant 2 : i32
    %add3A_31 = arith.addi %mul3A_2, %add3A_30 : i32
    %dma_start3A_32 = arith.constant 0 : i32
    %dma_start3A_33 = tpu.memref_slice %arg2[%add3A_31, %dma_start3A_32] : memref<128x10000xf32, #tpu.memory_space<hbm>> -> memref<1x10000xf32, #tpu.memory_space<hbm>>
    %dma_start3A_34 = tpu.memref_squeeze %dma_start3A_33 : memref<1x10000xf32, #tpu.memory_space<hbm>> -> memref<10000xf32, #tpu.memory_space<hbm>>
    %dma_start3A_35 = arith.constant 0 : i32
    %dma_start3A_36 = tpu.memref_slice %arg2[%add3A_31, %dma_start3A_35] : memref<128x10000xf32, #tpu.memory_space<hbm>> -> memref<1x10000xf32, #tpu.memory_space<hbm>>
    %dma_start3A_37 = tpu.memref_squeeze %dma_start3A_36 : memref<1x10000xf32, #tpu.memory_space<hbm>> -> memref<10000xf32, #tpu.memory_space<hbm>>
    tpu.enqueue_dma source(%dma_start3A_37 : memref<10000xf32, #tpu.memory_space<hbm>>) target(%arg7 : memref<10000xf32, #tpu.memory_space<vmem>>) target_semaphore(%arg17 : memref<!tpu.dma_semaphore, #tpu.memory_space<semaphore_mem>>)
    %dma_start3A_38 = arith.constant 0 : i32
    %dma_start3A_39 = tpu.memref_slice %arg2[%add3A_31, %dma_start3A_38] : memref<128x10000xf32, #tpu.memory_space<hbm>> -> memref<1x10000xf32, #tpu.memory_space<hbm>>
    %dma_start3A_40 = tpu.memref_squeeze %dma_start3A_39 : memref<1x10000xf32, #tpu.memory_space<hbm>> -> memref<10000xf32, #tpu.memory_space<hbm>>
    %dma_start3A_41 = arith.constant 0 : i32
    %dma_start3A_42 = tpu.memref_slice %arg2[%add3A_31, %dma_start3A_41] : memref<128x10000xf32, #tpu.memory_space<hbm>> -> memref<1x10000xf32, #tpu.memory_space<hbm>>
    %dma_start3A_43 = tpu.memref_squeeze %dma_start3A_42 : memref<1x10000xf32, #tpu.memory_space<hbm>> -> memref<10000xf32, #tpu.memory_space<hbm>>
    tpu.enqueue_dma source(%dma_start3A_43 : memref<10000xf32, #tpu.memory_space<hbm>>) target(%arg11 : memref<10000xf32, #tpu.memory_space<vmem>>) target_semaphore(%arg17 : memref<!tpu.dma_semaphore, #tpu.memory_space<semaphore_mem>>)
    %add3A_44 = arith.constant 3 : i32
    %add3A_45 = arith.addi %mul3A_2, %add3A_44 : i32
    %dma_start3A_46 = arith.constant 0 : i32
    %dma_start3A_47 = tpu.memref_slice %arg2[%add3A_45, %dma_start3A_46] : memref<128x10000xf32, #tpu.memory_space<hbm>> -> memref<1x10000xf32, #tpu.memory_space<hbm>>
    %dma_start3A_48 = tpu.memref_squeeze %dma_start3A_47 : memref<1x10000xf32, #tpu.memory_space<hbm>> -> memref<10000xf32, #tpu.memory_space<hbm>>
    %dma_start3A_49 = arith.constant 0 : i32
    %dma_start3A_50 = tpu.memref_slice %arg2[%add3A_45, %dma_start3A_49] : memref<128x10000xf32, #tpu.memory_space<hbm>> -> memref<1x10000xf32, #tpu.memory_space<hbm>>
    %dma_start3A_51 = tpu.memref_squeeze %dma_start3A_50 : memref<1x10000xf32, #tpu.memory_space<hbm>> -> memref<10000xf32, #tpu.memory_space<hbm>>
    tpu.enqueue_dma source(%dma_start3A_51 : memref<10000xf32, #tpu.memory_space<hbm>>) target(%arg8 : memref<10000xf32, #tpu.memory_space<vmem>>) target_semaphore(%arg17 : memref<!tpu.dma_semaphore, #tpu.memory_space<semaphore_mem>>)
    %dma_start3A_52 = arith.constant 0 : i32
    %dma_start3A_53 = tpu.memref_slice %arg2[%add3A_45, %dma_start3A_52] : memref<128x10000xf32, #tpu.memory_space<hbm>> -> memref<1x10000xf32, #tpu.memory_space<hbm>>
    %dma_start3A_54 = tpu.memref_squeeze %dma_start3A_53 : memref<1x10000xf32, #tpu.memory_space<hbm>> -> memref<10000xf32, #tpu.memory_space<hbm>>
    %dma_start3A_55 = arith.constant 0 : i32
    %dma_start3A_56 = tpu.memref_slice %arg2[%add3A_45, %dma_start3A_55] : memref<128x10000xf32, #tpu.memory_space<hbm>> -> memref<1x10000xf32, #tpu.memory_space<hbm>>
    %dma_start3A_57 = tpu.memref_squeeze %dma_start3A_56 : memref<1x10000xf32, #tpu.memory_space<hbm>> -> memref<10000xf32, #tpu.memory_space<hbm>>
    tpu.enqueue_dma source(%dma_start3A_57 : memref<10000xf32, #tpu.memory_space<hbm>>) target(%arg12 : memref<10000xf32, #tpu.memory_space<vmem>>) target_semaphore(%arg17 : memref<!tpu.dma_semaphore, #tpu.memory_space<semaphore_mem>>)
    %dma_start3A_58 = arith.constant 0 : i32
    %dma_start3A_59 = tpu.memref_slice %arg3[%dma_start3A_58] : memref<320000xi32, #tpu.memory_space<hbm>> -> memref<20000xi32, #tpu.memory_space<hbm>>
    %dma_start3A_60 = arith.constant 0 : i32
    %dma_start3A_61 = tpu.memref_slice %arg3[%dma_start3A_60] : memref<320000xi32, #tpu.memory_space<hbm>> -> memref<20000xi32, #tpu.memory_space<hbm>>
    tpu.enqueue_dma source(%dma_start3A_61 : memref<20000xi32, #tpu.memory_space<hbm>>) target(%arg13 : memref<20000xi32, #tpu.memory_space<vmem>>) target_semaphore(%arg15 : memref<!tpu.dma_semaphore, #tpu.memory_space<semaphore_mem>>)
    %dma_start3A_62 = arith.constant 20000 : i32
    %dma_start3A_63 = tpu.memref_slice %arg3[%dma_start3A_62] : memref<320000xi32, #tpu.memory_space<hbm>> -> memref<20000xi32, #tpu.memory_space<hbm>>
    %dma_start3A_64 = arith.constant 20000 : i32
    %dma_start3A_65 = tpu.memref_slice %arg3[%dma_start3A_64] : memref<320000xi32, #tpu.memory_space<hbm>> -> memref<20000xi32, #tpu.memory_space<hbm>>
    tpu.enqueue_dma source(%dma_start3A_65 : memref<20000xi32, #tpu.memory_space<hbm>>) target(%arg14 : memref<20000xi32, #tpu.memory_space<vmem>>) target_semaphore(%arg16 : memref<!tpu.dma_semaphore, #tpu.memory_space<semaphore_mem>>)
    %add3A_66 = arith.constant 0 : i32
    %add3A_67 = arith.addi %mul3A_2, %add3A_66 : i32
    %dma_wait3A = arith.constant 0 : i32
    %dma_wait3A_68 = tpu.memref_slice %arg2[%add3A_67, %dma_wait3A] : memref<128x10000xf32, #tpu.memory_space<hbm>> -> memref<1x10000xf32, #tpu.memory_space<hbm>>
    %dma_wait3A_69 = tpu.memref_squeeze %dma_wait3A_68 : memref<1x10000xf32, #tpu.memory_space<hbm>> -> memref<10000xf32, #tpu.memory_space<hbm>>
    %dma_wait3A_70 = arith.constant 0 : i32
    %dma_wait3A_71 = tpu.memref_slice %arg2[%add3A_67, %dma_wait3A_70] : memref<128x10000xf32, #tpu.memory_space<hbm>> -> memref<1x10000xf32, #tpu.memory_space<hbm>>
    %dma_wait3A_72 = tpu.memref_squeeze %dma_wait3A_71 : memref<1x10000xf32, #tpu.memory_space<hbm>> -> memref<10000xf32, #tpu.memory_space<hbm>>
    tpu.wait_dma2 semaphore(%arg17 : memref<!tpu.dma_semaphore, #tpu.memory_space<semaphore_mem>>) src(%dma_wait3A_72 : memref<10000xf32, #tpu.memory_space<hbm>>) dst(%arg5 : memref<10000xf32, #tpu.memory_space<vmem>>)
    %dma_wait3A_73 = arith.constant 0 : i32
    %dma_wait3A_74 = tpu.memref_slice %arg2[%add3A_67, %dma_wait3A_73] : memref<128x10000xf32, #tpu.memory_space<hbm>> -> memref<1x10000xf32, #tpu.memory_space<hbm>>
    %dma_wait3A_75 = tpu.memref_squeeze %dma_wait3A_74 : memref<1x10000xf32, #tpu.memory_space<hbm>> -> memref<10000xf32, #tpu.memory_space<hbm>>
    %dma_wait3A_76 = arith.constant 0 : i32
    %dma_wait3A_77 = tpu.memref_slice %arg2[%add3A_67, %dma_wait3A_76] : memref<128x10000xf32, #tpu.memory_space<hbm>> -> memref<1x10000xf32, #tpu.memory_space<hbm>>
    %dma_wait3A_78 = tpu.memref_squeeze %dma_wait3A_77 : memref<1x10000xf32, #tpu.memory_space<hbm>> -> memref<10000xf32, #tpu.memory_space<hbm>>
    tpu.wait_dma2 semaphore(%arg17 : memref<!tpu.dma_semaphore, #tpu.memory_space<semaphore_mem>>) src(%dma_wait3A_78 : memref<10000xf32, #tpu.memory_space<hbm>>) dst(%arg9 : memref<10000xf32, #tpu.memory_space<vmem>>)
    %add3A_79 = arith.constant 1 : i32
    %add3A_80 = arith.addi %mul3A_2, %add3A_79 : i32
    %dma_wait3A_81 = arith.constant 0 : i32
    %dma_wait3A_82 = tpu.memref_slice %arg2[%add3A_80, %dma_wait3A_81] : memref<128x10000xf32, #tpu.memory_space<hbm>> -> memref<1x10000xf32, #tpu.memory_space<hbm>>
    %dma_wait3A_83 = tpu.memref_squeeze %dma_wait3A_82 : memref<1x10000xf32, #tpu.memory_space<hbm>> -> memref<10000xf32, #tpu.memory_space<hbm>>
    %dma_wait3A_84 = arith.constant 0 : i32
    %dma_wait3A_85 = tpu.memref_slice %arg2[%add3A_80, %dma_wait3A_84] : memref<128x10000xf32, #tpu.memory_space<hbm>> -> memref<1x10000xf32, #tpu.memory_space<hbm>>
    %dma_wait3A_86 = tpu.memref_squeeze %dma_wait3A_85 : memref<1x10000xf32, #tpu.memory_space<hbm>> -> memref<10000xf32, #tpu.memory_space<hbm>>
    tpu.wait_dma2 semaphore(%arg17 : memref<!tpu.dma_semaphore, #tpu.memory_space<semaphore_mem>>) src(%dma_wait3A_86 : memref<10000xf32, #tpu.memory_space<hbm>>) dst(%arg6 : memref<10000xf32, #tpu.memory_space<vmem>>)
    %dma_wait3A_87 = arith.constant 0 : i32
    %dma_wait3A_88 = tpu.memref_slice %arg2[%add3A_80, %dma_wait3A_87] : memref<128x10000xf32, #tpu.memory_space<hbm>> -> memref<1x10000xf32, #tpu.memory_space<hbm>>
    %dma_wait3A_89 = tpu.memref_squeeze %dma_wait3A_88 : memref<1x10000xf32, #tpu.memory_space<hbm>> -> memref<10000xf32, #tpu.memory_space<hbm>>
    %dma_wait3A_90 = arith.constant 0 : i32
    %dma_wait3A_91 = tpu.memref_slice %arg2[%add3A_80, %dma_wait3A_90] : memref<128x10000xf32, #tpu.memory_space<hbm>> -> memref<1x10000xf32, #tpu.memory_space<hbm>>
    %dma_wait3A_92 = tpu.memref_squeeze %dma_wait3A_91 : memref<1x10000xf32, #tpu.memory_space<hbm>> -> memref<10000xf32, #tpu.memory_space<hbm>>
    tpu.wait_dma2 semaphore(%arg17 : memref<!tpu.dma_semaphore, #tpu.memory_space<semaphore_mem>>) src(%dma_wait3A_92 : memref<10000xf32, #tpu.memory_space<hbm>>) dst(%arg10 : memref<10000xf32, #tpu.memory_space<vmem>>)
    %add3A_93 = arith.constant 2 : i32
    %add3A_94 = arith.addi %mul3A_2, %add3A_93 : i32
    %dma_wait3A_95 = arith.constant 0 : i32
    %dma_wait3A_96 = tpu.memref_slice %arg2[%add3A_94, %dma_wait3A_95] : memref<128x10000xf32, #tpu.memory_space<hbm>> -> memref<1x10000xf32, #tpu.memory_space<hbm>>
    %dma_wait3A_97 = tpu.memref_squeeze %dma_wait3A_96 : memref<1x10000xf32, #tpu.memory_space<hbm>> -> memref<10000xf32, #tpu.memory_space<hbm>>
    %dma_wait3A_98 = arith.constant 0 : i32
    %dma_wait3A_99 = tpu.memref_slice %arg2[%add3A_94, %dma_wait3A_98] : memref<128x10000xf32, #tpu.memory_space<hbm>> -> memref<1x10000xf32, #tpu.memory_space<hbm>>
    %dma_wait3A_100 = tpu.memref_squeeze %dma_wait3A_99 : memref<1x10000xf32, #tpu.memory_space<hbm>> -> memref<10000xf32, #tpu.memory_space<hbm>>
    tpu.wait_dma2 semaphore(%arg17 : memref<!tpu.dma_semaphore, #tpu.memory_space<semaphore_mem>>) src(%dma_wait3A_100 : memref<10000xf32, #tpu.memory_space<hbm>>) dst(%arg7 : memref<10000xf32, #tpu.memory_space<vmem>>)
    %dma_wait3A_101 = arith.constant 0 : i32
    %dma_wait3A_102 = tpu.memref_slice %arg2[%add3A_94, %dma_wait3A_101] : memref<128x10000xf32, #tpu.memory_space<hbm>> -> memref<1x10000xf32, #tpu.memory_space<hbm>>
    %dma_wait3A_103 = tpu.memref_squeeze %dma_wait3A_102 : memref<1x10000xf32, #tpu.memory_space<hbm>> -> memref<10000xf32, #tpu.memory_space<hbm>>
    %dma_wait3A_104 = arith.constant 0 : i32
    %dma_wait3A_105 = tpu.memref_slice %arg2[%add3A_94, %dma_wait3A_104] : memref<128x10000xf32, #tpu.memory_space<hbm>> -> memref<1x10000xf32, #tpu.memory_space<hbm>>
    %dma_wait3A_106 = tpu.memref_squeeze %dma_wait3A_105 : memref<1x10000xf32, #tpu.memory_space<hbm>> -> memref<10000xf32, #tpu.memory_space<hbm>>
    tpu.wait_dma2 semaphore(%arg17 : memref<!tpu.dma_semaphore, #tpu.memory_space<semaphore_mem>>) src(%dma_wait3A_106 : memref<10000xf32, #tpu.memory_space<hbm>>) dst(%arg11 : memref<10000xf32, #tpu.memory_space<vmem>>)
    %add3A_107 = arith.constant 3 : i32
    %add3A_108 = arith.addi %mul3A_2, %add3A_107 : i32
    %dma_wait3A_109 = arith.constant 0 : i32
    %dma_wait3A_110 = tpu.memref_slice %arg2[%add3A_108, %dma_wait3A_109] : memref<128x10000xf32, #tpu.memory_space<hbm>> -> memref<1x10000xf32, #tpu.memory_space<hbm>>
    %dma_wait3A_111 = tpu.memref_squeeze %dma_wait3A_110 : memref<1x10000xf32, #tpu.memory_space<hbm>> -> memref<10000xf32, #tpu.memory_space<hbm>>
    %dma_wait3A_112 = arith.constant 0 : i32
    %dma_wait3A_113 = tpu.memref_slice %arg2[%add3A_108, %dma_wait3A_112] : memref<128x10000xf32, #tpu.memory_space<hbm>> -> memref<1x10000xf32, #tpu.memory_space<hbm>>
    %dma_wait3A_114 = tpu.memref_squeeze %dma_wait3A_113 : memref<1x10000xf32, #tpu.memory_space<hbm>> -> memref<10000xf32, #tpu.memory_space<hbm>>
    tpu.wait_dma2 semaphore(%arg17 : memref<!tpu.dma_semaphore, #tpu.memory_space<semaphore_mem>>) src(%dma_wait3A_114 : memref<10000xf32, #tpu.memory_space<hbm>>) dst(%arg8 : memref<10000xf32, #tpu.memory_space<vmem>>)
    %dma_wait3A_115 = arith.constant 0 : i32
    %dma_wait3A_116 = tpu.memref_slice %arg2[%add3A_108, %dma_wait3A_115] : memref<128x10000xf32, #tpu.memory_space<hbm>> -> memref<1x10000xf32, #tpu.memory_space<hbm>>
    %dma_wait3A_117 = tpu.memref_squeeze %dma_wait3A_116 : memref<1x10000xf32, #tpu.memory_space<hbm>> -> memref<10000xf32, #tpu.memory_space<hbm>>
    %dma_wait3A_118 = arith.constant 0 : i32
    %dma_wait3A_119 = tpu.memref_slice %arg2[%add3A_108, %dma_wait3A_118] : memref<128x10000xf32, #tpu.memory_space<hbm>> -> memref<1x10000xf32, #tpu.memory_space<hbm>>
    %dma_wait3A_120 = tpu.memref_squeeze %dma_wait3A_119 : memref<1x10000xf32, #tpu.memory_space<hbm>> -> memref<10000xf32, #tpu.memory_space<hbm>>
    tpu.wait_dma2 semaphore(%arg17 : memref<!tpu.dma_semaphore, #tpu.memory_space<semaphore_mem>>) src(%dma_wait3A_120 : memref<10000xf32, #tpu.memory_space<hbm>>) dst(%arg12 : memref<10000xf32, #tpu.memory_space<vmem>>)
    %broadcast_in_dim3A = arith.constant 65535 : i32
    %broadcast_in_dim3A_121 = vector.broadcast %broadcast_in_dim3A : i32 to vector<16xi32>
    %scan3A = arith.constant 0 : i32
    %scan3A_122 = arith.constant 0 : i32
    %scan3A_123 = arith.constant 8 : i32
    %scan3A_124 = arith.addi %scan3A_122, %scan3A_123 : i32
    %scan3A_125 = arith.constant 1 : i32
    %scan3A_126 = scf.for %scan3A_136 = %scan3A_122 to %scan3A_124 step %scan3A_125 iter_args(%scan3A_137 = %scan3A) -> (i32)  : i32 {
      %mul3A_138 = arith.constant 2 : i32
      %mul3A_139 = arith.muli %scan3A_136, %mul3A_138 : i32
      %add3A_140 = arith.constant 0 : i32
      %add3A_141 = arith.addi %mul3A_139, %add3A_140 : i32
      %dma_wait3A_142 = arith.constant 0 : i32
      %dma_wait3A_143 = tpu.memref_slice %arg3[%dma_wait3A_142] : memref<320000xi32, #tpu.memory_space<hbm>> -> memref<20000xi32, #tpu.memory_space<hbm>>
      %dma_wait3A_144 = arith.constant 0 : i32
      %dma_wait3A_145 = tpu.memref_slice %arg3[%dma_wait3A_144] : memref<320000xi32, #tpu.memory_space<hbm>> -> memref<20000xi32, #tpu.memory_space<hbm>>
      tpu.wait_dma2 semaphore(%arg15 : memref<!tpu.dma_semaphore, #tpu.memory_space<semaphore_mem>>) src(%dma_wait3A_145 : memref<20000xi32, #tpu.memory_space<hbm>>) dst(%arg13 : memref<20000xi32, #tpu.memory_space<vmem>>)
      %parallel_loop3A = arith.constant 0 : i32
      %parallel_loop3A_146 = arith.constant 1250 : i32
      %parallel_loop3A_147 = arith.constant 1 : i32
      scf.for %parallel_loop3A_171 = %parallel_loop3A to %parallel_loop3A_146 step %parallel_loop3A_147  : i32 {
        %parallel_loop3A_172 = arith.constant 16 : i32
        %parallel_loop3A_173 = arith.muli %parallel_loop3A_171, %parallel_loop3A_172 : i32
        %parallel_loop3A_174 = arith.index_cast %parallel_loop3A_173 : i32 to index
        %parallel_loop3A_175 = tpu.vector_load %arg13[%parallel_loop3A_174] {strides = array<i32>} : memref<20000xi32, #tpu.memory_space<vmem>>, vector<16xi32>,
        %parallel_loop3A_176 = arith.andi %parallel_loop3A_175, %broadcast_in_dim3A_121 : vector<16xi32>
        %parallel_loop3A_177 = arith.constant 16 : i32
        %parallel_loop3A_178 = vector.broadcast %parallel_loop3A_177 : i32 to vector<16xi32>
        %parallel_loop3A_179 = arith.shrui %parallel_loop3A_175, %parallel_loop3A_178 : vector<16xi32>
        %parallel_loop3A_180 = tpu.vector_load_idx %arg5[%parallel_loop3A_176] : memref<10000xf32, #tpu.memory_space<vmem>>[vector<16xi32>], vector<16xf32>,
        %parallel_loop3A_181 = tpu.vector_load_idx %arg6[%parallel_loop3A_176] : memref<10000xf32, #tpu.memory_space<vmem>>[vector<16xi32>], vector<16xf32>,
        %parallel_loop3A_182 = tpu.vector_load_idx %arg7[%parallel_loop3A_176] : memref<10000xf32, #tpu.memory_space<vmem>>[vector<16xi32>], vector<16xf32>,
        %parallel_loop3A_183 = tpu.vector_load_idx %arg8[%parallel_loop3A_176] : memref<10000xf32, #tpu.memory_space<vmem>>[vector<16xi32>], vector<16xf32>,
        tpu.vector_store_idx %arg9[%parallel_loop3A_179], %parallel_loop3A_180 {add = true} : memref<10000xf32, #tpu.memory_space<vmem>>[vector<16xi32>], vector<16xf32>,
        tpu.vector_store_idx %arg10[%parallel_loop3A_179], %parallel_loop3A_181 {add = true} : memref<10000xf32, #tpu.memory_space<vmem>>[vector<16xi32>], vector<16xf32>,
        tpu.vector_store_idx %arg11[%parallel_loop3A_179], %parallel_loop3A_182 {add = true} : memref<10000xf32, #tpu.memory_space<vmem>>[vector<16xi32>], vector<16xf32>,
        tpu.vector_store_idx %arg12[%parallel_loop3A_179], %parallel_loop3A_183 {add = true} : memref<10000xf32, #tpu.memory_space<vmem>>[vector<16xi32>], vector<16xf32>,
      } {sc.loop_unroll_factor = 4 : i64, sc.parallel_access}
      %add3A_148 = arith.constant 2 : i32
      %add3A_149 = arith.addi %add3A_141, %add3A_148 : i32
      %lt3A = arith.constant 16 : i32
      %lt3A_150 = arith.cmpi slt, %add3A_149, %lt3A : i32
      %convert_element_type3A = arith.extui %lt3A_150 : i1 to i32
      %cond3A = arith.constant 0 : i32
      %cond3A_151 = arith.cmpi ne, %convert_element_type3A, %cond3A : i32
      scf.if %cond3A_151 {
        %add3A_171 = arith.constant 2 : i32
        %add3A_172 = arith.addi %add3A_141, %add3A_171 : i32
        %mul3A_173 = arith.constant 20000 : i32
        %mul3A_174 = arith.muli %add3A_172, %mul3A_173 : i32
        %dma_start3A_175 = tpu.memref_slice %arg3[%mul3A_174] : memref<320000xi32, #tpu.memory_space<hbm>> -> memref<20000xi32, #tpu.memory_space<hbm>>
        %dma_start3A_176 = tpu.memref_slice %arg3[%mul3A_174] : memref<320000xi32, #tpu.memory_space<hbm>> -> memref<20000xi32, #tpu.memory_space<hbm>>
        tpu.enqueue_dma source(%dma_start3A_176 : memref<20000xi32, #tpu.memory_space<hbm>>) target(%arg13 : memref<20000xi32, #tpu.memory_space<vmem>>) target_semaphore(%arg15 : memref<!tpu.dma_semaphore, #tpu.memory_space<semaphore_mem>>)
      } else {
      }
      %mul3A_152 = arith.constant 2 : i32
      %mul3A_153 = arith.muli %scan3A_136, %mul3A_152 : i32
      %add3A_154 = arith.constant 1 : i32
      %add3A_155 = arith.addi %mul3A_153, %add3A_154 : i32
      %dma_wait3A_156 = arith.constant 0 : i32
      %dma_wait3A_157 = tpu.memref_slice %arg3[%dma_wait3A_156] : memref<320000xi32, #tpu.memory_space<hbm>> -> memref<20000xi32, #tpu.memory_space<hbm>>
      %dma_wait3A_158 = arith.constant 0 : i32
      %dma_wait3A_159 = tpu.memref_slice %arg3[%dma_wait3A_158] : memref<320000xi32, #tpu.memory_space<hbm>> -> memref<20000xi32, #tpu.memory_space<hbm>>
      tpu.wait_dma2 semaphore(%arg16 : memref<!tpu.dma_semaphore, #tpu.memory_space<semaphore_mem>>) src(%dma_wait3A_159 : memref<20000xi32, #tpu.memory_space<hbm>>) dst(%arg14 : memref<20000xi32, #tpu.memory_space<vmem>>)
      %parallel_loop3A_160 = arith.constant 0 : i32
      %parallel_loop3A_161 = arith.constant 1250 : i32
      %parallel_loop3A_162 = arith.constant 1 : i32
      scf.for %parallel_loop3A_171 = %parallel_loop3A_160 to %parallel_loop3A_161 step %parallel_loop3A_162  : i32 {
        %parallel_loop3A_172 = arith.constant 16 : i32
        %parallel_loop3A_173 = arith.muli %parallel_loop3A_171, %parallel_loop3A_172 : i32
        %parallel_loop3A_174 = arith.index_cast %parallel_loop3A_173 : i32 to index
        %parallel_loop3A_175 = tpu.vector_load %arg14[%parallel_loop3A_174] {strides = array<i32>} : memref<20000xi32, #tpu.memory_space<vmem>>, vector<16xi32>,
        %parallel_loop3A_176 = arith.andi %parallel_loop3A_175, %broadcast_in_dim3A_121 : vector<16xi32>
        %parallel_loop3A_177 = arith.constant 16 : i32
        %parallel_loop3A_178 = vector.broadcast %parallel_loop3A_177 : i32 to vector<16xi32>
        %parallel_loop3A_179 = arith.shrui %parallel_loop3A_175, %parallel_loop3A_178 : vector<16xi32>
        %parallel_loop3A_180 = tpu.vector_load_idx %arg5[%parallel_loop3A_176] : memref<10000xf32, #tpu.memory_space<vmem>>[vector<16xi32>], vector<16xf32>,
        %parallel_loop3A_181 = tpu.vector_load_idx %arg6[%parallel_loop3A_176] : memref<10000xf32, #tpu.memory_space<vmem>>[vector<16xi32>], vector<16xf32>,
        %parallel_loop3A_182 = tpu.vector_load_idx %arg7[%parallel_loop3A_176] : memref<10000xf32, #tpu.memory_space<vmem>>[vector<16xi32>], vector<16xf32>,
        %parallel_loop3A_183 = tpu.vector_load_idx %arg8[%parallel_loop3A_176] : memref<10000xf32, #tpu.memory_space<vmem>>[vector<16xi32>], vector<16xf32>,
        tpu.vector_store_idx %arg9[%parallel_loop3A_179], %parallel_loop3A_180 {add = true} : memref<10000xf32, #tpu.memory_space<vmem>>[vector<16xi32>], vector<16xf32>,
        tpu.vector_store_idx %arg10[%parallel_loop3A_179], %parallel_loop3A_181 {add = true} : memref<10000xf32, #tpu.memory_space<vmem>>[vector<16xi32>], vector<16xf32>,
        tpu.vector_store_idx %arg11[%parallel_loop3A_179], %parallel_loop3A_182 {add = true} : memref<10000xf32, #tpu.memory_space<vmem>>[vector<16xi32>], vector<16xf32>,
        tpu.vector_store_idx %arg12[%parallel_loop3A_179], %parallel_loop3A_183 {add = true} : memref<10000xf32, #tpu.memory_space<vmem>>[vector<16xi32>], vector<16xf32>,
      } {sc.loop_unroll_factor = 4 : i64, sc.parallel_access}
      %add3A_163 = arith.constant 2 : i32
      %add3A_164 = arith.addi %add3A_155, %add3A_163 : i32
      %lt3A_165 = arith.constant 16 : i32
      %lt3A_166 = arith.cmpi slt, %add3A_164, %lt3A_165 : i32
      %convert_element_type3A_167 = arith.extui %lt3A_166 : i1 to i32
      %cond3A_168 = arith.constant 0 : i32
      %cond3A_169 = arith.cmpi ne, %convert_element_type3A_167, %cond3A_168 : i32
      scf.if %cond3A_169 {
        %add3A_171 = arith.constant 2 : i32
        %add3A_172 = arith.addi %add3A_155, %add3A_171 : i32
        %mul3A_173 = arith.constant 20000 : i32
        %mul3A_174 = arith.muli %add3A_172, %mul3A_173 : i32
        %dma_start3A_175 = tpu.memref_slice %arg3[%mul3A_174] : memref<320000xi32, #tpu.memory_space<hbm>> -> memref<20000xi32, #tpu.memory_space<hbm>>
        %dma_start3A_176 = tpu.memref_slice %arg3[%mul3A_174] : memref<320000xi32, #tpu.memory_space<hbm>> -> memref<20000xi32, #tpu.memory_space<hbm>>
        tpu.enqueue_dma source(%dma_start3A_176 : memref<20000xi32, #tpu.memory_space<hbm>>) target(%arg14 : memref<20000xi32, #tpu.memory_space<vmem>>) target_semaphore(%arg16 : memref<!tpu.dma_semaphore, #tpu.memory_space<semaphore_mem>>)
      } else {
      }
      %scan3A_170 = arith.constant 0 : i32
      scf.yield %scan3A_170 : i32
    }
    %scan3A_127 = arith.constant 8 : i32
    %add3A_128 = arith.constant 0 : i32
    %add3A_129 = arith.addi %mul3A_2, %add3A_128 : i32
    "tpu.region"() ({
      %run_scoped3A = tpu.sem_alloc : memref<!tpu.dma_semaphore, #tpu.memory_space<semaphore_mem>>
      %dma_start3A_136 = arith.constant 0 : i32
      %dma_start3A_137 = tpu.memref_slice %arg4[%add3A_129, %dma_start3A_136] : memref<128x10000xf32, #tpu.memory_space<hbm>> -> memref<1x10000xf32, #tpu.memory_space<hbm>>
      %dma_start3A_138 = tpu.memref_squeeze %dma_start3A_137 : memref<1x10000xf32, #tpu.memory_space<hbm>> -> memref<10000xf32, #tpu.memory_space<hbm>>
      %dma_start3A_139 = arith.constant 0 : i32
      %dma_start3A_140 = tpu.memref_slice %arg4[%add3A_129, %dma_start3A_139] : memref<128x10000xf32, #tpu.memory_space<hbm>> -> memref<1x10000xf32, #tpu.memory_space<hbm>>
      %dma_start3A_141 = tpu.memref_squeeze %dma_start3A_140 : memref<1x10000xf32, #tpu.memory_space<hbm>> -> memref<10000xf32, #tpu.memory_space<hbm>>
      tpu.enqueue_dma source(%arg9 : memref<10000xf32, #tpu.memory_space<vmem>>) target(%dma_start3A_141 : memref<10000xf32, #tpu.memory_space<hbm>>) target_semaphore(%run_scoped3A : memref<!tpu.dma_semaphore, #tpu.memory_space<semaphore_mem>>)
      %dma_wait3A_142 = arith.constant 0 : i32
      %dma_wait3A_143 = tpu.memref_slice %arg4[%add3A_129, %dma_wait3A_142] : memref<128x10000xf32, #tpu.memory_space<hbm>> -> memref<1x10000xf32, #tpu.memory_space<hbm>>
      %dma_wait3A_144 = tpu.memref_squeeze %dma_wait3A_143 : memref<1x10000xf32, #tpu.memory_space<hbm>> -> memref<10000xf32, #tpu.memory_space<hbm>>
      %dma_wait3A_145 = arith.constant 0 : i32
      %dma_wait3A_146 = tpu.memref_slice %arg4[%add3A_129, %dma_wait3A_145] : memref<128x10000xf32, #tpu.memory_space<hbm>> -> memref<1x10000xf32, #tpu.memory_space<hbm>>
      %dma_wait3A_147 = tpu.memref_squeeze %dma_wait3A_146 : memref<1x10000xf32, #tpu.memory_space<hbm>> -> memref<10000xf32, #tpu.memory_space<hbm>>
      tpu.wait_dma2 semaphore(%run_scoped3A : memref<!tpu.dma_semaphore, #tpu.memory_space<semaphore_mem>>) src(%arg9 : memref<10000xf32, #tpu.memory_space<vmem>>) dst(%dma_wait3A_147 : memref<10000xf32, #tpu.memory_space<hbm>>)
      tpu.yield
    }) : () -> ()
    %add3A_130 = arith.constant 1 : i32
    %add3A_131 = arith.addi %mul3A_2, %add3A_130 : i32
    "tpu.region"() ({
      %run_scoped3A = tpu.sem_alloc : memref<!tpu.dma_semaphore, #tpu.memory_space<semaphore_mem>>
      %dma_start3A_136 = arith.constant 0 : i32
      %dma_start3A_137 = tpu.memref_slice %arg4[%add3A_131, %dma_start3A_136] : memref<128x10000xf32, #tpu.memory_space<hbm>> -> memref<1x10000xf32, #tpu.memory_space<hbm>>
      %dma_start3A_138 = tpu.memref_squeeze %dma_start3A_137 : memref<1x10000xf32, #tpu.memory_space<hbm>> -> memref<10000xf32, #tpu.memory_space<hbm>>
      %dma_start3A_139 = arith.constant 0 : i32
      %dma_start3A_140 = tpu.memref_slice %arg4[%add3A_131, %dma_start3A_139] : memref<128x10000xf32, #tpu.memory_space<hbm>> -> memref<1x10000xf32, #tpu.memory_space<hbm>>
      %dma_start3A_141 = tpu.memref_squeeze %dma_start3A_140 : memref<1x10000xf32, #tpu.memory_space<hbm>> -> memref<10000xf32, #tpu.memory_space<hbm>>
      tpu.enqueue_dma source(%arg10 : memref<10000xf32, #tpu.memory_space<vmem>>) target(%dma_start3A_141 : memref<10000xf32, #tpu.memory_space<hbm>>) target_semaphore(%run_scoped3A : memref<!tpu.dma_semaphore, #tpu.memory_space<semaphore_mem>>)
      %dma_wait3A_142 = arith.constant 0 : i32
      %dma_wait3A_143 = tpu.memref_slice %arg4[%add3A_131, %dma_wait3A_142] : memref<128x10000xf32, #tpu.memory_space<hbm>> -> memref<1x10000xf32, #tpu.memory_space<hbm>>
      %dma_wait3A_144 = tpu.memref_squeeze %dma_wait3A_143 : memref<1x10000xf32, #tpu.memory_space<hbm>> -> memref<10000xf32, #tpu.memory_space<hbm>>
      %dma_wait3A_145 = arith.constant 0 : i32
      %dma_wait3A_146 = tpu.memref_slice %arg4[%add3A_131, %dma_wait3A_145] : memref<128x10000xf32, #tpu.memory_space<hbm>> -> memref<1x10000xf32, #tpu.memory_space<hbm>>
      %dma_wait3A_147 = tpu.memref_squeeze %dma_wait3A_146 : memref<1x10000xf32, #tpu.memory_space<hbm>> -> memref<10000xf32, #tpu.memory_space<hbm>>
      tpu.wait_dma2 semaphore(%run_scoped3A : memref<!tpu.dma_semaphore, #tpu.memory_space<semaphore_mem>>) src(%arg10 : memref<10000xf32, #tpu.memory_space<vmem>>) dst(%dma_wait3A_147 : memref<10000xf32, #tpu.memory_space<hbm>>)
      tpu.yield
    }) : () -> ()
    %add3A_132 = arith.constant 2 : i32
    %add3A_133 = arith.addi %mul3A_2, %add3A_132 : i32
    "tpu.region"() ({
      %run_scoped3A = tpu.sem_alloc : memref<!tpu.dma_semaphore, #tpu.memory_space<semaphore_mem>>
      %dma_start3A_136 = arith.constant 0 : i32
      %dma_start3A_137 = tpu.memref_slice %arg4[%add3A_133, %dma_start3A_136] : memref<128x10000xf32, #tpu.memory_space<hbm>> -> memref<1x10000xf32, #tpu.memory_space<hbm>>
      %dma_start3A_138 = tpu.memref_squeeze %dma_start3A_137 : memref<1x10000xf32, #tpu.memory_space<hbm>> -> memref<10000xf32, #tpu.memory_space<hbm>>
      %dma_start3A_139 = arith.constant 0 : i32
      %dma_start3A_140 = tpu.memref_slice %arg4[%add3A_133, %dma_start3A_139] : memref<128x10000xf32, #tpu.memory_space<hbm>> -> memref<1x10000xf32, #tpu.memory_space<hbm>>
      %dma_start3A_141 = tpu.memref_squeeze %dma_start3A_140 : memref<1x10000xf32, #tpu.memory_space<hbm>> -> memref<10000xf32, #tpu.memory_space<hbm>>
      tpu.enqueue_dma source(%arg11 : memref<10000xf32, #tpu.memory_space<vmem>>) target(%dma_start3A_141 : memref<10000xf32, #tpu.memory_space<hbm>>) target_semaphore(%run_scoped3A : memref<!tpu.dma_semaphore, #tpu.memory_space<semaphore_mem>>)
      %dma_wait3A_142 = arith.constant 0 : i32
      %dma_wait3A_143 = tpu.memref_slice %arg4[%add3A_133, %dma_wait3A_142] : memref<128x10000xf32, #tpu.memory_space<hbm>> -> memref<1x10000xf32, #tpu.memory_space<hbm>>
      %dma_wait3A_144 = tpu.memref_squeeze %dma_wait3A_143 : memref<1x10000xf32, #tpu.memory_space<hbm>> -> memref<10000xf32, #tpu.memory_space<hbm>>
      %dma_wait3A_145 = arith.constant 0 : i32
      %dma_wait3A_146 = tpu.memref_slice %arg4[%add3A_133, %dma_wait3A_145] : memref<128x10000xf32, #tpu.memory_space<hbm>> -> memref<1x10000xf32, #tpu.memory_space<hbm>>
      %dma_wait3A_147 = tpu.memref_squeeze %dma_wait3A_146 : memref<1x10000xf32, #tpu.memory_space<hbm>> -> memref<10000xf32, #tpu.memory_space<hbm>>
      tpu.wait_dma2 semaphore(%run_scoped3A : memref<!tpu.dma_semaphore, #tpu.memory_space<semaphore_mem>>) src(%arg11 : memref<10000xf32, #tpu.memory_space<vmem>>) dst(%dma_wait3A_147 : memref<10000xf32, #tpu.memory_space<hbm>>)
      tpu.yield
    }) : () -> ()
    %add3A_134 = arith.constant 3 : i32
    %add3A_135 = arith.addi %mul3A_2, %add3A_134 : i32
    "tpu.region"() ({
      %run_scoped3A = tpu.sem_alloc : memref<!tpu.dma_semaphore, #tpu.memory_space<semaphore_mem>>
      %dma_start3A_136 = arith.constant 0 : i32
      %dma_start3A_137 = tpu.memref_slice %arg4[%add3A_135, %dma_start3A_136] : memref<128x10000xf32, #tpu.memory_space<hbm>> -> memref<1x10000xf32, #tpu.memory_space<hbm>>
      %dma_start3A_138 = tpu.memref_squeeze %dma_start3A_137 : memref<1x10000xf32, #tpu.memory_space<hbm>> -> memref<10000xf32, #tpu.memory_space<hbm>>
      %dma_start3A_139 = arith.constant 0 : i32
      %dma_start3A_140 = tpu.memref_slice %arg4[%add3A_135, %dma_start3A_139] : memref<128x10000xf32, #tpu.memory_space<hbm>> -> memref<1x10000xf32, #tpu.memory_space<hbm>>
      %dma_start3A_141 = tpu.memref_squeeze %dma_start3A_140 : memref<1x10000xf32, #tpu.memory_space<hbm>> -> memref<10000xf32, #tpu.memory_space<hbm>>
      tpu.enqueue_dma source(%arg12 : memref<10000xf32, #tpu.memory_space<vmem>>) target(%dma_start3A_141 : memref<10000xf32, #tpu.memory_space<hbm>>) target_semaphore(%run_scoped3A : memref<!tpu.dma_semaphore, #tpu.memory_space<semaphore_mem>>)
      %dma_wait3A_142 = arith.constant 0 : i32
      %dma_wait3A_143 = tpu.memref_slice %arg4[%add3A_135, %dma_wait3A_142] : memref<128x10000xf32, #tpu.memory_space<hbm>> -> memref<1x10000xf32, #tpu.memory_space<hbm>>
      %dma_wait3A_144 = tpu.memref_squeeze %dma_wait3A_143 : memref<1x10000xf32, #tpu.memory_space<hbm>> -> memref<10000xf32, #tpu.memory_space<hbm>>
      %dma_wait3A_145 = arith.constant 0 : i32
      %dma_wait3A_146 = tpu.memref_slice %arg4[%add3A_135, %dma_wait3A_145] : memref<128x10000xf32, #tpu.memory_space<hbm>> -> memref<1x10000xf32, #tpu.memory_space<hbm>>
      %dma_wait3A_147 = tpu.memref_squeeze %dma_wait3A_146 : memref<1x10000xf32, #tpu.memory_space<hbm>> -> memref<10000xf32, #tpu.memory_space<hbm>>
      tpu.wait_dma2 semaphore(%run_scoped3A : memref<!tpu.dma_semaphore, #tpu.memory_space<semaphore_mem>>) src(%arg12 : memref<10000xf32, #tpu.memory_space<vmem>>) dst(%dma_wait3A_147 : memref<10000xf32, #tpu.memory_space<hbm>>)
      tpu.yield
    }) : () -> ()
    return
  }
}

module attributes {stable_mosaic.version = 14 : i64} {
  func.func @_tc_first_body(%arg0: memref<10000x128xf32, #tpu.memory_space<vmem>>, %arg1: memref<128x128xf32, #tpu.memory_space<vmem>>, %arg2: memref<32x10000xf32, #tpu.memory_space<vmem>>, %arg3: memref<128x10000xf32, #tpu.memory_space<vmem>>, %arg4: memref<1x10000xf32, #tpu.memory_space<vmem>>) attributes {dimension_semantics = [], scalar_prefetch = 0 : i64, scratch_operands = 0 : i64, tpu.core_type = #tpu.core_type<tc>} {
    %get3A = arith.constant 0 : index
    %get3A_0 = arith.constant 0 : index
    %get3A_1 = vector.load %arg2[%get3A, %get3A_0] : memref<32x10000xf32, #tpu.memory_space<vmem>>, vector<32x10000xf32>
    %reduce_sum3A = arith.constant dense<0.000000e+00> : vector<10000xf32>
    %reduce_sum3A_2 = vector.multi_reduction <add>, %get3A_1, %reduce_sum3A [0] : vector<32x10000xf32> to vector<10000xf32>
    %broadcast_in_dim3A = vector.shape_cast %reduce_sum3A_2 : vector<10000xf32> to vector<1x10000xf32>
    %add3A = arith.constant 1.000000e+00 : f32
    %add3A_3 = vector.broadcast %add3A : f32 to vector<1x10000xf32>
    %add3A_4 = arith.addf %broadcast_in_dim3A, %add3A_3 : vector<1x10000xf32>
    %rsqrt3A = math.rsqrt %add3A_4 : vector<1x10000xf32>
    %get3A_5 = arith.constant 0 : index
    %get3A_6 = arith.constant 0 : index
    %get3A_7 = vector.load %arg1[%get3A_5, %get3A_6] : memref<128x128xf32, #tpu.memory_space<vmem>>, vector<128x128xf32>
    %get3A_8 = arith.constant 0 : index
    %get3A_9 = arith.constant 0 : index
    %get3A_10 = vector.load %arg0[%get3A_8, %get3A_9] : memref<10000x128xf32, #tpu.memory_space<vmem>>, vector<10000x128xf32>
    %dot_general3A = arith.constant dense<0.000000e+00> : vector<128x10000xf32>
    %dot_general3A_11 = tpu.matmul %get3A_7, %get3A_10, %dot_general3A {dimension_numbers = #tpu.dot_dimension_numbers<[0], [1], [1], [0], [0, 1, 1, 0], [], []>, transpose_lhs_hint = false} : vector<128x128xf32>, vector<10000x128xf32>, vector<128x10000xf32> -> vector<128x10000xf32>
    %mul3A = vector.broadcast %rsqrt3A : vector<1x10000xf32> to vector<128x10000xf32>
    %mul3A_12 = arith.mulf %dot_general3A_11, %mul3A : vector<128x10000xf32>
    %swap3A = arith.constant 0 : index
    %swap3A_13 = arith.constant 0 : index
    %swap3A_14 = vector.load %arg3[%swap3A, %swap3A_13] : memref<128x10000xf32, #tpu.memory_space<vmem>>, vector<128x10000xf32>
    tpu.vector_store %arg3[%swap3A, %swap3A_13], %mul3A_12 {strides = array<i32>} : memref<128x10000xf32, #tpu.memory_space<vmem>>, vector<128x10000xf32>,
    %swap3A_15 = arith.constant 0 : index
    %swap3A_16 = arith.constant 0 : index
    %swap3A_17 = vector.load %arg4[%swap3A_15, %swap3A_16] : memref<1x10000xf32, #tpu.memory_space<vmem>>, vector<1x10000xf32>
    tpu.vector_store %arg4[%swap3A_15, %swap3A_16], %rsqrt3A {strides = array<i32>} : memref<1x10000xf32, #tpu.memory_space<vmem>>, vector<1x10000xf32>,
    return
  }
}

module attributes {stable_mosaic.version = 14 : i64} {
  func.func @_tc_pack_body(%arg0: memref<2x320000xi32, #tpu.memory_space<vmem>>, %arg1: memref<1x320000xi32, #tpu.memory_space<vmem>>) attributes {dimension_semantics = [], scalar_prefetch = 0 : i64, scratch_operands = 0 : i64, tpu.core_type = #tpu.core_type<tc>} {
    %get3A = arith.constant 0 : index
    %get3A_0 = arith.constant 0 : index
    %get3A_1 = vector.load %arg0[%get3A, %get3A_0] : memref<2x320000xi32, #tpu.memory_space<vmem>>, vector<1x320000xi32>
    %get3A_2 = arith.constant 1 : index
    %get3A_3 = arith.constant 0 : index
    %get3A_4 = vector.load %arg0[%get3A_2, %get3A_3] : memref<2x320000xi32, #tpu.memory_space<vmem>>, vector<1x320000xi32>
    %shift_left3A = arith.constant 16 : i32
    %shift_left3A_5 = vector.broadcast %shift_left3A : i32 to vector<1x320000xi32>
    %shift_left3A_6 = arith.shli %get3A_4, %shift_left3A_5 : vector<1x320000xi32>
    %or3A = arith.ori %get3A_1, %shift_left3A_6 : vector<1x320000xi32>
    %swap3A = arith.constant 0 : index
    %swap3A_7 = arith.constant 0 : index
    %swap3A_8 = vector.load %arg1[%swap3A, %swap3A_7] : memref<1x320000xi32, #tpu.memory_space<vmem>>, vector<1x320000xi32>
    tpu.vector_store %arg1[%swap3A, %swap3A_7], %or3A {strides = array<i32>} : memref<1x320000xi32, #tpu.memory_space<vmem>>, vector<1x320000xi32>,
    return
  }
}

module attributes {stable_mosaic.version = 14 : i64} {
  func.func @_tc_mid_body(%arg0: memref<128x10000xf32, #tpu.memory_space<vmem>>, %arg1: memref<1x10000xf32, #tpu.memory_space<vmem>>, %arg2: memref<128x1xf32, #tpu.memory_space<vmem>>, %arg3: memref<128x1xf32, #tpu.memory_space<vmem>>, %arg4: memref<128x1xf32, #tpu.memory_space<vmem>>, %arg5: memref<128x128xf32, #tpu.memory_space<vmem>>, %arg6: memref<128x10000xf32, #tpu.memory_space<vmem>>) attributes {dimension_semantics = [], scalar_prefetch = 0 : i64, scratch_operands = 0 : i64, tpu.core_type = #tpu.core_type<tc>} {
    %get3A = arith.constant 0 : index
    %get3A_0 = arith.constant 0 : index
    %get3A_1 = vector.load %arg1[%get3A, %get3A_0] : memref<1x10000xf32, #tpu.memory_space<vmem>>, vector<1x10000xf32>
    %get3A_2 = arith.constant 0 : index
    %get3A_3 = arith.constant 0 : index
    %get3A_4 = vector.load %arg0[%get3A_2, %get3A_3] : memref<128x10000xf32, #tpu.memory_space<vmem>>, vector<128x10000xf32>
    %get3A_5 = arith.constant 0 : index
    %get3A_6 = arith.constant 0 : index
    %get3A_7 = vector.load %arg2[%get3A_5, %get3A_6] : memref<128x1xf32, #tpu.memory_space<vmem>>, vector<128x1xf32>
    %get3A_8 = arith.constant 0 : index
    %get3A_9 = arith.constant 0 : index
    %get3A_10 = vector.load %arg3[%get3A_8, %get3A_9] : memref<128x1xf32, #tpu.memory_space<vmem>>, vector<128x1xf32>
    %get3A_11 = arith.constant 0 : index
    %get3A_12 = arith.constant 0 : index
    %get3A_13 = vector.load %arg4[%get3A_11, %get3A_12] : memref<128x1xf32, #tpu.memory_space<vmem>>, vector<128x1xf32>
    %mul3A = vector.broadcast %get3A_1 : vector<1x10000xf32> to vector<128x10000xf32>
    %mul3A_14 = arith.mulf %get3A_4, %mul3A : vector<128x10000xf32>
    %add3A = vector.broadcast %get3A_7 : vector<128x1xf32> to vector<128x10000xf32>
    %add3A_15 = arith.addf %mul3A_14, %add3A : vector<128x10000xf32>
    %reduce_sum3A = arith.constant dense<0.000000e+00> : vector<128xf32>
    %reduce_sum3A_16 = vector.multi_reduction <add>, %add3A_15, %reduce_sum3A [1] : vector<128x10000xf32> to vector<128xf32>
    %broadcast_in_dim3A = vector.shape_cast %reduce_sum3A_16 : vector<128xf32> to vector<128x1xf32>
    %div3A = arith.constant 1.000000e+04 : f32
    %div3A_17 = vector.broadcast %div3A : f32 to vector<128x1xf32>
    %div3A_18 = arith.divf %broadcast_in_dim3A, %div3A_17 : vector<128x1xf32>
    %sub3A = vector.broadcast %div3A_18 : vector<128x1xf32> to vector<128x10000xf32>
    %sub3A_19 = arith.subf %add3A_15, %sub3A : vector<128x10000xf32>
    %mul3A_20 = arith.mulf %sub3A_19, %sub3A_19 : vector<128x10000xf32>
    %reduce_sum3A_21 = arith.constant dense<0.000000e+00> : vector<128xf32>
    %reduce_sum3A_22 = vector.multi_reduction <add>, %mul3A_20, %reduce_sum3A_21 [1] : vector<128x10000xf32> to vector<128xf32>
    %broadcast_in_dim3A_23 = vector.shape_cast %reduce_sum3A_22 : vector<128xf32> to vector<128x1xf32>
    %div3A_24 = arith.constant 1.000000e+04 : f32
    %div3A_25 = vector.broadcast %div3A_24 : f32 to vector<128x1xf32>
    %div3A_26 = arith.divf %broadcast_in_dim3A_23, %div3A_25 : vector<128x1xf32>
    %add3A_27 = arith.constant 9.99999974E-6 : f32
    %add3A_28 = vector.broadcast %add3A_27 : f32 to vector<128x1xf32>
    %add3A_29 = arith.addf %div3A_26, %add3A_28 : vector<128x1xf32>
    %rsqrt3A = math.rsqrt %add3A_29 : vector<128x1xf32>
    %mul3A_30 = vector.broadcast %rsqrt3A : vector<128x1xf32> to vector<128x10000xf32>
    %mul3A_31 = arith.mulf %sub3A_19, %mul3A_30 : vector<128x10000xf32>
    %mul3A_32 = vector.broadcast %get3A_10 : vector<128x1xf32> to vector<128x10000xf32>
    %mul3A_33 = arith.mulf %mul3A_31, %mul3A_32 : vector<128x10000xf32>
    %add3A_34 = vector.broadcast %get3A_13 : vector<128x1xf32> to vector<128x10000xf32>
    %add3A_35 = arith.addf %mul3A_33, %add3A_34 : vector<128x10000xf32>
    %max3A = arith.constant 0.000000e+00 : f32
    %max3A_36 = vector.broadcast %max3A : f32 to vector<128x10000xf32>
    %max3A_37 = arith.maximumf %add3A_35, %max3A_36 : vector<128x10000xf32>
    %get3A_38 = arith.constant 0 : index
    %get3A_39 = arith.constant 0 : index
    %get3A_40 = vector.load %arg5[%get3A_38, %get3A_39] : memref<128x128xf32, #tpu.memory_space<vmem>>, vector<128x128xf32>
    %dot_general3A = arith.constant dense<0.000000e+00> : vector<128x10000xf32>
    %dot_general3A_41 = tpu.matmul %get3A_40, %max3A_37, %dot_general3A {dimension_numbers = #tpu.dot_dimension_numbers<[0], [0], [1], [1], [0, 1, 1, 1], [], []>, transpose_lhs_hint = false} : vector<128x128xf32>, vector<128x10000xf32>, vector<128x10000xf32> -> vector<128x10000xf32>
    %mul3A_42 = vector.broadcast %get3A_1 : vector<1x10000xf32> to vector<128x10000xf32>
    %mul3A_43 = arith.mulf %dot_general3A_41, %mul3A_42 : vector<128x10000xf32>
    %swap3A = arith.constant 0 : index
    %swap3A_44 = arith.constant 0 : index
    %swap3A_45 = vector.load %arg6[%swap3A, %swap3A_44] : memref<128x10000xf32, #tpu.memory_space<vmem>>, vector<128x10000xf32>
    tpu.vector_store %arg6[%swap3A, %swap3A_44], %mul3A_43 {strides = array<i32>} : memref<128x10000xf32, #tpu.memory_space<vmem>>, vector<128x10000xf32>,
    return
  }
}

module attributes {stable_mosaic.version = 14 : i64} {
  func.func @_tc_final_body(%arg0: memref<128x10000xf32, #tpu.memory_space<vmem>>, %arg1: memref<1x10000xf32, #tpu.memory_space<vmem>>, %arg2: memref<128x1xf32, #tpu.memory_space<vmem>>, %arg3: memref<128x1xf32, #tpu.memory_space<vmem>>, %arg4: memref<128x1xf32, #tpu.memory_space<vmem>>, %arg5: memref<1x10000xi32, #tpu.memory_space<vmem>>, %arg6: memref<128x1xf32, #tpu.memory_space<vmem>>, %arg7: memref<1x1xf32, #tpu.memory_space<vmem>>, %arg8: memref<64x1xf32, #tpu.memory_space<vmem>>) attributes {dimension_semantics = [], scalar_prefetch = 0 : i64, scratch_operands = 0 : i64, tpu.core_type = #tpu.core_type<tc>} {
    %get3A = arith.constant 0 : index
    %get3A_0 = arith.constant 0 : index
    %get3A_1 = vector.load %arg0[%get3A, %get3A_0] : memref<128x10000xf32, #tpu.memory_space<vmem>>, vector<128x10000xf32>
    %get3A_2 = arith.constant 0 : index
    %get3A_3 = arith.constant 0 : index
    %get3A_4 = vector.load %arg1[%get3A_2, %get3A_3] : memref<1x10000xf32, #tpu.memory_space<vmem>>, vector<1x10000xf32>
    %get3A_5 = arith.constant 0 : index
    %get3A_6 = arith.constant 0 : index
    %get3A_7 = vector.load %arg2[%get3A_5, %get3A_6] : memref<128x1xf32, #tpu.memory_space<vmem>>, vector<128x1xf32>
    %get3A_8 = arith.constant 0 : index
    %get3A_9 = arith.constant 0 : index
    %get3A_10 = vector.load %arg3[%get3A_8, %get3A_9] : memref<128x1xf32, #tpu.memory_space<vmem>>, vector<128x1xf32>
    %get3A_11 = arith.constant 0 : index
    %get3A_12 = arith.constant 0 : index
    %get3A_13 = vector.load %arg4[%get3A_11, %get3A_12] : memref<128x1xf32, #tpu.memory_space<vmem>>, vector<128x1xf32>
    %mul3A = vector.broadcast %get3A_4 : vector<1x10000xf32> to vector<128x10000xf32>
    %mul3A_14 = arith.mulf %get3A_1, %mul3A : vector<128x10000xf32>
    %add3A = vector.broadcast %get3A_7 : vector<128x1xf32> to vector<128x10000xf32>
    %add3A_15 = arith.addf %mul3A_14, %add3A : vector<128x10000xf32>
    %reduce_sum3A = arith.constant dense<0.000000e+00> : vector<128xf32>
    %reduce_sum3A_16 = vector.multi_reduction <add>, %add3A_15, %reduce_sum3A [1] : vector<128x10000xf32> to vector<128xf32>
    %broadcast_in_dim3A = vector.shape_cast %reduce_sum3A_16 : vector<128xf32> to vector<128x1xf32>
    %div3A = arith.constant 1.000000e+04 : f32
    %div3A_17 = vector.broadcast %div3A : f32 to vector<128x1xf32>
    %div3A_18 = arith.divf %broadcast_in_dim3A, %div3A_17 : vector<128x1xf32>
    %sub3A = vector.broadcast %div3A_18 : vector<128x1xf32> to vector<128x10000xf32>
    %sub3A_19 = arith.subf %add3A_15, %sub3A : vector<128x10000xf32>
    %mul3A_20 = arith.mulf %sub3A_19, %sub3A_19 : vector<128x10000xf32>
    %reduce_sum3A_21 = arith.constant dense<0.000000e+00> : vector<128xf32>
    %reduce_sum3A_22 = vector.multi_reduction <add>, %mul3A_20, %reduce_sum3A_21 [1] : vector<128x10000xf32> to vector<128xf32>
    %broadcast_in_dim3A_23 = vector.shape_cast %reduce_sum3A_22 : vector<128xf32> to vector<128x1xf32>
    %div3A_24 = arith.constant 1.000000e+04 : f32
    %div3A_25 = vector.broadcast %div3A_24 : f32 to vector<128x1xf32>
    %div3A_26 = arith.divf %broadcast_in_dim3A_23, %div3A_25 : vector<128x1xf32>
    %add3A_27 = arith.constant 9.99999974E-6 : f32
    %add3A_28 = vector.broadcast %add3A_27 : f32 to vector<128x1xf32>
    %add3A_29 = arith.addf %div3A_26, %add3A_28 : vector<128x1xf32>
    %rsqrt3A = math.rsqrt %add3A_29 : vector<128x1xf32>
    %mul3A_30 = vector.broadcast %rsqrt3A : vector<128x1xf32> to vector<128x10000xf32>
    %mul3A_31 = arith.mulf %sub3A_19, %mul3A_30 : vector<128x10000xf32>
    %mul3A_32 = vector.broadcast %get3A_10 : vector<128x1xf32> to vector<128x10000xf32>
    %mul3A_33 = arith.mulf %mul3A_31, %mul3A_32 : vector<128x10000xf32>
    %add3A_34 = vector.broadcast %get3A_13 : vector<128x1xf32> to vector<128x10000xf32>
    %add3A_35 = arith.addf %mul3A_33, %add3A_34 : vector<128x10000xf32>
    %max3A = arith.constant 0.000000e+00 : f32
    %max3A_36 = vector.broadcast %max3A : f32 to vector<128x10000xf32>
    %max3A_37 = arith.maximumf %add3A_35, %max3A_36 : vector<128x10000xf32>
    %iota3A = tpu.iota {dimensions = array<i32: 0>} : vector<64x10000xi32>
    %get3A_38 = arith.constant 0 : index
    %get3A_39 = arith.constant 0 : index
    %get3A_40 = vector.load %arg5[%get3A_38, %get3A_39] : memref<1x10000xi32, #tpu.memory_space<vmem>>, vector<1x10000xi32>
    %eq3A = vector.broadcast %get3A_40 : vector<1x10000xi32> to vector<64x10000xi32>
    %eq3A_41 = arith.cmpi eq, %iota3A, %eq3A : vector<64x10000xi32>
    %jit3A = arith.constant 1.000000e+00 : f32
    %jit3A_42 = arith.constant 0.000000e+00 : f32
    %broadcast_in_dim3A_43 = vector.broadcast %jit3A : f32 to vector<64x10000xf32>
    %broadcast_in_dim3A_44 = vector.broadcast %jit3A_42 : f32 to vector<64x10000xf32>
    %select_n3A = arith.select %eq3A_41, %broadcast_in_dim3A_43, %broadcast_in_dim3A_44 : vector<64x10000xi1>, vector<64x10000xf32>
    %broadcast_in_dim3A_45 = arith.constant 1.000000e+00 : f32
    %broadcast_in_dim3A_46 = vector.broadcast %broadcast_in_dim3A_45 : f32 to vector<1x10000xf32>
    %dot_general3A = arith.constant dense<0.000000e+00> : vector<1x64xf32>
    %dot_general3A_47 = tpu.matmul %broadcast_in_dim3A_46, %select_n3A, %dot_general3A {dimension_numbers = #tpu.dot_dimension_numbers<[1], [1], [0], [0], [0, 0, 1, 0], [], []>, precision = #tpu.contract_precision<fp32>, transpose_lhs_hint = false} : vector<1x10000xf32>, vector<64x10000xf32>, vector<1x64xf32> -> vector<1x64xf32>
    %dot_general3A_48 = arith.constant dense<0.000000e+00> : vector<128x64xf32>
    %dot_general3A_49 = tpu.matmul %max3A_37, %select_n3A, %dot_general3A_48 {dimension_numbers = #tpu.dot_dimension_numbers<[1], [1], [0], [0], [0, 0, 1, 0], [], []>, precision = #tpu.contract_precision<fp32>, transpose_lhs_hint = false} : vector<128x10000xf32>, vector<64x10000xf32>, vector<128x64xf32> -> vector<128x64xf32>
    %max3A_50 = arith.constant 1.000000e+00 : f32
    %max3A_51 = vector.broadcast %max3A_50 : f32 to vector<1x64xf32>
    %max3A_52 = arith.maximumf %dot_general3A_47, %max3A_51 : vector<1x64xf32>
    %div3A_53 = vector.broadcast %max3A_52 : vector<1x64xf32> to vector<128x64xf32>
    %div3A_54 = arith.divf %dot_general3A_49, %div3A_53 : vector<128x64xf32>
    %get3A_55 = arith.constant 0 : index
    %get3A_56 = arith.constant 0 : index
    %get3A_57 = vector.load %arg6[%get3A_55, %get3A_56] : memref<128x1xf32, #tpu.memory_space<vmem>>, vector<128x1xf32>
    %dot_general3A_58 = arith.constant dense<0.000000e+00> : vector<64x1xf32>
    %dot_general3A_59 = tpu.matmul %div3A_54, %get3A_57, %dot_general3A_58 {dimension_numbers = #tpu.dot_dimension_numbers<[0], [0], [1], [1], [0, 1, 1, 1], [], []>, transpose_lhs_hint = false} : vector<128x64xf32>, vector<128x1xf32>, vector<64x1xf32> -> vector<64x1xf32>
    %get3A_60 = arith.constant 0 : index
    %get3A_61 = arith.constant 0 : index
    %get3A_62 = vector.load %arg7[%get3A_60, %get3A_61] : memref<1x1xf32, #tpu.memory_space<vmem>>, vector<1x1xf32>
    %add3A_63 = vector.broadcast %get3A_62 : vector<1x1xf32> to vector<64x1xf32>
    %add3A_64 = arith.addf %dot_general3A_59, %add3A_63 : vector<64x1xf32>
    %swap3A = arith.constant 0 : index
    %swap3A_65 = arith.constant 0 : index
    %swap3A_66 = vector.load %arg8[%swap3A, %swap3A_65] : memref<64x1xf32, #tpu.memory_space<vmem>>, vector<64x1xf32>
    tpu.vector_store %arg8[%swap3A, %swap3A_65], %add3A_64 {strides = array<i32>} : memref<64x1xf32, #tpu.memory_space<vmem>>, vector<64x1xf32>,
    return
  }
}

</mosaic_0001>

<sc_bundles>
// kernel: kernel.11.cloned.1.call-start
scs
__scs_entry_jumppad:
0x0: {  	(pc) =	sbr.rel $0x88, $3  }
0x1: {  	(tag) =	ssettag $0x0;
	lr =	simm.s32 $0x1  }
0x2: {  	[smem:$0x3F90] =	sst lr;
	_ =	strace $0xD0000000  }
0x3: {  	_ = 	snop  }
0x4: {  	_ = 	snop  }
0x5: {  	_ = 	snop  }
0x6: {  	_ = 	snop  }
0x7: {  	_ = 	snop  }
__scs_overlays_trampoline_lowered:
0x8: {  	[smem:$0x3F9F] =	sst s0  }
0x9: {  	[smem:$0x3FA0] =	sst s1  }
0xa: {  	[smem:$0x3FA1] =	sst s2  }
0xb: {  	[smem:$0x3FA2] =	sst s3  }
0xc: {  	[smem:$0x3FA3] =	sst s4  }
0xd: {  	[smem:$0x3FA4] =	sst s5  }
0xe: {  	[smem:$0x3FA5] =	sst s6  }
0xf: {  	[smem:$0x3FA6] =	sst s7  }
0x10: {  	[smem:$0x3FA7] =	sst s8  }
0x11: {  	[smem:$0x3FA8] =	sst s9;
	s0 =	simm.s32 @!p0 $0x0  }
0x12: {  	s1 =	sld [smem:$0x3F8E];
	s0 =	simm.s32 @p0 $0x1  }
0x13: {  	[smem:$0x3FA9] =	sst s0;
	s0 =	simm.s32 @!p1 $0x0  }
0x14: {  	s2 =	sld [smem:$0x3F8D];
	s0 =	simm.s32 @p1 $0x1  }
0x15: {  	[smem:$0x3FAA] =	sst s0;
	s0 =	simm.s32 @!p2 $0x0  }
0x16: {  	s3 =	sld [smem:$0x3FDB];
	s0 =	simm.s32 @p2 $0x1  }
0x17: {  	s4 =	simm.s32 $0x1BF5;
	[smem:$0x3FAC] =	sst s0  }
0x18: {  	s0 =	sld [smem:$0x3F8F];
	_ =	swait.ge [sflag:s4], $0x0  }
0x19: {  	s7 =	sld [smem:$0x3F90]  }
0x1a: {  	s8 =	sadd.s32 $0xFFFFE003, lr  }
0x1b: {  	s9 =	sadd.s32 $0xFFFFFEF7, lr;
	s5 =	simm.s32 $0xFFFFFFFF;
	p2 =	slt.u32 s8, $0xFFFFF086  }
0x1c: {  	p1 =	slt.u32 s9, $0xF7A;
	s5 =	simm.s32 @!p2 $0x0  }
0x1d: {  	s5 =	simm.s32 @p1 $0x1;
	p0 =	seq.s32 s7, s2  }
0x1e: {  	s7 =	smul.u32 @!p0 $0xF7A, s2;
	p2 =	seq.s32 @!p0 s5, $0x0  }
0x1f: {  	s9 =	smul.u32 $0xF7A, s1;
	s8 =	simm.s32 @!p0 $0x1BF5;
	p2 =	por !p2, p0  }
0x20: {  	[sflag:s8] =	ssyncset.s32 @!p0 $0xFFFFF086;
	s6 =	sadd.s32 @!p0 s3, s7;
	s7 =	simm.s32 @!p0 $0x108  }
0x21: {  	s3 =	sadd.s32 s3, s9;
	s6 =	sadd.s32 @!p0 $0x88, s6;
	s7 =	simm.s32 @p2 $0x1082  }
0x22: {  	[simem:s7], [sflag:s8] =	dma.local @!p0 [hbm:s6], $0xF7A  }
0x23: {  	s9 =	sor.u32 $0xD0000000, s2;
	s6 =	simm.s32 $0x108;
	_ =	swait.ge @!p0 [sflag:s8], $0x0  }
0x24: {  	s3 =	sadd.s32 $0x88, s3;
	s6 =	simm.s32 @!p1 $0x1082;
	[sflag:s4] =	ssyncset.s32 $0xFFFFF086  }
0x25: {  	[simem:s6], [sflag:s4] =	dma.local [hbm:s3], $0xF7A  }
0x26: {  	[smem:$0x3F90] =	sst s1;
	(tag) =	ssettag s2;
	_ =	strace s9  }
0x27: {  	s1 =	sld [smem:$0x3FA0]  }
0x28: {  	s2 =	sld [smem:$0x3FA1]  }
0x29: {  	s4 =	sld [smem:$0x3FA3]  }
0x2a: {  	p0 =	seq.s32 s5, $0x0;
	s5 =	sld [smem:$0x3FA4]  }
0x2b: {  	s6 =	sld [smem:$0x3FA5]  }
0x2c: {  	s7 =	sld [smem:$0x3FA6]  }
0x2d: {  	s3 =	simm.s32 $0x108;
	s8 =	sld [smem:$0x3FA7]  }
0x2e: {  	s3 =	simm.s32 @!p0 $0x1082;
	s9 =	sld [smem:$0x3FA8]  }
0x2f: {  	lr =	sadd.s32 s0, s3;
	s0 =	sld [smem:$0x3F9F]  }
0x30: {  	s3 =	sld [smem:$0x3FA2]  }
0x31: {  	[smem:$0x3FAB] =	sst s10  }
0x32: {  	s10 =	sld [smem:$0x3FA9];
	_ =	sdelay $0x3  }
0x33: {  	p0 =	seq.s32 s10, $0x1;
	s10 =	sld [smem:$0x3FAB];
	_ =	sdelay $0x3  }
0x34: {  	[smem:$0x3FAB] =	sst s10  }
0x35: {  	s10 =	sld [smem:$0x3FAA];
	_ =	sdelay $0x3  }
0x36: {  	p1 =	seq.s32 s10, $0x1;
	s10 =	sld [smem:$0x3FAB];
	_ =	sdelay $0x3  }
0x37: {  	[smem:$0x3FAB] =	sst s10  }
0x38: {  	s10 =	sld [smem:$0x3FAC]  }
0x39: {  	_ = 	snop;
	(pc) =	sbr.ind lr, $3  }
0x3a: {  	_ = 	snop  }
0x3b: {  	_ = 	snop  }
0x3c: {  	p2 =	seq.s32 s10, $0x1;
	s10 =	sld [smem:$0x3FAB]  }
0x3d: {  	_ =	shalt  }
0x3e: {  	_ =	shalt  }
0x3f: {  	_ =	shalt  }
0x40: {  	_ =	shalt  }
0x41: {  	_ =	shalt  }
0x42: {  	_ =	shalt  }
0x43: {  	_ =	shalt  }
0x44: {  	_ =	shalt  }
0x45: {  	_ =	shalt  }
0x46: {  	_ =	shalt  }
0x47: {  	_ =	shalt  }
0x48: {  	_ =	shalt  }
0x49: {  	_ =	shalt  }
0x4a: {  	_ =	shalt  }
0x4b: {  	_ =	shalt  }
0x4c: {  	_ =	shalt  }
0x4d: {  	_ =	shalt  }
0x4e: {  	_ =	shalt  }
0x4f: {  	_ =	shalt  }
0x50: {  	_ =	shalt  }
0x51: {  	_ =	shalt  }
0x52: {  	_ =	shalt  }
0x53: {  	_ =	shalt  }
0x54: {  	_ =	shalt  }
0x55: {  	_ =	shalt  }
0x56: {  	_ =	shalt  }
0x57: {  	_ =	shalt  }
0x58: {  	_ =	shalt  }
0x59: {  	_ =	shalt  }
0x5a: {  	_ =	shalt  }
0x5b: {  	_ =	shalt  }
0x5c: {  	_ =	shalt  }
0x5d: {  	_ =	shalt  }
0x5e: {  	_ =	shalt  }
0x5f: {  	_ =	shalt  }
0x60: {  	_ =	shalt  }
0x61: {  	_ =	shalt  }
0x62: {  	_ =	shalt  }
0x63: {  	_ =	shalt  }
0x64: {  	_ =	shalt  }
0x65: {  	_ =	shalt  }
0x66: {  	_ =	shalt  }
0x67: {  	_ =	shalt  }
0x68: {  	_ =	shalt  }
0x69: {  	_ =	shalt  }
0x6a: {  	_ =	shalt  }
0x6b: {  	_ =	shalt  }
0x6c: {  	_ =	shalt  }
0x6d: {  	_ =	shalt  }
0x6e: {  	_ =	shalt  }
0x6f: {  	_ =	shalt  }
0x70: {  	_ =	shalt  }
0x71: {  	_ =	shalt  }
0x72: {  	_ =	shalt  }
0x73: {  	_ =	shalt  }
0x74: {  	_ =	shalt  }
0x75: {  	_ =	shalt  }
0x76: {  	_ =	shalt  }
0x77: {  	_ =	shalt  }
0x78: {  	_ =	shalt  }
0x79: {  	_ =	shalt  }
0x7a: {  	_ =	shalt  }
0x7b: {  	_ =	shalt  }
0x7c: {  	_ =	shalt  }
0x7d: {  	_ =	shalt  }
0x7e: {  	_ =	shalt  }
0x7f: {  	_ =	shalt  }
0x80: {  	_ =	shalt  }
0x81: {  	_ =	shalt  }
0x82: {  	_ =	shalt  }
0x83: {  	_ =	shalt  }
0x84: {  	_ =	shalt  }
0x85: {  	_ =	shalt  }
0x86: {  	_ =	shalt  }
0x87: {  	_ =	shalt  }
.Lfunc_end0:
.L_simem_size_0:
called_computation_lowered:
.L_overlay_start_0:
0x88: {  	s2 =	sld [smem:$0x3FD9]  }
0x89: {  	s3 =	sld [smem:$0x3FFE];
	_ =	sdelay $0x1  }
0x8a: {  	s1 =	srdreg.scid  }
0x8b: {  	s0 =	sand.u32 $0x1, s1  }
0x8c: {  	s16 =	sshll.u32 s0, $0xA;
	s2 =	sadd.s32 s3, s2  }
0x8d: {  	s2 =	sadd.s32 s2, s16  }
0x8e: {  	[smem:$0x3FB7] =	sst s2  }
0x8f: {  	_ = 	snop  }
0x90: {  	(tm) =	ssettm $0x1  }
0x91: {  	s17 =	sld [smem:$0x3FFB];
	_ =	sdelay $0x3  }
0x92: {  	_ =	strace s17  }
0x93: {  	s2 =	sld [smem:$0x3FFC];
	_ =	sdelay $0x3  }
0x94: {  	_ =	strace s2  }
0x95: {  	s2 =	sld [smem:$0x3FFD];
	_ =	sdelay $0x3  }
0x96: {  	_ =	strace s2  }
0x97: {  	_ =	strace $0x8FFFFFFF  }
0x98: {  	s18 =	sld [smem:$0x3FDB];
	_ =	sdelay $0x1  }
0x99: {  	s19 =	simm.s32 $_scs_section_size  }
0x9a: {  	s4 =	simm.s32 $_size__tile_overlayer_lowered;
	s5 =	simm.s32 $_tile_overlayer_lowered  }
0x9b: {  	s22 =	simm.s32 $0x1BFF;
	s21 =	sshll.u32 s5, $0x1;
	s2 =	sadd.s32 s19, s18  }
0x9c: {  	s6 =	simm.s32 $0x0;
	s20 =	sshll.u32 s4, $0x1;
	s4 =	sadd.s32 s21, s2  }
0x9d: {  	[timem:s6], [sflag:s22] =	dma.local [hbm:s4], s20  }
0x9e: {  	_ =	swait.ge [sflag:s22], s20  }
0x9f: {  	s3 =	ssub.s32 $0x0, s20;
	[sflag:s22] =	ssyncset.done $0x0  }
0xa0: {  	[sflag:s22] =	ssyncadd.s32 s3;
	_ =	sdelay $0x1  }
0xa1: {  	s23 =	simm.s32 $0x1B8B  }
0xa2: {  	_ =	swait.ge [sflag:s23], $0x1  }
0xa3: {  	[sflag:s23] =	ssyncset.done $0x0  }
0xa4: {  	s25 =	simm.s32 $0x1B8E;
	s24 =	sld [smem:$0x3FFE];
	[sflag:s23] =	ssyncadd.s32 $0xFFFFFFFF  }
0xa5: {  	s26 =	simm.s32 $execute0_lowered;
	[smem:$0x3FD2] =	sst s25  }
0xa6: {  	s4 =	sshll.u32 s26, $0x1;
	_ =	strace $0x80000046;
	[dreg:$0x1] =	wrdreg $0xFFFFFFFF  }
0xa7: {  	s28 =	simm.s32 $_size_execute0_lowered;
	s2 =	sadd.s32 s2, s4;
	[dreg:$0x0] =	wrdreg $0x0  }
0xa8: {  	s4 =	sshll.u32 s28, $0x1;
	[dreg:$0x2] =	wrdreg s2  }
0xa9: {  	[dreg:$0x3] =	wrdreg s4  }
0xaa: {  	[dreg:$0x4] =	wrdreg $0xC0  }
0xab: {  	_ =	task [dreg:s6], $0x5FFFF  }
0xac: {  	[dreg:$0x1] =	wrdreg $0xFFFFFFFF  }
0xad: {  	[dreg:$0x0] =	wrdreg $0x60  }
0xae: {  	[dreg:$0x2] =	wrdreg s24  }
0xaf: {  	[dreg:$0x3] =	wrdreg $0x9  }
0xb0: {  	_ =	task.clear_ibuf [dreg:s6], $0x4FFFF;
	_ =	strace $0x90000046  }
0xb1: {  	s29 =	simm.s32 $0x9;
	_ =	strace $0x80000048  }
0xb2: {  	_ =	swait.ge [sflag:s29], $0x1  }
0xb3: {  	[sflag:s29] =	ssyncadd.s32 $0xFFFFFFFF  }
0xb4: {  	_ =	strace $0x90000048  }
0xb5: {  	_ =	sfence  }
0xb6: {  	s30 =	sld [smem:$0x0];
	_ =	sdelay $0x2  }
0xb7: {  	s31 =	sshll.u32 s1, $0xD;
	s1 =	sshrl.u32 s1, $0x2  }
0xb8: {  	s3 =	sand.u32 $0x4000, s31;
	s1 =	sadd.s32 s1, s30  }
0xb9: {  	s0 =	sor.u32 s3, s0;
	s1 =	sshll.u32 s1, $0x11  }
0xba: {  	s0 =	sor.u32 s1, s0  }
0xbb: {  	s0 =	sadd.s32 $0x8F2B, s0  }
0xbc: {  	[sflag:s0] =	ssyncadd.remote.s32 $0x1  }
0xbd: {  	_ =	sfence.sel $0xFFFF  }
0xbe: {  	[dreg:$0x0] =	wrdreg $0xFFFFFFFF;
	(pc) =	sbr.abs _section_cstart, $3  }
0xbf: {  	[dreg:$0x1] =	wrdreg $0xFFFFFFFF  }
0xc0: {  	_ =	task.clear_ibuf [dreg:s6], $0x2FFFF;
	_ =	strace $0x9FFFFFFF  }
0xc1: {  	(tm) =	ssettm $0x7FFFFFFF  }
tec
execute0_lowered:
.L_overlay_start_1:
0x0: {  	(tag) =	ssettag $0x1  }
0x1: {  	s1 =	srdreg.scid  }
0x2: {  	s0 =	stileid.u32;
	s5 =	rddreg [dreg:$0x0]  }
0x3: {  	s2 =	simm.s32 $0x0;
	s8 =	simm.s32 $0x80;
	s9 =	simm.s32 $0x400  }
0x4: {  	s10 =	simm.s32 $0x0;
	s3 =	sand.u32 $0x1, s1;
	s29 =	sshll.u32 s0, $0x1  }
0x5: {  	s30 =	sshrl.u32 s0, $0x2;
	s1 =	rddreg [dreg:$0x1];
	s4 =	sor.u32 s3, s29  }
0x6: {  	[smem:$0x7FF] =	sst s2;
	s6 =	smul.u32 $0x13C00, s30;
	s7 =	sshll.u32 s4, $0x7  }
0x7: {  	s3 =	ssub.s32 $0x2, s3;
	s4 =	smul.u32 $0x4E2, s4;
	s7 =	sand.u32 $0x380, s7  }
0x8: {  	_ =	strace $0x80000047;
	s31 =	sshrl.u32 s3, $0x1;
	s6 =	sor.u32 s6, s7  }
0x9: {  	s4 =	sadd.s32 s4, s5;
	s7 =	simm.s32 $0x2780;
	s6 =	sshrl.u32 s6, $0x3  }
0xa: {  	s5 =	sadd.s32 s6, s5;
	s6 =	ssub.s32 s3, s31;
	s3 =	sadd.s32 $0x3C00, s4  }
0xb: {  	v0 =	vimm.f32 $0.0e+00;
	v1 =	vimm.f32 $1.000000000e+00;
	s4 =	sadd.s32 $0xDA00, s5;
	s5 =	smax.u32 s6, $0x1;
	s6 =	simm.s32 $0x1  }
.LBB2_1:
0xc: {  	[tilespmem:s2], [sflag:$0x1] =	stream.linear.gather [hbm4b:s3+s2], $0x2710, $0x38;
	[tilespmem:$0x4F00] =	vst v63  }
0xd: {  	_ =	swait.ge [sflag:s6], $0x2710  }
0xe: {  	[sflag:s6] =	ssyncset.done $0x0  }
0xf: {  	s11 =	simm.s32 $0x0;
	[sflag:s6] =	ssyncadd.s32 $0xFFFFD8F0  }
.LBB2_2:
0x10: {  	p0 =	sne.s32 s11, $0x9C00  }
.Ltmp0:
0x11: {  	_ = 	snop;
	(pc) =	sbr.rel @p0 .LBB2_2-.Ltmp0, $3  }
0x12: {  	_ =	sdelay $0x1  }
0x13: {  	s12 =	sshra.s32 s11, $0x2  }
0x14: {  	s11 =	sadd.s32 $0x40, s11;
	[tilespmem:s12+$0x2780] =	vst v0  }
0x15: {  	s12 =	simm.s32 $0x0;
	s11 =	simm.s32 $0x40  }
.LBB2_4:
0x16: {  	p0 =	sne.s32 s11, $0x9C00;
	v2 =	vld [tilespmem:s12+$0x0];
	_ =	sdelay $0x3  }
.Ltmp1:
0x17: {  	(pc) =	sbr.rel @p0 .LBB2_4-.Ltmp1, $2  }
0x18: {  	_ =	sdelay $0x2  }
0x19: {  	s12 =	sshra.s32 s11, $0x2;
	s11 =	sadd.s32 $0x40, s11;
	[tilespmem:v2+s7+$0x0] =	vst.idx.add.f32.msk $0xffff, v1  }
0x1a: {  	v2 =	vld [tilespmem:s12+$0x0];
	_ =	sdelay $0x5  }
0x1b: {  	s10 =	sadd.s32 $0x1, s10  }
0x1c: {  	p0 =	sne.s32 s10, s5  }
.Ltmp2:
0x1d: {  	[tilespmem:v2+s7+$0x0] =	vst.idx.add.f32.msk $0xffff, v1;
	(pc) =	sbr.rel @p0 .LBB2_1-.Ltmp2, $4  }
0x1e: {  	[hbm4b:s4+s8] =	stream.strided.scatter [tilespmem:s7], [sflag:$0x1], $0x2780, s9, s8, $0x38;
	[tilespmem:$0x4F00] =	vst v63  }
0x1f: {  	_ =	swait.ge [sflag:s6], $0x2780  }
0x20: {  	[sflag:s6] =	ssyncset.done $0x0  }
0x21: {  	[sflag:s6] =	ssyncadd.s32 $0xFFFFD880  }
0x22: {  	_ =	sfence.sel $0x180000  }
0x23: {  	[bflag:$0x0] =	sbarrier.arrive $0xFFFF  }
0x24: {  	p0 =	sne.s32 s0, $0x0;
	_ =	strace $0x90000047  }
0x25: {  	s0 =	sadd.s32 @!p0 $0x100000, s1;
	[bflag:$0x2] =	sbarrier.arrive $0xFFFF  }
0x26: {  	[sflag:s0] =	ssyncadd.tile.s32 @!p0 $0x1;
	_ =	shalt  }
.Lfunc_end2:
_tile_overlayer_lowered:
.L_overlay_start_2:
0x27: {  	(tag) =	ssettag $0x2  }
0x28: {  	s0 =	rddreg [dreg:$0x0];
	s2 =	stileid.u32  }
0x29: {  	s1 =	rddreg [dreg:$0x1];
	p0 =	sne.s32 s2, $0x0  }
0x2a: {  	s3 =	rddreg [dreg:$0x2];
	[bflag:$0x3] =	sbarrier.arrive $0xFFFF;
	s2 =	simm.s32 @!p0 $0x1C01  }
0x2b: {  	[timem:s3], [sflag:s2] =	dma.local @!p0 [hbm:s0], s1  }
0x2c: {  	s0 =	simm.s32 @!p0 $0x1  }
0x2d: {  	_ =	swait.ge @!p0 [sflag:s0], s1  }
0x2e: {  	s1 =	ssub.s32 @!p0 $0x0, s1;
	[sflag:s0] =	ssyncset.done @!p0 $0x0  }
0x2f: {  	[sflag:s0] =	ssyncadd.s32 @!p0 s1  }
0x30: {  	[bflag:$0x3] =	sbarrier.arrive $0xFFFF  }
0x31: {  	_ =	shalt  }

// kernel: kernel.14.cloned.1.call-start
scs
__scs_entry_jumppad:
0x0: {  	(pc) =	sbr.rel $0x88, $3  }
0x1: {  	(tag) =	ssettag $0x0;
	lr =	simm.s32 $0x1  }
0x2: {  	[smem:$0x3F90] =	sst lr;
	_ =	strace $0xD0000000  }
0x3: {  	_ = 	snop  }
0x4: {  	_ = 	snop  }
0x5: {  	_ = 	snop  }
0x6: {  	_ = 	snop  }
0x7: {  	_ = 	snop  }
__scs_overlays_trampoline_lowered:
0x8: {  	[smem:$0x3F9F] =	sst s0  }
0x9: {  	[smem:$0x3FA0] =	sst s1  }
0xa: {  	[smem:$0x3FA1] =	sst s2  }
0xb: {  	[smem:$0x3FA2] =	sst s3  }
0xc: {  	[smem:$0x3FA3] =	sst s4  }
0xd: {  	[smem:$0x3FA4] =	sst s5  }
0xe: {  	[smem:$0x3FA5] =	sst s6  }
0xf: {  	[smem:$0x3FA6] =	sst s7  }
0x10: {  	[smem:$0x3FA7] =	sst s8  }
0x11: {  	[smem:$0x3FA8] =	sst s9;
	s0 =	simm.s32 @!p0 $0x0  }
0x12: {  	s1 =	sld [smem:$0x3F8E];
	s0 =	simm.s32 @p0 $0x1  }
0x13: {  	[smem:$0x3FA9] =	sst s0;
	s0 =	simm.s32 @!p1 $0x0  }
0x14: {  	s2 =	sld [smem:$0x3F8D];
	s0 =	simm.s32 @p1 $0x1  }
0x15: {  	[smem:$0x3FAA] =	sst s0;
	s0 =	simm.s32 @!p2 $0x0  }
0x16: {  	s3 =	sld [smem:$0x3FDB];
	s0 =	simm.s32 @p2 $0x1  }
0x17: {  	s4 =	simm.s32 $0x1BF5;
	[smem:$0x3FAC] =	sst s0  }
0x18: {  	s0 =	sld [smem:$0x3F8F];
	_ =	swait.ge [sflag:s4], $0x0  }
0x19: {  	s7 =	sld [smem:$0x3F90]  }
0x1a: {  	s8 =	sadd.s32 $0xFFFFE003, lr  }
0x1b: {  	s9 =	sadd.s32 $0xFFFFFEF7, lr;
	s5 =	simm.s32 $0xFFFFFFFF;
	p2 =	slt.u32 s8, $0xFFFFF086  }
0x1c: {  	p1 =	slt.u32 s9, $0xF7A;
	s5 =	simm.s32 @!p2 $0x0  }
0x1d: {  	s5 =	simm.s32 @p1 $0x1;
	p0 =	seq.s32 s7, s2  }
0x1e: {  	s7 =	smul.u32 @!p0 $0xF7A, s2;
	p2 =	seq.s32 @!p0 s5, $0x0  }
0x1f: {  	s9 =	smul.u32 $0xF7A, s1;
	s8 =	simm.s32 @!p0 $0x1BF5;
	p2 =	por !p2, p0  }
0x20: {  	[sflag:s8] =	ssyncset.s32 @!p0 $0xFFFFF086;
	s6 =	sadd.s32 @!p0 s3, s7;
	s7 =	simm.s32 @!p0 $0x108  }
0x21: {  	s3 =	sadd.s32 s3, s9;
	s6 =	sadd.s32 @!p0 $0x88, s6;
	s7 =	simm.s32 @p2 $0x1082  }
0x22: {  	[simem:s7], [sflag:s8] =	dma.local @!p0 [hbm:s6], $0xF7A  }
0x23: {  	s9 =	sor.u32 $0xD0000000, s2;
	s6 =	simm.s32 $0x108;
	_ =	swait.ge @!p0 [sflag:s8], $0x0  }
0x24: {  	s3 =	sadd.s32 $0x88, s3;
	s6 =	simm.s32 @!p1 $0x1082;
	[sflag:s4] =	ssyncset.s32 $0xFFFFF086  }
0x25: {  	[simem:s6], [sflag:s4] =	dma.local [hbm:s3], $0xF7A  }
0x26: {  	[smem:$0x3F90] =	sst s1;
	(tag) =	ssettag s2;
	_ =	strace s9  }
0x27: {  	s1 =	sld [smem:$0x3FA0]  }
0x28: {  	s2 =	sld [smem:$0x3FA1]  }
0x29: {  	s4 =	sld [smem:$0x3FA3]  }
0x2a: {  	p0 =	seq.s32 s5, $0x0;
	s5 =	sld [smem:$0x3FA4]  }
0x2b: {  	s6 =	sld [smem:$0x3FA5]  }
0x2c: {  	s7 =	sld [smem:$0x3FA6]  }
0x2d: {  	s3 =	simm.s32 $0x108;
	s8 =	sld [smem:$0x3FA7]  }
0x2e: {  	s3 =	simm.s32 @!p0 $0x1082;
	s9 =	sld [smem:$0x3FA8]  }
0x2f: {  	lr =	sadd.s32 s0, s3;
	s0 =	sld [smem:$0x3F9F]  }
0x30: {  	s3 =	sld [smem:$0x3FA2]  }
0x31: {  	[smem:$0x3FAB] =	sst s10  }
0x32: {  	s10 =	sld [smem:$0x3FA9];
	_ =	sdelay $0x3  }
0x33: {  	p0 =	seq.s32 s10, $0x1;
	s10 =	sld [smem:$0x3FAB];
	_ =	sdelay $0x3  }
0x34: {  	[smem:$0x3FAB] =	sst s10  }
0x35: {  	s10 =	sld [smem:$0x3FAA];
	_ =	sdelay $0x3  }
0x36: {  	p1 =	seq.s32 s10, $0x1;
	s10 =	sld [smem:$0x3FAB];
	_ =	sdelay $0x3  }
0x37: {  	[smem:$0x3FAB] =	sst s10  }
0x38: {  	s10 =	sld [smem:$0x3FAC]  }
0x39: {  	_ = 	snop;
	(pc) =	sbr.ind lr, $3  }
0x3a: {  	_ = 	snop  }
0x3b: {  	_ = 	snop  }
0x3c: {  	p2 =	seq.s32 s10, $0x1;
	s10 =	sld [smem:$0x3FAB]  }
0x3d: {  	_ =	shalt  }
0x3e: {  	_ =	shalt  }
0x3f: {  	_ =	shalt  }
0x40: {  	_ =	shalt  }
0x41: {  	_ =	shalt  }
0x42: {  	_ =	shalt  }
0x43: {  	_ =	shalt  }
0x44: {  	_ =	shalt  }
0x45: {  	_ =	shalt  }
0x46: {  	_ =	shalt  }
0x47: {  	_ =	shalt  }
0x48: {  	_ =	shalt  }
0x49: {  	_ =	shalt  }
0x4a: {  	_ =	shalt  }
0x4b: {  	_ =	shalt  }
0x4c: {  	_ =	shalt  }
0x4d: {  	_ =	shalt  }
0x4e: {  	_ =	shalt  }
0x4f: {  	_ =	shalt  }
0x50: {  	_ =	shalt  }
0x51: {  	_ =	shalt  }
0x52: {  	_ =	shalt  }
0x53: {  	_ =	shalt  }
0x54: {  	_ =	shalt  }
0x55: {  	_ =	shalt  }
0x56: {  	_ =	shalt  }
0x57: {  	_ =	shalt  }
0x58: {  	_ =	shalt  }
0x59: {  	_ =	shalt  }
0x5a: {  	_ =	shalt  }
0x5b: {  	_ =	shalt  }
0x5c: {  	_ =	shalt  }
0x5d: {  	_ =	shalt  }
0x5e: {  	_ =	shalt  }
0x5f: {  	_ =	shalt  }
0x60: {  	_ =	shalt  }
0x61: {  	_ =	shalt  }
0x62: {  	_ =	shalt  }
0x63: {  	_ =	shalt  }
0x64: {  	_ =	shalt  }
0x65: {  	_ =	shalt  }
0x66: {  	_ =	shalt  }
0x67: {  	_ =	shalt  }
0x68: {  	_ =	shalt  }
0x69: {  	_ =	shalt  }
0x6a: {  	_ =	shalt  }
0x6b: {  	_ =	shalt  }
0x6c: {  	_ =	shalt  }
0x6d: {  	_ =	shalt  }
0x6e: {  	_ =	shalt  }
0x6f: {  	_ =	shalt  }
0x70: {  	_ =	shalt  }
0x71: {  	_ =	shalt  }
0x72: {  	_ =	shalt  }
0x73: {  	_ =	shalt  }
0x74: {  	_ =	shalt  }
0x75: {  	_ =	shalt  }
0x76: {  	_ =	shalt  }
0x77: {  	_ =	shalt  }
0x78: {  	_ =	shalt  }
0x79: {  	_ =	shalt  }
0x7a: {  	_ =	shalt  }
0x7b: {  	_ =	shalt  }
0x7c: {  	_ =	shalt  }
0x7d: {  	_ =	shalt  }
0x7e: {  	_ =	shalt  }
0x7f: {  	_ =	shalt  }
0x80: {  	_ =	shalt  }
0x81: {  	_ =	shalt  }
0x82: {  	_ =	shalt  }
0x83: {  	_ =	shalt  }
0x84: {  	_ =	shalt  }
0x85: {  	_ =	shalt  }
0x86: {  	_ =	shalt  }
0x87: {  	_ =	shalt  }
.Lfunc_end0:
.L_simem_size_0:
called_computation.1_lowered:
.L_overlay_start_0:
0x88: {  	s2 =	sld [smem:$0x3FD9]  }
0x89: {  	s3 =	sld [smem:$0x3FFE];
	_ =	sdelay $0x1  }
0x8a: {  	s1 =	srdreg.scid  }
0x8b: {  	s0 =	sand.u32 $0x1, s1  }
0x8c: {  	s16 =	sshll.u32 s0, $0xA;
	s2 =	sadd.s32 s3, s2  }
0x8d: {  	s2 =	sadd.s32 s2, s16  }
0x8e: {  	[smem:$0x3FB7] =	sst s2  }
0x8f: {  	_ = 	snop  }
0x90: {  	(tm) =	ssettm $0x1  }
0x91: {  	s17 =	sld [smem:$0x3FFB];
	_ =	sdelay $0x3  }
0x92: {  	_ =	strace s17  }
0x93: {  	s2 =	sld [smem:$0x3FFC];
	_ =	sdelay $0x3  }
0x94: {  	_ =	strace s2  }
0x95: {  	s2 =	sld [smem:$0x3FFD];
	_ =	sdelay $0x3  }
0x96: {  	_ =	strace s2  }
0x97: {  	_ =	strace $0x8FFFFFFF  }
0x98: {  	s18 =	sld [smem:$0x3FDB];
	_ =	sdelay $0x1  }
0x99: {  	s19 =	simm.s32 $_scs_section_size  }
0x9a: {  	s4 =	simm.s32 $_size__tile_overlayer_lowered;
	s5 =	simm.s32 $_tile_overlayer_lowered  }
0x9b: {  	s22 =	simm.s32 $0x1BFF;
	s21 =	sshll.u32 s5, $0x1;
	s2 =	sadd.s32 s19, s18  }
0x9c: {  	s6 =	simm.s32 $0x0;
	s20 =	sshll.u32 s4, $0x1;
	s4 =	sadd.s32 s21, s2  }
0x9d: {  	[timem:s6], [sflag:s22] =	dma.local [hbm:s4], s20  }
0x9e: {  	_ =	swait.ge [sflag:s22], s20  }
0x9f: {  	s3 =	ssub.s32 $0x0, s20;
	[sflag:s22] =	ssyncset.done $0x0  }
0xa0: {  	[sflag:s22] =	ssyncadd.s32 s3;
	_ =	sdelay $0x1  }
0xa1: {  	s23 =	simm.s32 $0x1B8B  }
0xa2: {  	_ =	swait.ge [sflag:s23], $0x1  }
0xa3: {  	[sflag:s23] =	ssyncset.done $0x0  }
0xa4: {  	s25 =	simm.s32 $0x1B8E;
	s24 =	sld [smem:$0x3FFE];
	[sflag:s23] =	ssyncadd.s32 $0xFFFFFFFF  }
0xa5: {  	s26 =	simm.s32 $execute0_lowered;
	[smem:$0x3FD2] =	sst s25  }
0xa6: {  	s4 =	sshll.u32 s26, $0x1;
	_ =	strace $0x80000049;
	[dreg:$0x1] =	wrdreg $0xFFFFFFFF  }
0xa7: {  	s28 =	simm.s32 $_size_execute0_lowered;
	s2 =	sadd.s32 s2, s4;
	[dreg:$0x0] =	wrdreg $0x0  }
0xa8: {  	s4 =	sshll.u32 s28, $0x1;
	[dreg:$0x2] =	wrdreg s2  }
0xa9: {  	[dreg:$0x3] =	wrdreg s4  }
0xaa: {  	[dreg:$0x4] =	wrdreg $0xC0  }
0xab: {  	_ =	task [dreg:s6], $0x5FFFF  }
0xac: {  	[dreg:$0x1] =	wrdreg $0xFFFFFFFF  }
0xad: {  	[dreg:$0x0] =	wrdreg $0x60  }
0xae: {  	[dreg:$0x2] =	wrdreg s24  }
0xaf: {  	[dreg:$0x3] =	wrdreg $0x9  }
0xb0: {  	_ =	task.clear_ibuf [dreg:s6], $0x4FFFF;
	_ =	strace $0x90000049  }
0xb1: {  	s29 =	simm.s32 $0x9;
	_ =	strace $0x8000004B  }
0xb2: {  	_ =	swait.ge [sflag:s29], $0x1  }
0xb3: {  	[sflag:s29] =	ssyncadd.s32 $0xFFFFFFFF  }
0xb4: {  	_ =	strace $0x9000004B  }
0xb5: {  	_ =	sfence  }
0xb6: {  	s30 =	sld [smem:$0x0];
	_ =	sdelay $0x2  }
0xb7: {  	s31 =	sshll.u32 s1, $0xD;
	s1 =	sshrl.u32 s1, $0x2  }
0xb8: {  	s3 =	sand.u32 $0x4000, s31;
	s1 =	sadd.s32 s1, s30  }
0xb9: {  	s0 =	sor.u32 s3, s0;
	s1 =	sshll.u32 s1, $0x11  }
0xba: {  	s0 =	sor.u32 s1, s0  }
0xbb: {  	s0 =	sadd.s32 $0x8F2B, s0  }
0xbc: {  	[sflag:s0] =	ssyncadd.remote.s32 $0x1  }
0xbd: {  	_ =	sfence.sel $0xFFFF  }
0xbe: {  	[dreg:$0x0] =	wrdreg $0xFFFFFFFF;
	(pc) =	sbr.abs _section_cstart, $3  }
0xbf: {  	[dreg:$0x1] =	wrdreg $0xFFFFFFFF  }
0xc0: {  	_ =	task.clear_ibuf [dreg:s6], $0x2FFFF;
	_ =	strace $0x9FFFFFFF  }
0xc1: {  	(tm) =	ssettm $0x7FFFFFFF  }
tec
execute0_lowered:
.L_overlay_start_1:
0x0: {  	(tag) =	ssettag $0x1  }
0x1: {  	s0 =	rddreg [dreg:$0x0]  }
0x2: {  	s2 =	simm.s32 $0x0;
	s1 =	srdreg.scid;
	s3 =	stileid.u32  }
0x3: {  	s14 =	simm.s32 $0x80;
	s15 =	simm.s32 $0x400;
	s16 =	simm.s32 $0x9E00  }
0x4: {  	s17 =	simm.s32 $0x2780;
	s18 =	simm.s32 $0xC580;
	s19 =	simm.s32 $0x4F00  }
0x5: {  	s20 =	simm.s32 $0xED00;
	s21 =	simm.s32 $0x7680;
	s22 =	simm.s32 $0x11480  }
0x6: {  	s24 =	simm.s32 $0x18A80;
	s25 =	simm.s32 $0x3;
	s26 =	simm.s32 $0x1  }
0x7: {  	s28 =	simm.s32 $0x2;
	s29 =	simm.s32 $0x4;
	s30 =	simm.s32 $0x0  }
0x8: {  	[smem:$0x7FF] =	sst s2;
	s1 =	sand.u32 $0x1, s1;
	s4 =	smul.u32 $0x13C00, s3  }
0x9: {  	s7 =	sadd.s32 $0x21600, s0;
	s3 =	sadd.s32 $0x17800, s0;
	s12 =	sadd.s32 $0x48E00, s0  }
0xa: {  	s8 =	sadd.s32 $0x181C4, s0;
	s5 =	sshll.u32 s1, $0x9;
	s1 =	ssub.s32 $0x2, s1  }
0xb: {  	_ =	strace $0x8000004A;
	s4 =	sor.u32 s5, s4;
	s31 =	sshrl.u32 s1, $0x1  }
.Ltmp0:
0xc: {  	s9 =	sshrl.u32 s4, $0x3;
	s1 =	ssub.s32 s1, s31;
	(pc) =	sbr.rel .LBB2_1-.Ltmp0, $4  }
0xd: {  	s4 =	sadd.s32 s7, s9;
	s10 =	sor.u32 $0x10, s9;
	s11 =	sor.u32 $0x20, s9  }
0xe: {  	s13 =	sor.u32 $0x30, s9;
	s9 =	sadd.s32 s12, s9;
	s5 =	sadd.s32 s7, s10  }
0xf: {  	s6 =	sadd.s32 s7, s11;
	s7 =	sadd.s32 s7, s13;
	s10 =	sadd.s32 s12, s10  }
0x10: {  	s11 =	sadd.s32 s12, s11;
	s12 =	sadd.s32 s12, s13;
	s13 =	smax.u32 s1, $0x1  }
.LBB2_12:
0x11: {  	[hbm4b:s9+s14] =	stream.strided.scatter [tilespmem:s16], [sflag:$0x4], $0x2780, s15, s14, $0x38;
	[tilespmem:$0x1D900] =	vst v63  }
0x12: {  	_ =	swait.ge [sflag:s29], $0x2780  }
0x13: {  	[sflag:s29] =	ssyncset.done $0x0  }
0x14: {  	[sflag:s29] =	ssyncadd.s32 $0xFFFFD880  }
0x15: {  	[hbm4b:s10+s14] =	stream.strided.scatter [tilespmem:s18], [sflag:$0x4], $0x2780, s15, s14, $0x38;
	[tilespmem:$0x1D900] =	vst v63  }
0x16: {  	_ =	swait.ge [sflag:s29], $0x2780  }
0x17: {  	[sflag:s29] =	ssyncset.done $0x0  }
0x18: {  	[sflag:s29] =	ssyncadd.s32 $0xFFFFD880  }
0x19: {  	[hbm4b:s11+s14] =	stream.strided.scatter [tilespmem:s20], [sflag:$0x4], $0x2780, s15, s14, $0x38;
	[tilespmem:$0x1D900] =	vst v63  }
0x1a: {  	s30 =	sadd.s32 $0x1, s30;
	_ =	swait.ge [sflag:s29], $0x2780  }
0x1b: {  	p0 =	sne.s32 s30, s13;
	[sflag:s29] =	ssyncset.done $0x0  }
.Ltmp1:
0x1c: {  	[sflag:s29] =	ssyncadd.s32 $0xFFFFD880;
	(pc) =	sbr.rel @!p0 .LBB2_13-.Ltmp1, $4  }
0x1d: {  	[hbm4b:s12+s14] =	stream.strided.scatter [tilespmem:s22], [sflag:$0x4], $0x2780, s15, s14, $0x38;
	[tilespmem:$0x1D900] =	vst v63  }
0x1e: {  	_ =	swait.ge [sflag:s29], $0x2780  }
0x1f: {  	[sflag:s29] =	ssyncset.done $0x0  }
0x20: {  	[sflag:s29] =	ssyncadd.s32 $0xFFFFD880  }
.LBB2_1:
0x21: {  	[tilespmem:s2], [sflag:$0x3] =	stream.strided.gather [hbm4b:s4+s14], $0x2780, s15, s14, $0x38;
	[tilespmem:$0x1D900] =	vst v63  }
0x22: {  	_ = 	snop  }
0x23: {  	[tilespmem:s16], [sflag:$0x3] =	stream.strided.gather [hbm4b:s4+s14], $0x2780, s15, s14, $0x38;
	[tilespmem:$0x1D900] =	vst v63  }
0x24: {  	_ = 	snop  }
0x25: {  	[tilespmem:s17], [sflag:$0x3] =	stream.strided.gather [hbm4b:s5+s14], $0x2780, s15, s14, $0x38;
	[tilespmem:$0x1D900] =	vst v63  }
0x26: {  	_ = 	snop  }
0x27: {  	[tilespmem:s18], [sflag:$0x3] =	stream.strided.gather [hbm4b:s5+s14], $0x2780, s15, s14, $0x38;
	[tilespmem:$0x1D900] =	vst v63  }
0x28: {  	_ = 	snop  }
0x29: {  	[tilespmem:s19], [sflag:$0x3] =	stream.strided.gather [hbm4b:s6+s14], $0x2780, s15, s14, $0x38;
	[tilespmem:$0x1D900] =	vst v63  }
0x2a: {  	_ = 	snop  }
0x2b: {  	[tilespmem:s20], [sflag:$0x3] =	stream.strided.gather [hbm4b:s6+s14], $0x2780, s15, s14, $0x38;
	[tilespmem:$0x1D900] =	vst v63  }
0x2c: {  	_ = 	snop  }
0x2d: {  	[tilespmem:s21], [sflag:$0x3] =	stream.strided.gather [hbm4b:s7+s14], $0x2780, s15, s14, $0x38;
	[tilespmem:$0x1D900] =	vst v63  }
0x2e: {  	_ = 	snop  }
0x2f: {  	[tilespmem:s22], [sflag:$0x3] =	stream.strided.gather [hbm4b:s7+s14], $0x2780, s15, s14, $0x38;
	[tilespmem:$0x1D900] =	vst v63  }
0x30: {  	s0 =	simm.s32 $0x13C00  }
0x31: {  	[tilespmem:s0], [sflag:$0x1] =	stream.linear.gather [hbm4b:s3+s2], $0x4E20, $0x38;
	[tilespmem:$0x1D900] =	vst v63  }
0x32: {  	_ = 	snop  }
0x33: {  	[tilespmem:s24], [sflag:$0x2] =	stream.linear.gather [hbm4b:s8+s2], $0x4E20, $0x38;
	[tilespmem:$0x1D900] =	vst v63  }
0x34: {  	_ =	swait.ge [sflag:s25], $0x2780  }
0x35: {  	[sflag:s25] =	ssyncset.done $0x0  }
0x36: {  	[sflag:s25] =	ssyncadd.s32 $0xFFFFD880  }
0x37: {  	_ =	swait.ge [sflag:s25], $0x2780  }
0x38: {  	[sflag:s25] =	ssyncset.done $0x0  }
0x39: {  	[sflag:s25] =	ssyncadd.s32 $0xFFFFD880  }
0x3a: {  	_ =	swait.ge [sflag:s25], $0x2780  }
0x3b: {  	[sflag:s25] =	ssyncset.done $0x0  }
0x3c: {  	[sflag:s25] =	ssyncadd.s32 $0xFFFFD880  }
0x3d: {  	_ =	swait.ge [sflag:s25], $0x2780  }
0x3e: {  	[sflag:s25] =	ssyncset.done $0x0  }
0x3f: {  	[sflag:s25] =	ssyncadd.s32 $0xFFFFD880  }
0x40: {  	_ =	swait.ge [sflag:s25], $0x2780  }
0x41: {  	[sflag:s25] =	ssyncset.done $0x0  }
0x42: {  	[sflag:s25] =	ssyncadd.s32 $0xFFFFD880  }
0x43: {  	_ =	swait.ge [sflag:s25], $0x2780  }
0x44: {  	[sflag:s25] =	ssyncset.done $0x0  }
0x45: {  	[sflag:s25] =	ssyncadd.s32 $0xFFFFD880  }
0x46: {  	_ =	swait.ge [sflag:s25], $0x2780  }
0x47: {  	[sflag:s25] =	ssyncset.done $0x0  }
0x48: {  	[sflag:s25] =	ssyncadd.s32 $0xFFFFD880  }
0x49: {  	_ =	swait.ge [sflag:s25], $0x2780  }
0x4a: {  	[sflag:s25] =	ssyncset.done $0x0  }
0x4b: {  	s31 =	simm.s32 $0x0;
	[sflag:s25] =	ssyncadd.s32 $0xFFFFD880  }
.LBB2_2:
0x4c: {  	_ =	swait.ge [sflag:s26], $0x4E20  }
0x4d: {  	[sflag:s26] =	ssyncset.done $0x0  }
0x4e: {  	s0 =	simm.s32 $0x13C20;
	[sflag:s26] =	ssyncadd.s32 $0xFFFFB1E0  }
0x4f: {  	v0 =	vld [tilespmem:s0+$0x10];
	_ =	sdelay $0x3  }
0x50: {  	v1 =	vld [tilespmem:s0+$0xFFFFFFE0]  }
0x51: {  	v2 =	vand.u32 $0xFFFF, v0;
	_ =	sdelay $0x2  }
0x52: {  	v8 =	vld [tilespmem:s0+$0x0]  }
0x53: {  	v3 =	vld [tilespmem:s0+$0xFFFFFFF0];
	s0 =	simm.s32 $0x0;
	v4 =	vand.u32 $0xFFFF, v1  }
0x54: {  	v5 =	vld.idx.msk [tilespmem:v2+s0+$0x0], $0xffff  }
0x55: {  	v6 =	vld.idx.msk [tilespmem:v2+s17+$0x0], $0xffff  }
0x56: {  	v7 =	vld.idx.msk [tilespmem:v2+s19+$0x0], $0xffff  }
0x57: {  	v12 =	vand.u32 $0xFFFF, v8;
	v2 =	vld.idx.msk [tilespmem:v2+s21+$0x0], $0xffff  }
0x58: {  	v0 =	vshrl.u32 v0, $0x10;
	v9 =	vld.idx.msk [tilespmem:v4+s0+$0x0], $0xffff  }
0x59: {  	v1 =	vshrl.u32 v1, $0x10;
	v10 =	vld.idx.msk [tilespmem:v4+s17+$0x0], $0xffff  }
0x5a: {  	v11 =	vld.idx.msk [tilespmem:v4+s19+$0x0], $0xffff  }
0x5b: {  	v13 =	vld.idx.msk [tilespmem:v4+s21+$0x0], $0xffff  }
0x5c: {  	v4 =	vld.idx.msk [tilespmem:v12+s17+$0x0], $0xffff  }
0x5d: {  	[tilespmem:v0+s16+$0x0] =	vst.idx.add.f32.msk $0xffff, v5  }
0x5e: {  	[tilespmem:v1+s16+$0x0] =	vst.idx.add.f32.msk $0xffff, v9  }
0x5f: {  	[tilespmem:v0+s18+$0x0] =	vst.idx.add.f32.msk $0xffff, v6  }
0x60: {  	[tilespmem:v1+s18+$0x0] =	vst.idx.add.f32.msk $0xffff, v10  }
0x61: {  	[tilespmem:v0+s20+$0x0] =	vst.idx.add.f32.msk $0xffff, v7  }
0x62: {  	v5 =	vand.u32 $0xFFFF, v3;
	[tilespmem:v1+s20+$0x0] =	vst.idx.add.f32.msk $0xffff, v11  }
0x63: {  	[tilespmem:v0+s22+$0x0] =	vst.idx.add.f32.msk $0xffff, v2  }
0x64: {  	v2 =	vld.idx.msk [tilespmem:v12+s19+$0x0], $0xffff  }
0x65: {  	v0 =	vshrl.u32 v3, $0x10;
	v3 =	vld.idx.msk [tilespmem:v12+s21+$0x0], $0xffff  }
0x66: {  	[tilespmem:v1+s22+$0x0] =	vst.idx.add.f32.msk $0xffff, v13  }
0x67: {  	v14 =	vld.idx.msk [tilespmem:v5+s0+$0x0], $0xffff  }
0x68: {  	v15 =	vld.idx.msk [tilespmem:v5+s17+$0x0], $0xffff  }
0x69: {  	v6 =	vld.idx.msk [tilespmem:v5+s19+$0x0], $0xffff  }
0x6a: {  	v7 =	vld.idx.msk [tilespmem:v5+s21+$0x0], $0xffff  }
0x6b: {  	v5 =	vld.idx.msk [tilespmem:v12+s0+$0x0], $0xffff  }
0x6c: {  	[tilespmem:v0+s16+$0x0] =	vst.idx.add.f32.msk $0xffff, v14  }
0x6d: {  	s1 =	simm.s32 $0x0;
	s23 =	simm.s32 $0x13C60;
	v1 =	vshrl.u32 v8, $0x10;
	[tilespmem:v0+s18+$0x0] =	vst.idx.add.f32.msk $0xffff, v15  }
.LBB2_3:
0x6e: {  	v8 =	vld [tilespmem:s23+$0x10]  }
0x6f: {  	v9 =	vld [tilespmem:s23+$0xFFFFFFF0]  }
0x70: {  	v10 =	vld [tilespmem:s23+$0x0]  }
0x71: {  	s1 =	sadd.s32 $0x4, s1;
	v11 =	vld [tilespmem:s23+$0xFFFFFFE0]  }
0x72: {  	p0 =	slt.u32 s1, $0x4DC;
	[tilespmem:v0+s20+$0x0] =	vst.idx.add.f32.msk $0xffff, v6  }
0x73: {  	v6 =	vand.u32 $0xFFFF, v8;
	[tilespmem:v0+s22+$0x0] =	vst.idx.add.f32.msk $0xffff, v7  }
0x74: {  	v0 =	vshrl.u32 v9, $0x10;
	v7 =	vand.u32 $0xFFFF, v9;
	[tilespmem:v1+s16+$0x0] =	vst.idx.add.f32.msk $0xffff, v5  }
0x75: {  	v5 =	vshrl.u32 v10, $0x10;
	v9 =	vand.u32 $0xFFFF, v10;
	[tilespmem:v1+s18+$0x0] =	vst.idx.add.f32.msk $0xffff, v4  }
0x76: {  	v10 =	vshrl.u32 v11, $0x10;
	v4 =	vand.u32 $0xFFFF, v11;
	[tilespmem:v1+s20+$0x0] =	vst.idx.add.f32.msk $0xffff, v2  }
0x77: {  	[tilespmem:v1+s22+$0x0] =	vst.idx.add.f32.msk $0xffff, v3;
	v1 =	vmov v5  }
0x78: {  	v2 =	vld.idx.msk [tilespmem:v6+s0+$0x0], $0xffff  }
0x79: {  	v3 =	vshrl.u32 v8, $0x10;
	v5 =	vld.idx.msk [tilespmem:v6+s17+$0x0], $0xffff  }
0x7a: {  	v8 =	vld.idx.msk [tilespmem:v6+s19+$0x0], $0xffff  }
0x7b: {  	v6 =	vld.idx.msk [tilespmem:v6+s21+$0x0], $0xffff  }
0x7c: {  	v11 =	vld.idx.msk [tilespmem:v4+s0+$0x0], $0xffff  }
0x7d: {  	v12 =	vld.idx.msk [tilespmem:v4+s17+$0x0], $0xffff  }
0x7e: {  	[tilespmem:v3+s16+$0x0] =	vst.idx.add.f32.msk $0xffff, v2  }
0x7f: {  	[tilespmem:v3+s18+$0x0] =	vst.idx.add.f32.msk $0xffff, v5  }
0x80: {  	[tilespmem:v3+s20+$0x0] =	vst.idx.add.f32.msk $0xffff, v8  }
0x81: {  	[tilespmem:v3+s22+$0x0] =	vst.idx.add.f32.msk $0xffff, v6  }
0x82: {  	v8 =	vld.idx.msk [tilespmem:v4+s19+$0x0], $0xffff  }
0x83: {  	v13 =	vld.idx.msk [tilespmem:v4+s21+$0x0], $0xffff  }
0x84: {  	v14 =	vld.idx.msk [tilespmem:v7+s0+$0x0], $0xffff  }
0x85: {  	v15 =	vld.idx.msk [tilespmem:v7+s17+$0x0], $0xffff  }
0x86: {  	v6 =	vld.idx.msk [tilespmem:v7+s19+$0x0], $0xffff  }
0x87: {  	v7 =	vld.idx.msk [tilespmem:v7+s21+$0x0], $0xffff  }
0x88: {  	v5 =	vld.idx.msk [tilespmem:v9+s0+$0x0], $0xffff  }
0x89: {  	v4 =	vld.idx.msk [tilespmem:v9+s17+$0x0], $0xffff  }
0x8a: {  	v2 =	vld.idx.msk [tilespmem:v9+s19+$0x0], $0xffff  }
0x8b: {  	v3 =	vld.idx.msk [tilespmem:v9+s21+$0x0], $0xffff  }
0x8c: {  	[tilespmem:v10+s16+$0x0] =	vst.idx.add.f32.msk $0xffff, v11  }
.Ltmp2:
0x8d: {  	[tilespmem:v10+s18+$0x0] =	vst.idx.add.f32.msk $0xffff, v12;
	(pc) =	sbr.rel @p0 .LBB2_3-.Ltmp2, $4  }
0x8e: {  	[tilespmem:v10+s20+$0x0] =	vst.idx.add.f32.msk $0xffff, v8  }
0x8f: {  	[tilespmem:v10+s22+$0x0] =	vst.idx.add.f32.msk $0xffff, v13  }
0x90: {  	[tilespmem:v0+s16+$0x0] =	vst.idx.add.f32.msk $0xffff, v14  }
0x91: {  	s23 =	sadd.s32 $0x40, s23;
	[tilespmem:v0+s18+$0x0] =	vst.idx.add.f32.msk $0xffff, v15  }
0x92: {  	_ =	sdelay $0x3  }
0x93: {  	[tilespmem:v0+s20+$0x0] =	vst.idx.add.f32.msk $0xffff, v6  }
0x94: {  	[tilespmem:v1+s16+$0x0] =	vst.idx.add.f32.msk $0xffff, v5  }
0x95: {  	[tilespmem:v0+s22+$0x0] =	vst.idx.add.f32.msk $0xffff, v7  }
0x96: {  	[tilespmem:v1+s18+$0x0] =	vst.idx.add.f32.msk $0xffff, v4  }
0x97: {  	[tilespmem:v1+s20+$0x0] =	vst.idx.add.f32.msk $0xffff, v2  }
0x98: {  	[tilespmem:v1+s22+$0x0] =	vst.idx.add.f32.msk $0xffff, v3  }
.LBB2_5:
0x99: {  	s1 =	sshra.s32 s0, $0x2  }
0x9a: {  	v0 =	vld [tilespmem:s1+$0x18A00];
	_ =	sdelay $0x4  }
0x9b: {  	v1 =	vand.u32 $0xFFFF, v0;
	_ =	sdelay $0x4  }
0x9c: {  	v0 =	vshrl.u32 v0, $0x10;
	v2 =	vld.idx.msk [tilespmem:v1+s2+$0x0], $0xffff  }
0x9d: {  	v3 =	vld.idx.msk [tilespmem:v1+s17+$0x0], $0xffff  }
0x9e: {  	v4 =	vld.idx.msk [tilespmem:v1+s19+$0x0], $0xffff  }
0x9f: {  	p0 =	sne.s32 s0, $0x40;
	v1 =	vld.idx.msk [tilespmem:v1+s21+$0x0], $0xffff  }
.Ltmp3:
0xa0: {  	_ = 	snop;
	(pc) =	sbr.rel @p0 .LBB2_5-.Ltmp3, $4  }
0xa1: {  	[tilespmem:v0+s16+$0x0] =	vst.idx.add.f32.msk $0xffff, v2  }
0xa2: {  	[tilespmem:v0+s18+$0x0] =	vst.idx.add.f32.msk $0xffff, v3  }
0xa3: {  	[tilespmem:v0+s20+$0x0] =	vst.idx.add.f32.msk $0xffff, v4  }
0xa4: {  	s0 =	sadd.s32 $0x40, s0;
	[tilespmem:v0+s22+$0x0] =	vst.idx.add.f32.msk $0xffff, v1  }
0xa5: {  	p0 =	seq.s32 s31, $0x7  }
0xa6: {  	s0 =	smul.u32 @!p0 $0x9C40, s31;
	_ =	sdelay $0x1  }
0xa7: {  	s0 =	sshrl.u32 @!p0 s0, $0x3  }
0xa8: {  	s0 =	sadd.s32 @!p0 s3, s0  }
0xa9: {  	s1 =	simm.s32 @!p0 $0x0;
	s23 =	simm.s32 @!p0 $0x13C00;
	s0 =	sadd.s32 @!p0 $0x1388, s0  }
0xaa: {  	[tilespmem:s23], [sflag:$0x1] =	stream.linear.gather @!p0 [hbm4b:s0+s1], $0x4E20, $0x38;
	[tilespmem:$0x1D900] =	vst v63  }
0xab: {  	_ =	swait.ge [sflag:s28], $0x4E20  }
0xac: {  	[sflag:s28] =	ssyncset.done $0x0  }
0xad: {  	s23 =	simm.s32 $0x18AA0;
	[sflag:s28] =	ssyncadd.s32 $0xFFFFB1E0  }
0xae: {  	v0 =	vld [tilespmem:s23+$0x10];
	_ =	sdelay $0x3  }
0xaf: {  	v1 =	vld [tilespmem:s23+$0xFFFFFFE0]  }
0xb0: {  	v2 =	vand.u32 $0xFFFF, v0;
	_ =	sdelay $0x2  }
0xb1: {  	v8 =	vld [tilespmem:s23+$0x0]  }
0xb2: {  	s0 =	simm.s32 $0x0;
	v3 =	vld [tilespmem:s23+$0xFFFFFFF0];
	v4 =	vand.u32 $0xFFFF, v1  }
0xb3: {  	v5 =	vld.idx.msk [tilespmem:v2+s0+$0x0], $0xffff  }
0xb4: {  	v6 =	vld.idx.msk [tilespmem:v2+s17+$0x0], $0xffff  }
0xb5: {  	v7 =	vld.idx.msk [tilespmem:v2+s19+$0x0], $0xffff  }
0xb6: {  	v12 =	vand.u32 $0xFFFF, v8;
	v2 =	vld.idx.msk [tilespmem:v2+s21+$0x0], $0xffff  }
0xb7: {  	v0 =	vshrl.u32 v0, $0x10;
	v9 =	vld.idx.msk [tilespmem:v4+s0+$0x0], $0xffff  }
0xb8: {  	v1 =	vshrl.u32 v1, $0x10;
	v10 =	vld.idx.msk [tilespmem:v4+s17+$0x0], $0xffff  }
0xb9: {  	v11 =	vld.idx.msk [tilespmem:v4+s19+$0x0], $0xffff  }
0xba: {  	v13 =	vld.idx.msk [tilespmem:v4+s21+$0x0], $0xffff  }
0xbb: {  	v4 =	vld.idx.msk [tilespmem:v12+s17+$0x0], $0xffff  }
0xbc: {  	[tilespmem:v0+s16+$0x0] =	vst.idx.add.f32.msk $0xffff, v5  }
0xbd: {  	[tilespmem:v1+s16+$0x0] =	vst.idx.add.f32.msk $0xffff, v9  }
0xbe: {  	[tilespmem:v0+s18+$0x0] =	vst.idx.add.f32.msk $0xffff, v6  }
0xbf: {  	[tilespmem:v1+s18+$0x0] =	vst.idx.add.f32.msk $0xffff, v10  }
0xc0: {  	[tilespmem:v0+s20+$0x0] =	vst.idx.add.f32.msk $0xffff, v7  }
0xc1: {  	v5 =	vand.u32 $0xFFFF, v3;
	[tilespmem:v1+s20+$0x0] =	vst.idx.add.f32.msk $0xffff, v11  }
0xc2: {  	[tilespmem:v0+s22+$0x0] =	vst.idx.add.f32.msk $0xffff, v2  }
0xc3: {  	v2 =	vld.idx.msk [tilespmem:v12+s19+$0x0], $0xffff  }
0xc4: {  	v0 =	vshrl.u32 v3, $0x10;
	v3 =	vld.idx.msk [tilespmem:v12+s21+$0x0], $0xffff  }
0xc5: {  	[tilespmem:v1+s22+$0x0] =	vst.idx.add.f32.msk $0xffff, v13  }
0xc6: {  	v14 =	vld.idx.msk [tilespmem:v5+s0+$0x0], $0xffff  }
0xc7: {  	v15 =	vld.idx.msk [tilespmem:v5+s17+$0x0], $0xffff  }
0xc8: {  	v6 =	vld.idx.msk [tilespmem:v5+s19+$0x0], $0xffff  }
0xc9: {  	v7 =	vld.idx.msk [tilespmem:v5+s21+$0x0], $0xffff  }
0xca: {  	v5 =	vld.idx.msk [tilespmem:v12+s0+$0x0], $0xffff  }
0xcb: {  	[tilespmem:v0+s16+$0x0] =	vst.idx.add.f32.msk $0xffff, v14  }
0xcc: {  	s1 =	simm.s32 $0x0;
	s23 =	simm.s32 $0x18AE0;
	v1 =	vshrl.u32 v8, $0x10;
	[tilespmem:v0+s18+$0x0] =	vst.idx.add.f32.msk $0xffff, v15  }
.LBB2_7:
0xcd: {  	v8 =	vld [tilespmem:s23+$0x10]  }
0xce: {  	v9 =	vld [tilespmem:s23+$0xFFFFFFF0]  }
0xcf: {  	v10 =	vld [tilespmem:s23+$0x0]  }
0xd0: {  	s1 =	sadd.s32 $0x4, s1;
	v11 =	vld [tilespmem:s23+$0xFFFFFFE0]  }
0xd1: {  	p1 =	slt.u32 s1, $0x4DC;
	[tilespmem:v0+s20+$0x0] =	vst.idx.add.f32.msk $0xffff, v6  }
0xd2: {  	v6 =	vand.u32 $0xFFFF, v8;
	[tilespmem:v0+s22+$0x0] =	vst.idx.add.f32.msk $0xffff, v7  }
0xd3: {  	v0 =	vshrl.u32 v9, $0x10;
	v7 =	vand.u32 $0xFFFF, v9;
	[tilespmem:v1+s16+$0x0] =	vst.idx.add.f32.msk $0xffff, v5  }
0xd4: {  	v5 =	vshrl.u32 v10, $0x10;
	v9 =	vand.u32 $0xFFFF, v10;
	[tilespmem:v1+s18+$0x0] =	vst.idx.add.f32.msk $0xffff, v4  }
0xd5: {  	v10 =	vshrl.u32 v11, $0x10;
	v4 =	vand.u32 $0xFFFF, v11;
	[tilespmem:v1+s20+$0x0] =	vst.idx.add.f32.msk $0xffff, v2  }
0xd6: {  	[tilespmem:v1+s22+$0x0] =	vst.idx.add.f32.msk $0xffff, v3;
	v1 =	vmov v5  }
0xd7: {  	v2 =	vld.idx.msk [tilespmem:v6+s0+$0x0], $0xffff  }
0xd8: {  	v3 =	vshrl.u32 v8, $0x10;
	v5 =	vld.idx.msk [tilespmem:v6+s17+$0x0], $0xffff  }
0xd9: {  	v8 =	vld.idx.msk [tilespmem:v6+s19+$0x0], $0xffff  }
0xda: {  	v6 =	vld.idx.msk [tilespmem:v6+s21+$0x0], $0xffff  }
0xdb: {  	v11 =	vld.idx.msk [tilespmem:v4+s0+$0x0], $0xffff  }
0xdc: {  	v12 =	vld.idx.msk [tilespmem:v4+s17+$0x0], $0xffff  }
0xdd: {  	[tilespmem:v3+s16+$0x0] =	vst.idx.add.f32.msk $0xffff, v2  }
0xde: {  	[tilespmem:v3+s18+$0x0] =	vst.idx.add.f32.msk $0xffff, v5  }
0xdf: {  	[tilespmem:v3+s20+$0x0] =	vst.idx.add.f32.msk $0xffff, v8  }
0xe0: {  	[tilespmem:v3+s22+$0x0] =	vst.idx.add.f32.msk $0xffff, v6  }
0xe1: {  	v8 =	vld.idx.msk [tilespmem:v4+s19+$0x0], $0xffff  }
0xe2: {  	v13 =	vld.idx.msk [tilespmem:v4+s21+$0x0], $0xffff  }
0xe3: {  	v14 =	vld.idx.msk [tilespmem:v7+s0+$0x0], $0xffff  }
0xe4: {  	v15 =	vld.idx.msk [tilespmem:v7+s17+$0x0], $0xffff  }
0xe5: {  	v6 =	vld.idx.msk [tilespmem:v7+s19+$0x0], $0xffff  }
0xe6: {  	v7 =	vld.idx.msk [tilespmem:v7+s21+$0x0], $0xffff  }
0xe7: {  	v5 =	vld.idx.msk [tilespmem:v9+s0+$0x0], $0xffff  }
0xe8: {  	v4 =	vld.idx.msk [tilespmem:v9+s17+$0x0], $0xffff  }
0xe9: {  	v2 =	vld.idx.msk [tilespmem:v9+s19+$0x0], $0xffff  }
0xea: {  	v3 =	vld.idx.msk [tilespmem:v9+s21+$0x0], $0xffff  }
0xeb: {  	[tilespmem:v10+s16+$0x0] =	vst.idx.add.f32.msk $0xffff, v11  }
.Ltmp4:
0xec: {  	[tilespmem:v10+s18+$0x0] =	vst.idx.add.f32.msk $0xffff, v12;
	(pc) =	sbr.rel @p1 .LBB2_7-.Ltmp4, $4  }
0xed: {  	[tilespmem:v10+s20+$0x0] =	vst.idx.add.f32.msk $0xffff, v8  }
0xee: {  	[tilespmem:v10+s22+$0x0] =	vst.idx.add.f32.msk $0xffff, v13  }
0xef: {  	[tilespmem:v0+s16+$0x0] =	vst.idx.add.f32.msk $0xffff, v14  }
0xf0: {  	s23 =	sadd.s32 $0x40, s23;
	[tilespmem:v0+s18+$0x0] =	vst.idx.add.f32.msk $0xffff, v15  }
0xf1: {  	_ =	sdelay $0x3  }
0xf2: {  	[tilespmem:v0+s20+$0x0] =	vst.idx.add.f32.msk $0xffff, v6  }
0xf3: {  	[tilespmem:v1+s16+$0x0] =	vst.idx.add.f32.msk $0xffff, v5  }
0xf4: {  	[tilespmem:v0+s22+$0x0] =	vst.idx.add.f32.msk $0xffff, v7  }
0xf5: {  	[tilespmem:v1+s18+$0x0] =	vst.idx.add.f32.msk $0xffff, v4  }
0xf6: {  	[tilespmem:v1+s20+$0x0] =	vst.idx.add.f32.msk $0xffff, v2  }
0xf7: {  	[tilespmem:v1+s22+$0x0] =	vst.idx.add.f32.msk $0xffff, v3  }
.LBB2_9:
0xf8: {  	s1 =	sshra.s32 s0, $0x2  }
0xf9: {  	v0 =	vld [tilespmem:s1+$0x1D880];
	_ =	sdelay $0x4  }
0xfa: {  	v1 =	vand.u32 $0xFFFF, v0;
	_ =	sdelay $0x4  }
0xfb: {  	v0 =	vshrl.u32 v0, $0x10;
	v2 =	vld.idx.msk [tilespmem:v1+s2+$0x0], $0xffff  }
0xfc: {  	v3 =	vld.idx.msk [tilespmem:v1+s17+$0x0], $0xffff  }
0xfd: {  	v4 =	vld.idx.msk [tilespmem:v1+s19+$0x0], $0xffff  }
0xfe: {  	p1 =	sne.s32 s0, $0x40;
	v1 =	vld.idx.msk [tilespmem:v1+s21+$0x0], $0xffff  }
.Ltmp5:
0xff: {  	_ = 	snop;
	(pc) =	sbr.rel @p1 .LBB2_9-.Ltmp5, $4  }
0x100: {  	[tilespmem:v0+s16+$0x0] =	vst.idx.add.f32.msk $0xffff, v2  }
0x101: {  	[tilespmem:v0+s18+$0x0] =	vst.idx.add.f32.msk $0xffff, v3  }
0x102: {  	[tilespmem:v0+s20+$0x0] =	vst.idx.add.f32.msk $0xffff, v4  }
0x103: {  	s0 =	sadd.s32 $0x40, s0;
	[tilespmem:v0+s22+$0x0] =	vst.idx.add.f32.msk $0xffff, v1  }
.Ltmp6:
0x104: {  	(pc) =	sbr.rel @p0 .LBB2_12-.Ltmp6, $1  }
0x105: {  	_ =	sdelay $0x3  }
0x106: {  	s0 =	smul.u32 $0x9C40, s31  }
.Ltmp7:
0x107: {  	_ = 	snop;
	(pc) =	sbr.rel .LBB2_2-.Ltmp7, $4  }
0x108: {  	s0 =	sshrl.u32 s0, $0x3  }
0x109: {  	s0 =	sadd.s32 s3, s0  }
0x10a: {  	s31 =	sadd.s32 $0x1, s31;
	s0 =	sadd.s32 $0x1D4C, s0  }
0x10b: {  	[tilespmem:s24], [sflag:$0x2] =	stream.linear.gather [hbm4b:s0+s2], $0x4E20, $0x38;
	[tilespmem:$0x1D900] =	vst v63  }
.LBB2_13:
0x10c: {  	_ =	sfence.sel $0x180000  }
0x10d: {  	[bflag:$0x0] =	sbarrier.arrive $0xFFFF  }
0x10e: {  	_ =	strace $0x9000004A  }
0x10f: {  	s0 =	stileid.u32;
	[bflag:$0x2] =	sbarrier.arrive $0xFFFF  }
0x110: {  	p0 =	sne.s32 s0, $0x0;
	s0 =	rddreg [dreg:$0x1]  }
0x111: {  	s0 =	sadd.s32 @!p0 $0x100000, s0  }
0x112: {  	[sflag:s0] =	ssyncadd.tile.s32 @!p0 $0x1;
	_ =	shalt  }
.Lfunc_end2:
_tile_overlayer_lowered:
.L_overlay_start_2:
0x113: {  	(tag) =	ssettag $0x2  }
0x114: {  	s0 =	rddreg [dreg:$0x0];
	s2 =	stileid.u32  }
0x115: {  	s1 =	rddreg [dreg:$0x1];
	p0 =	sne.s32 s2, $0x0  }
0x116: {  	s3 =	rddreg [dreg:$0x2];
	[bflag:$0x3] =	sbarrier.arrive $0xFFFF;
	s2 =	simm.s32 @!p0 $0x1C04  }
0x117: {  	[timem:s3], [sflag:s2] =	dma.local @!p0 [hbm:s0], s1  }
0x118: {  	s0 =	simm.s32 @!p0 $0x4  }
0x119: {  	_ =	swait.ge @!p0 [sflag:s0], s1  }
0x11a: {  	s1 =	ssub.s32 @!p0 $0x0, s1;
	[sflag:s0] =	ssyncset.done @!p0 $0x0  }
0x11b: {  	[sflag:s0] =	ssyncadd.s32 @!p0 s1  }
0x11c: {  	[bflag:$0x3] =	sbarrier.arrive $0xFFFF  }
0x11d: {  	_ =	shalt  }

// kernel: kernel.17.cloned.1.call-start
scs
__scs_entry_jumppad:
0x0: {  	(pc) =	sbr.rel $0x88, $3  }
0x1: {  	(tag) =	ssettag $0x0;
	lr =	simm.s32 $0x1  }
0x2: {  	[smem:$0x3F90] =	sst lr;
	_ =	strace $0xD0000000  }
0x3: {  	_ = 	snop  }
0x4: {  	_ = 	snop  }
0x5: {  	_ = 	snop  }
0x6: {  	_ = 	snop  }
0x7: {  	_ = 	snop  }
__scs_overlays_trampoline_lowered:
0x8: {  	[smem:$0x3F9F] =	sst s0  }
0x9: {  	[smem:$0x3FA0] =	sst s1  }
0xa: {  	[smem:$0x3FA1] =	sst s2  }
0xb: {  	[smem:$0x3FA2] =	sst s3  }
0xc: {  	[smem:$0x3FA3] =	sst s4  }
0xd: {  	[smem:$0x3FA4] =	sst s5  }
0xe: {  	[smem:$0x3FA5] =	sst s6  }
0xf: {  	[smem:$0x3FA6] =	sst s7  }
0x10: {  	[smem:$0x3FA7] =	sst s8  }
0x11: {  	[smem:$0x3FA8] =	sst s9;
	s0 =	simm.s32 @!p0 $0x0  }
0x12: {  	s1 =	sld [smem:$0x3F8E];
	s0 =	simm.s32 @p0 $0x1  }
0x13: {  	[smem:$0x3FA9] =	sst s0;
	s0 =	simm.s32 @!p1 $0x0  }
0x14: {  	s2 =	sld [smem:$0x3F8D];
	s0 =	simm.s32 @p1 $0x1  }
0x15: {  	[smem:$0x3FAA] =	sst s0;
	s0 =	simm.s32 @!p2 $0x0  }
0x16: {  	s3 =	sld [smem:$0x3FDB];
	s0 =	simm.s32 @p2 $0x1  }
0x17: {  	s4 =	simm.s32 $0x1BF5;
	[smem:$0x3FAC] =	sst s0  }
0x18: {  	s0 =	sld [smem:$0x3F8F];
	_ =	swait.ge [sflag:s4], $0x0  }
0x19: {  	s7 =	sld [smem:$0x3F90]  }
0x1a: {  	s8 =	sadd.s32 $0xFFFFE003, lr  }
0x1b: {  	s9 =	sadd.s32 $0xFFFFFEF7, lr;
	s5 =	simm.s32 $0xFFFFFFFF;
	p2 =	slt.u32 s8, $0xFFFFF086  }
0x1c: {  	p1 =	slt.u32 s9, $0xF7A;
	s5 =	simm.s32 @!p2 $0x0  }
0x1d: {  	s5 =	simm.s32 @p1 $0x1;
	p0 =	seq.s32 s7, s2  }
0x1e: {  	s7 =	smul.u32 @!p0 $0xF7A, s2;
	p2 =	seq.s32 @!p0 s5, $0x0  }
0x1f: {  	s9 =	smul.u32 $0xF7A, s1;
	s8 =	simm.s32 @!p0 $0x1BF5;
	p2 =	por !p2, p0  }
0x20: {  	[sflag:s8] =	ssyncset.s32 @!p0 $0xFFFFF086;
	s6 =	sadd.s32 @!p0 s3, s7;
	s7 =	simm.s32 @!p0 $0x108  }
0x21: {  	s3 =	sadd.s32 s3, s9;
	s6 =	sadd.s32 @!p0 $0x88, s6;
	s7 =	simm.s32 @p2 $0x1082  }
0x22: {  	[simem:s7], [sflag:s8] =	dma.local @!p0 [hbm:s6], $0xF7A  }
0x23: {  	s9 =	sor.u32 $0xD0000000, s2;
	s6 =	simm.s32 $0x108;
	_ =	swait.ge @!p0 [sflag:s8], $0x0  }
0x24: {  	s3 =	sadd.s32 $0x88, s3;
	s6 =	simm.s32 @!p1 $0x1082;
	[sflag:s4] =	ssyncset.s32 $0xFFFFF086  }
0x25: {  	[simem:s6], [sflag:s4] =	dma.local [hbm:s3], $0xF7A  }
0x26: {  	[smem:$0x3F90] =	sst s1;
	(tag) =	ssettag s2;
	_ =	strace s9  }
0x27: {  	s1 =	sld [smem:$0x3FA0]  }
0x28: {  	s2 =	sld [smem:$0x3FA1]  }
0x29: {  	s4 =	sld [smem:$0x3FA3]  }
0x2a: {  	p0 =	seq.s32 s5, $0x0;
	s5 =	sld [smem:$0x3FA4]  }
0x2b: {  	s6 =	sld [smem:$0x3FA5]  }
0x2c: {  	s7 =	sld [smem:$0x3FA6]  }
0x2d: {  	s3 =	simm.s32 $0x108;
	s8 =	sld [smem:$0x3FA7]  }
0x2e: {  	s3 =	simm.s32 @!p0 $0x1082;
	s9 =	sld [smem:$0x3FA8]  }
0x2f: {  	lr =	sadd.s32 s0, s3;
	s0 =	sld [smem:$0x3F9F]  }
0x30: {  	s3 =	sld [smem:$0x3FA2]  }
0x31: {  	[smem:$0x3FAB] =	sst s10  }
0x32: {  	s10 =	sld [smem:$0x3FA9];
	_ =	sdelay $0x3  }
0x33: {  	p0 =	seq.s32 s10, $0x1;
	s10 =	sld [smem:$0x3FAB];
	_ =	sdelay $0x3  }
0x34: {  	[smem:$0x3FAB] =	sst s10  }
0x35: {  	s10 =	sld [smem:$0x3FAA];
	_ =	sdelay $0x3  }
0x36: {  	p1 =	seq.s32 s10, $0x1;
	s10 =	sld [smem:$0x3FAB];
	_ =	sdelay $0x3  }
0x37: {  	[smem:$0x3FAB] =	sst s10  }
0x38: {  	s10 =	sld [smem:$0x3FAC]  }
0x39: {  	_ = 	snop;
	(pc) =	sbr.ind lr, $3  }
0x3a: {  	_ = 	snop  }
0x3b: {  	_ = 	snop  }
0x3c: {  	p2 =	seq.s32 s10, $0x1;
	s10 =	sld [smem:$0x3FAB]  }
0x3d: {  	_ =	shalt  }
0x3e: {  	_ =	shalt  }
0x3f: {  	_ =	shalt  }
0x40: {  	_ =	shalt  }
0x41: {  	_ =	shalt  }
0x42: {  	_ =	shalt  }
0x43: {  	_ =	shalt  }
0x44: {  	_ =	shalt  }
0x45: {  	_ =	shalt  }
0x46: {  	_ =	shalt  }
0x47: {  	_ =	shalt  }
0x48: {  	_ =	shalt  }
0x49: {  	_ =	shalt  }
0x4a: {  	_ =	shalt  }
0x4b: {  	_ =	shalt  }
0x4c: {  	_ =	shalt  }
0x4d: {  	_ =	shalt  }
0x4e: {  	_ =	shalt  }
0x4f: {  	_ =	shalt  }
0x50: {  	_ =	shalt  }
0x51: {  	_ =	shalt  }
0x52: {  	_ =	shalt  }
0x53: {  	_ =	shalt  }
0x54: {  	_ =	shalt  }
0x55: {  	_ =	shalt  }
0x56: {  	_ =	shalt  }
0x57: {  	_ =	shalt  }
0x58: {  	_ =	shalt  }
0x59: {  	_ =	shalt  }
0x5a: {  	_ =	shalt  }
0x5b: {  	_ =	shalt  }
0x5c: {  	_ =	shalt  }
0x5d: {  	_ =	shalt  }
0x5e: {  	_ =	shalt  }
0x5f: {  	_ =	shalt  }
0x60: {  	_ =	shalt  }
0x61: {  	_ =	shalt  }
0x62: {  	_ =	shalt  }
0x63: {  	_ =	shalt  }
0x64: {  	_ =	shalt  }
0x65: {  	_ =	shalt  }
0x66: {  	_ =	shalt  }
0x67: {  	_ =	shalt  }
0x68: {  	_ =	shalt  }
0x69: {  	_ =	shalt  }
0x6a: {  	_ =	shalt  }
0x6b: {  	_ =	shalt  }
0x6c: {  	_ =	shalt  }
0x6d: {  	_ =	shalt  }
0x6e: {  	_ =	shalt  }
0x6f: {  	_ =	shalt  }
0x70: {  	_ =	shalt  }
0x71: {  	_ =	shalt  }
0x72: {  	_ =	shalt  }
0x73: {  	_ =	shalt  }
0x74: {  	_ =	shalt  }
0x75: {  	_ =	shalt  }
0x76: {  	_ =	shalt  }
0x77: {  	_ =	shalt  }
0x78: {  	_ =	shalt  }
0x79: {  	_ =	shalt  }
0x7a: {  	_ =	shalt  }
0x7b: {  	_ =	shalt  }
0x7c: {  	_ =	shalt  }
0x7d: {  	_ =	shalt  }
0x7e: {  	_ =	shalt  }
0x7f: {  	_ =	shalt  }
0x80: {  	_ =	shalt  }
0x81: {  	_ =	shalt  }
0x82: {  	_ =	shalt  }
0x83: {  	_ =	shalt  }
0x84: {  	_ =	shalt  }
0x85: {  	_ =	shalt  }
0x86: {  	_ =	shalt  }
0x87: {  	_ =	shalt  }
.Lfunc_end0:
.L_simem_size_0:
called_computation.2_lowered:
.L_overlay_start_0:
0x88: {  	s2 =	sld [smem:$0x3FD9]  }
0x89: {  	s3 =	sld [smem:$0x3FFE];
	_ =	sdelay $0x1  }
0x8a: {  	s1 =	srdreg.scid  }
0x8b: {  	s0 =	sand.u32 $0x1, s1  }
0x8c: {  	s16 =	sshll.u32 s0, $0xA;
	s2 =	sadd.s32 s3, s2  }
0x8d: {  	s2 =	sadd.s32 s2, s16  }
0x8e: {  	[smem:$0x3FB7] =	sst s2  }
0x8f: {  	_ = 	snop  }
0x90: {  	(tm) =	ssettm $0x1  }
0x91: {  	s17 =	sld [smem:$0x3FFB];
	_ =	sdelay $0x3  }
0x92: {  	_ =	strace s17  }
0x93: {  	s2 =	sld [smem:$0x3FFC];
	_ =	sdelay $0x3  }
0x94: {  	_ =	strace s2  }
0x95: {  	s2 =	sld [smem:$0x3FFD];
	_ =	sdelay $0x3  }
0x96: {  	_ =	strace s2  }
0x97: {  	_ =	strace $0x8FFFFFFF  }
0x98: {  	s18 =	sld [smem:$0x3FDB];
	_ =	sdelay $0x1  }
0x99: {  	s19 =	simm.s32 $_scs_section_size  }
0x9a: {  	s4 =	simm.s32 $_size__tile_overlayer_lowered;
	s5 =	simm.s32 $_tile_overlayer_lowered  }
0x9b: {  	s22 =	simm.s32 $0x1BFF;
	s21 =	sshll.u32 s5, $0x1;
	s2 =	sadd.s32 s19, s18  }
0x9c: {  	s6 =	simm.s32 $0x0;
	s20 =	sshll.u32 s4, $0x1;
	s4 =	sadd.s32 s21, s2  }
0x9d: {  	[timem:s6], [sflag:s22] =	dma.local [hbm:s4], s20  }
0x9e: {  	_ =	swait.ge [sflag:s22], s20  }
0x9f: {  	s3 =	ssub.s32 $0x0, s20;
	[sflag:s22] =	ssyncset.done $0x0  }
0xa0: {  	[sflag:s22] =	ssyncadd.s32 s3;
	_ =	sdelay $0x1  }
0xa1: {  	s23 =	simm.s32 $0x1B8B  }
0xa2: {  	_ =	swait.ge [sflag:s23], $0x1  }
0xa3: {  	[sflag:s23] =	ssyncset.done $0x0  }
0xa4: {  	s25 =	simm.s32 $0x1B8E;
	s24 =	sld [smem:$0x3FFE];
	[sflag:s23] =	ssyncadd.s32 $0xFFFFFFFF  }
0xa5: {  	s26 =	simm.s32 $execute0_lowered;
	[smem:$0x3FD2] =	sst s25  }
0xa6: {  	s4 =	sshll.u32 s26, $0x1;
	_ =	strace $0x8000004C;
	[dreg:$0x1] =	wrdreg $0xFFFFFFFF  }
0xa7: {  	s28 =	simm.s32 $_size_execute0_lowered;
	s2 =	sadd.s32 s2, s4;
	[dreg:$0x0] =	wrdreg $0x0  }
0xa8: {  	s4 =	sshll.u32 s28, $0x1;
	[dreg:$0x2] =	wrdreg s2  }
0xa9: {  	[dreg:$0x3] =	wrdreg s4  }
0xaa: {  	[dreg:$0x4] =	wrdreg $0xC0  }
0xab: {  	_ =	task [dreg:s6], $0x5FFFF  }
0xac: {  	[dreg:$0x1] =	wrdreg $0xFFFFFFFF  }
0xad: {  	[dreg:$0x0] =	wrdreg $0x60  }
0xae: {  	[dreg:$0x2] =	wrdreg s24  }
0xaf: {  	[dreg:$0x3] =	wrdreg $0x9  }
0xb0: {  	_ =	task.clear_ibuf [dreg:s6], $0x4FFFF;
	_ =	strace $0x9000004C  }
0xb1: {  	s29 =	simm.s32 $0x9;
	_ =	strace $0x8000004E  }
0xb2: {  	_ =	swait.ge [sflag:s29], $0x1  }
0xb3: {  	[sflag:s29] =	ssyncadd.s32 $0xFFFFFFFF  }
0xb4: {  	_ =	strace $0x9000004E  }
0xb5: {  	_ =	sfence  }
0xb6: {  	s30 =	sld [smem:$0x0];
	_ =	sdelay $0x2  }
0xb7: {  	s31 =	sshll.u32 s1, $0xD;
	s1 =	sshrl.u32 s1, $0x2  }
0xb8: {  	s3 =	sand.u32 $0x4000, s31;
	s1 =	sadd.s32 s1, s30  }
0xb9: {  	s0 =	sor.u32 s3, s0;
	s1 =	sshll.u32 s1, $0x11  }
0xba: {  	s0 =	sor.u32 s1, s0  }
0xbb: {  	s0 =	sadd.s32 $0x8F2B, s0  }
0xbc: {  	[sflag:s0] =	ssyncadd.remote.s32 $0x1  }
0xbd: {  	_ =	sfence.sel $0xFFFF  }
0xbe: {  	[dreg:$0x0] =	wrdreg $0xFFFFFFFF;
	(pc) =	sbr.abs _section_cstart, $3  }
0xbf: {  	[dreg:$0x1] =	wrdreg $0xFFFFFFFF  }
0xc0: {  	_ =	task.clear_ibuf [dreg:s6], $0x2FFFF;
	_ =	strace $0x9FFFFFFF  }
0xc1: {  	(tm) =	ssettm $0x7FFFFFFF  }
tec
execute0_lowered:
.L_overlay_start_1:
0x0: {  	(tag) =	ssettag $0x1  }
0x1: {  	s0 =	rddreg [dreg:$0x0]  }
0x2: {  	s2 =	simm.s32 $0x0;
	s1 =	srdreg.scid;
	s3 =	stileid.u32  }
0x3: {  	s14 =	simm.s32 $0x80;
	s15 =	simm.s32 $0x400;
	s16 =	simm.s32 $0x9E00  }
0x4: {  	s17 =	simm.s32 $0x2780;
	s18 =	simm.s32 $0xC580;
	s19 =	simm.s32 $0x4F00  }
0x5: {  	s20 =	simm.s32 $0xED00;
	s21 =	simm.s32 $0x7680;
	s22 =	simm.s32 $0x11480  }
0x6: {  	s24 =	simm.s32 $0x18A80;
	s25 =	simm.s32 $0x3;
	s26 =	simm.s32 $0x1  }
0x7: {  	s28 =	simm.s32 $0x2;
	s29 =	simm.s32 $0x4;
	s30 =	simm.s32 $0x0  }
0x8: {  	[smem:$0x7FF] =	sst s2;
	s1 =	sand.u32 $0x1, s1;
	s4 =	smul.u32 $0x13C00, s3  }
0x9: {  	s7 =	sadd.s32 $0x21600, s0;
	s3 =	sadd.s32 $0x17800, s0;
	s12 =	sadd.s32 $0x48E00, s0  }
0xa: {  	s8 =	sadd.s32 $0x181C4, s0;
	s5 =	sshll.u32 s1, $0x9;
	s1 =	ssub.s32 $0x2, s1  }
0xb: {  	_ =	strace $0x8000004D;
	s4 =	sor.u32 s5, s4;
	s31 =	sshrl.u32 s1, $0x1  }
.Ltmp0:
0xc: {  	s9 =	sshrl.u32 s4, $0x3;
	s1 =	ssub.s32 s1, s31;
	(pc) =	sbr.rel .LBB2_1-.Ltmp0, $4  }
0xd: {  	s4 =	sadd.s32 s7, s9;
	s10 =	sor.u32 $0x10, s9;
	s11 =	sor.u32 $0x20, s9  }
0xe: {  	s13 =	sor.u32 $0x30, s9;
	s9 =	sadd.s32 s12, s9;
	s5 =	sadd.s32 s7, s10  }
0xf: {  	s6 =	sadd.s32 s7, s11;
	s7 =	sadd.s32 s7, s13;
	s10 =	sadd.s32 s12, s10  }
0x10: {  	s11 =	sadd.s32 s12, s11;
	s12 =	sadd.s32 s12, s13;
	s13 =	smax.u32 s1, $0x1  }
.LBB2_12:
0x11: {  	[hbm4b:s9+s14] =	stream.strided.scatter [tilespmem:s16], [sflag:$0x4], $0x2780, s15, s14, $0x38;
	[tilespmem:$0x1D900] =	vst v63  }
0x12: {  	_ =	swait.ge [sflag:s29], $0x2780  }
0x13: {  	[sflag:s29] =	ssyncset.done $0x0  }
0x14: {  	[sflag:s29] =	ssyncadd.s32 $0xFFFFD880  }
0x15: {  	[hbm4b:s10+s14] =	stream.strided.scatter [tilespmem:s18], [sflag:$0x4], $0x2780, s15, s14, $0x38;
	[tilespmem:$0x1D900] =	vst v63  }
0x16: {  	_ =	swait.ge [sflag:s29], $0x2780  }
0x17: {  	[sflag:s29] =	ssyncset.done $0x0  }
0x18: {  	[sflag:s29] =	ssyncadd.s32 $0xFFFFD880  }
0x19: {  	[hbm4b:s11+s14] =	stream.strided.scatter [tilespmem:s20], [sflag:$0x4], $0x2780, s15, s14, $0x38;
	[tilespmem:$0x1D900] =	vst v63  }
0x1a: {  	s30 =	sadd.s32 $0x1, s30;
	_ =	swait.ge [sflag:s29], $0x2780  }
0x1b: {  	p0 =	sne.s32 s30, s13;
	[sflag:s29] =	ssyncset.done $0x0  }
.Ltmp1:
0x1c: {  	[sflag:s29] =	ssyncadd.s32 $0xFFFFD880;
	(pc) =	sbr.rel @!p0 .LBB2_13-.Ltmp1, $4  }
0x1d: {  	[hbm4b:s12+s14] =	stream.strided.scatter [tilespmem:s22], [sflag:$0x4], $0x2780, s15, s14, $0x38;
	[tilespmem:$0x1D900] =	vst v63  }
0x1e: {  	_ =	swait.ge [sflag:s29], $0x2780  }
0x1f: {  	[sflag:s29] =	ssyncset.done $0x0  }
0x20: {  	[sflag:s29] =	ssyncadd.s32 $0xFFFFD880  }
.LBB2_1:
0x21: {  	[tilespmem:s2], [sflag:$0x3] =	stream.strided.gather [hbm4b:s4+s14], $0x2780, s15, s14, $0x38;
	[tilespmem:$0x1D900] =	vst v63  }
0x22: {  	_ = 	snop  }
0x23: {  	[tilespmem:s16], [sflag:$0x3] =	stream.strided.gather [hbm4b:s4+s14], $0x2780, s15, s14, $0x38;
	[tilespmem:$0x1D900] =	vst v63  }
0x24: {  	_ = 	snop  }
0x25: {  	[tilespmem:s17], [sflag:$0x3] =	stream.strided.gather [hbm4b:s5+s14], $0x2780, s15, s14, $0x38;
	[tilespmem:$0x1D900] =	vst v63  }
0x26: {  	_ = 	snop  }
0x27: {  	[tilespmem:s18], [sflag:$0x3] =	stream.strided.gather [hbm4b:s5+s14], $0x2780, s15, s14, $0x38;
	[tilespmem:$0x1D900] =	vst v63  }
0x28: {  	_ = 	snop  }
0x29: {  	[tilespmem:s19], [sflag:$0x3] =	stream.strided.gather [hbm4b:s6+s14], $0x2780, s15, s14, $0x38;
	[tilespmem:$0x1D900] =	vst v63  }
0x2a: {  	_ = 	snop  }
0x2b: {  	[tilespmem:s20], [sflag:$0x3] =	stream.strided.gather [hbm4b:s6+s14], $0x2780, s15, s14, $0x38;
	[tilespmem:$0x1D900] =	vst v63  }
0x2c: {  	_ = 	snop  }
0x2d: {  	[tilespmem:s21], [sflag:$0x3] =	stream.strided.gather [hbm4b:s7+s14], $0x2780, s15, s14, $0x38;
	[tilespmem:$0x1D900] =	vst v63  }
0x2e: {  	_ = 	snop  }
0x2f: {  	[tilespmem:s22], [sflag:$0x3] =	stream.strided.gather [hbm4b:s7+s14], $0x2780, s15, s14, $0x38;
	[tilespmem:$0x1D900] =	vst v63  }
0x30: {  	s0 =	simm.s32 $0x13C00  }
0x31: {  	[tilespmem:s0], [sflag:$0x1] =	stream.linear.gather [hbm4b:s3+s2], $0x4E20, $0x38;
	[tilespmem:$0x1D900] =	vst v63  }
0x32: {  	_ = 	snop  }
0x33: {  	[tilespmem:s24], [sflag:$0x2] =	stream.linear.gather [hbm4b:s8+s2], $0x4E20, $0x38;
	[tilespmem:$0x1D900] =	vst v63  }
0x34: {  	_ =	swait.ge [sflag:s25], $0x2780  }
0x35: {  	[sflag:s25] =	ssyncset.done $0x0  }
0x36: {  	[sflag:s25] =	ssyncadd.s32 $0xFFFFD880  }
0x37: {  	_ =	swait.ge [sflag:s25], $0x2780  }
0x38: {  	[sflag:s25] =	ssyncset.done $0x0  }
0x39: {  	[sflag:s25] =	ssyncadd.s32 $0xFFFFD880  }
0x3a: {  	_ =	swait.ge [sflag:s25], $0x2780  }
0x3b: {  	[sflag:s25] =	ssyncset.done $0x0  }
0x3c: {  	[sflag:s25] =	ssyncadd.s32 $0xFFFFD880  }
0x3d: {  	_ =	swait.ge [sflag:s25], $0x2780  }
0x3e: {  	[sflag:s25] =	ssyncset.done $0x0  }
0x3f: {  	[sflag:s25] =	ssyncadd.s32 $0xFFFFD880  }
0x40: {  	_ =	swait.ge [sflag:s25], $0x2780  }
0x41: {  	[sflag:s25] =	ssyncset.done $0x0  }
0x42: {  	[sflag:s25] =	ssyncadd.s32 $0xFFFFD880  }
0x43: {  	_ =	swait.ge [sflag:s25], $0x2780  }
0x44: {  	[sflag:s25] =	ssyncset.done $0x0  }
0x45: {  	[sflag:s25] =	ssyncadd.s32 $0xFFFFD880  }
0x46: {  	_ =	swait.ge [sflag:s25], $0x2780  }
0x47: {  	[sflag:s25] =	ssyncset.done $0x0  }
0x48: {  	[sflag:s25] =	ssyncadd.s32 $0xFFFFD880  }
0x49: {  	_ =	swait.ge [sflag:s25], $0x2780  }
0x4a: {  	[sflag:s25] =	ssyncset.done $0x0  }
0x4b: {  	s31 =	simm.s32 $0x0;
	[sflag:s25] =	ssyncadd.s32 $0xFFFFD880  }
.LBB2_2:
0x4c: {  	_ =	swait.ge [sflag:s26], $0x4E20  }
0x4d: {  	[sflag:s26] =	ssyncset.done $0x0  }
0x4e: {  	s0 =	simm.s32 $0x13C20;
	[sflag:s26] =	ssyncadd.s32 $0xFFFFB1E0  }
0x4f: {  	v0 =	vld [tilespmem:s0+$0x10];
	_ =	sdelay $0x3  }
0x50: {  	v1 =	vld [tilespmem:s0+$0xFFFFFFE0]  }
0x51: {  	v2 =	vand.u32 $0xFFFF, v0;
	_ =	sdelay $0x2  }
0x52: {  	v8 =	vld [tilespmem:s0+$0x0]  }
0x53: {  	v3 =	vld [tilespmem:s0+$0xFFFFFFF0];
	s0 =	simm.s32 $0x0;
	v4 =	vand.u32 $0xFFFF, v1  }
0x54: {  	v5 =	vld.idx.msk [tilespmem:v2+s0+$0x0], $0xffff  }
0x55: {  	v6 =	vld.idx.msk [tilespmem:v2+s17+$0x0], $0xffff  }
0x56: {  	v7 =	vld.idx.msk [tilespmem:v2+s19+$0x0], $0xffff  }
0x57: {  	v12 =	vand.u32 $0xFFFF, v8;
	v2 =	vld.idx.msk [tilespmem:v2+s21+$0x0], $0xffff  }
0x58: {  	v0 =	vshrl.u32 v0, $0x10;
	v9 =	vld.idx.msk [tilespmem:v4+s0+$0x0], $0xffff  }
0x59: {  	v1 =	vshrl.u32 v1, $0x10;
	v10 =	vld.idx.msk [tilespmem:v4+s17+$0x0], $0xffff  }
0x5a: {  	v11 =	vld.idx.msk [tilespmem:v4+s19+$0x0], $0xffff  }
0x5b: {  	v13 =	vld.idx.msk [tilespmem:v4+s21+$0x0], $0xffff  }
0x5c: {  	v4 =	vld.idx.msk [tilespmem:v12+s17+$0x0], $0xffff  }
0x5d: {  	[tilespmem:v0+s16+$0x0] =	vst.idx.add.f32.msk $0xffff, v5  }
0x5e: {  	[tilespmem:v1+s16+$0x0] =	vst.idx.add.f32.msk $0xffff, v9  }
0x5f: {  	[tilespmem:v0+s18+$0x0] =	vst.idx.add.f32.msk $0xffff, v6  }
0x60: {  	[tilespmem:v1+s18+$0x0] =	vst.idx.add.f32.msk $0xffff, v10  }
0x61: {  	[tilespmem:v0+s20+$0x0] =	vst.idx.add.f32.msk $0xffff, v7  }
0x62: {  	v5 =	vand.u32 $0xFFFF, v3;
	[tilespmem:v1+s20+$0x0] =	vst.idx.add.f32.msk $0xffff, v11  }
0x63: {  	[tilespmem:v0+s22+$0x0] =	vst.idx.add.f32.msk $0xffff, v2  }
0x64: {  	v2 =	vld.idx.msk [tilespmem:v12+s19+$0x0], $0xffff  }
0x65: {  	v0 =	vshrl.u32 v3, $0x10;
	v3 =	vld.idx.msk [tilespmem:v12+s21+$0x0], $0xffff  }
0x66: {  	[tilespmem:v1+s22+$0x0] =	vst.idx.add.f32.msk $0xffff, v13  }
0x67: {  	v14 =	vld.idx.msk [tilespmem:v5+s0+$0x0], $0xffff  }
0x68: {  	v15 =	vld.idx.msk [tilespmem:v5+s17+$0x0], $0xffff  }
0x69: {  	v6 =	vld.idx.msk [tilespmem:v5+s19+$0x0], $0xffff  }
0x6a: {  	v7 =	vld.idx.msk [tilespmem:v5+s21+$0x0], $0xffff  }
0x6b: {  	v5 =	vld.idx.msk [tilespmem:v12+s0+$0x0], $0xffff  }
0x6c: {  	[tilespmem:v0+s16+$0x0] =	vst.idx.add.f32.msk $0xffff, v14  }
0x6d: {  	s1 =	simm.s32 $0x0;
	s23 =	simm.s32 $0x13C60;
	v1 =	vshrl.u32 v8, $0x10;
	[tilespmem:v0+s18+$0x0] =	vst.idx.add.f32.msk $0xffff, v15  }
.LBB2_3:
0x6e: {  	v8 =	vld [tilespmem:s23+$0x10]  }
0x6f: {  	v9 =	vld [tilespmem:s23+$0xFFFFFFF0]  }
0x70: {  	v10 =	vld [tilespmem:s23+$0x0]  }
0x71: {  	s1 =	sadd.s32 $0x4, s1;
	v11 =	vld [tilespmem:s23+$0xFFFFFFE0]  }
0x72: {  	p0 =	slt.u32 s1, $0x4DC;
	[tilespmem:v0+s20+$0x0] =	vst.idx.add.f32.msk $0xffff, v6  }
0x73: {  	v6 =	vand.u32 $0xFFFF, v8;
	[tilespmem:v0+s22+$0x0] =	vst.idx.add.f32.msk $0xffff, v7  }
0x74: {  	v0 =	vshrl.u32 v9, $0x10;
	v7 =	vand.u32 $0xFFFF, v9;
	[tilespmem:v1+s16+$0x0] =	vst.idx.add.f32.msk $0xffff, v5  }
0x75: {  	v5 =	vshrl.u32 v10, $0x10;
	v9 =	vand.u32 $0xFFFF, v10;
	[tilespmem:v1+s18+$0x0] =	vst.idx.add.f32.msk $0xffff, v4  }
0x76: {  	v10 =	vshrl.u32 v11, $0x10;
	v4 =	vand.u32 $0xFFFF, v11;
	[tilespmem:v1+s20+$0x0] =	vst.idx.add.f32.msk $0xffff, v2  }
0x77: {  	[tilespmem:v1+s22+$0x0] =	vst.idx.add.f32.msk $0xffff, v3;
	v1 =	vmov v5  }
0x78: {  	v2 =	vld.idx.msk [tilespmem:v6+s0+$0x0], $0xffff  }
0x79: {  	v3 =	vshrl.u32 v8, $0x10;
	v5 =	vld.idx.msk [tilespmem:v6+s17+$0x0], $0xffff  }
0x7a: {  	v8 =	vld.idx.msk [tilespmem:v6+s19+$0x0], $0xffff  }
0x7b: {  	v6 =	vld.idx.msk [tilespmem:v6+s21+$0x0], $0xffff  }
0x7c: {  	v11 =	vld.idx.msk [tilespmem:v4+s0+$0x0], $0xffff  }
0x7d: {  	v12 =	vld.idx.msk [tilespmem:v4+s17+$0x0], $0xffff  }
0x7e: {  	[tilespmem:v3+s16+$0x0] =	vst.idx.add.f32.msk $0xffff, v2  }
0x7f: {  	[tilespmem:v3+s18+$0x0] =	vst.idx.add.f32.msk $0xffff, v5  }
0x80: {  	[tilespmem:v3+s20+$0x0] =	vst.idx.add.f32.msk $0xffff, v8  }
0x81: {  	[tilespmem:v3+s22+$0x0] =	vst.idx.add.f32.msk $0xffff, v6  }
0x82: {  	v8 =	vld.idx.msk [tilespmem:v4+s19+$0x0], $0xffff  }
0x83: {  	v13 =	vld.idx.msk [tilespmem:v4+s21+$0x0], $0xffff  }
0x84: {  	v14 =	vld.idx.msk [tilespmem:v7+s0+$0x0], $0xffff  }
0x85: {  	v15 =	vld.idx.msk [tilespmem:v7+s17+$0x0], $0xffff  }
0x86: {  	v6 =	vld.idx.msk [tilespmem:v7+s19+$0x0], $0xffff  }
0x87: {  	v7 =	vld.idx.msk [tilespmem:v7+s21+$0x0], $0xffff  }
0x88: {  	v5 =	vld.idx.msk [tilespmem:v9+s0+$0x0], $0xffff  }
0x89: {  	v4 =	vld.idx.msk [tilespmem:v9+s17+$0x0], $0xffff  }
0x8a: {  	v2 =	vld.idx.msk [tilespmem:v9+s19+$0x0], $0xffff  }
0x8b: {  	v3 =	vld.idx.msk [tilespmem:v9+s21+$0x0], $0xffff  }
0x8c: {  	[tilespmem:v10+s16+$0x0] =	vst.idx.add.f32.msk $0xffff, v11  }
.Ltmp2:
0x8d: {  	[tilespmem:v10+s18+$0x0] =	vst.idx.add.f32.msk $0xffff, v12;
	(pc) =	sbr.rel @p0 .LBB2_3-.Ltmp2, $4  }
0x8e: {  	[tilespmem:v10+s20+$0x0] =	vst.idx.add.f32.msk $0xffff, v8  }
0x8f: {  	[tilespmem:v10+s22+$0x0] =	vst.idx.add.f32.msk $0xffff, v13  }
0x90: {  	[tilespmem:v0+s16+$0x0] =	vst.idx.add.f32.msk $0xffff, v14  }
0x91: {  	s23 =	sadd.s32 $0x40, s23;
	[tilespmem:v0+s18+$0x0] =	vst.idx.add.f32.msk $0xffff, v15  }
0x92: {  	_ =	sdelay $0x3  }
0x93: {  	[tilespmem:v0+s20+$0x0] =	vst.idx.add.f32.msk $0xffff, v6  }
0x94: {  	[tilespmem:v1+s16+$0x0] =	vst.idx.add.f32.msk $0xffff, v5  }
0x95: {  	[tilespmem:v0+s22+$0x0] =	vst.idx.add.f32.msk $0xffff, v7  }
0x96: {  	[tilespmem:v1+s18+$0x0] =	vst.idx.add.f32.msk $0xffff, v4  }
0x97: {  	[tilespmem:v1+s20+$0x0] =	vst.idx.add.f32.msk $0xffff, v2  }
0x98: {  	[tilespmem:v1+s22+$0x0] =	vst.idx.add.f32.msk $0xffff, v3  }
.LBB2_5:
0x99: {  	s1 =	sshra.s32 s0, $0x2  }
0x9a: {  	v0 =	vld [tilespmem:s1+$0x18A00];
	_ =	sdelay $0x4  }
0x9b: {  	v1 =	vand.u32 $0xFFFF, v0;
	_ =	sdelay $0x4  }
0x9c: {  	v0 =	vshrl.u32 v0, $0x10;
	v2 =	vld.idx.msk [tilespmem:v1+s2+$0x0], $0xffff  }
0x9d: {  	v3 =	vld.idx.msk [tilespmem:v1+s17+$0x0], $0xffff  }
0x9e: {  	v4 =	vld.idx.msk [tilespmem:v1+s19+$0x0], $0xffff  }
0x9f: {  	p0 =	sne.s32 s0, $0x40;
	v1 =	vld.idx.msk [tilespmem:v1+s21+$0x0], $0xffff  }
.Ltmp3:
0xa0: {  	_ = 	snop;
	(pc) =	sbr.rel @p0 .LBB2_5-.Ltmp3, $4  }
0xa1: {  	[tilespmem:v0+s16+$0x0] =	vst.idx.add.f32.msk $0xffff, v2  }
0xa2: {  	[tilespmem:v0+s18+$0x0] =	vst.idx.add.f32.msk $0xffff, v3  }
0xa3: {  	[tilespmem:v0+s20+$0x0] =	vst.idx.add.f32.msk $0xffff, v4  }
0xa4: {  	s0 =	sadd.s32 $0x40, s0;
	[tilespmem:v0+s22+$0x0] =	vst.idx.add.f32.msk $0xffff, v1  }
0xa5: {  	p0 =	seq.s32 s31, $0x7  }
0xa6: {  	s0 =	smul.u32 @!p0 $0x9C40, s31;
	_ =	sdelay $0x1  }
0xa7: {  	s0 =	sshrl.u32 @!p0 s0, $0x3  }
0xa8: {  	s0 =	sadd.s32 @!p0 s3, s0  }
0xa9: {  	s1 =	simm.s32 @!p0 $0x0;
	s23 =	simm.s32 @!p0 $0x13C00;
	s0 =	sadd.s32 @!p0 $0x1388, s0  }
0xaa: {  	[tilespmem:s23], [sflag:$0x1] =	stream.linear.gather @!p0 [hbm4b:s0+s1], $0x4E20, $0x38;
	[tilespmem:$0x1D900] =	vst v63  }
0xab: {  	_ =	swait.ge [sflag:s28], $0x4E20  }
0xac: {  	[sflag:s28] =	ssyncset.done $0x0  }
0xad: {  	s23 =	simm.s32 $0x18AA0;
	[sflag:s28] =	ssyncadd.s32 $0xFFFFB1E0  }
0xae: {  	v0 =	vld [tilespmem:s23+$0x10];
	_ =	sdelay $0x3  }
0xaf: {  	v1 =	vld [tilespmem:s23+$0xFFFFFFE0]  }
0xb0: {  	v2 =	vand.u32 $0xFFFF, v0;
	_ =	sdelay $0x2  }
0xb1: {  	v8 =	vld [tilespmem:s23+$0x0]  }
0xb2: {  	s0 =	simm.s32 $0x0;
	v3 =	vld [tilespmem:s23+$0xFFFFFFF0];
	v4 =	vand.u32 $0xFFFF, v1  }
0xb3: {  	v5 =	vld.idx.msk [tilespmem:v2+s0+$0x0], $0xffff  }
0xb4: {  	v6 =	vld.idx.msk [tilespmem:v2+s17+$0x0], $0xffff  }
0xb5: {  	v7 =	vld.idx.msk [tilespmem:v2+s19+$0x0], $0xffff  }
0xb6: {  	v12 =	vand.u32 $0xFFFF, v8;
	v2 =	vld.idx.msk [tilespmem:v2+s21+$0x0], $0xffff  }
0xb7: {  	v0 =	vshrl.u32 v0, $0x10;
	v9 =	vld.idx.msk [tilespmem:v4+s0+$0x0], $0xffff  }
0xb8: {  	v1 =	vshrl.u32 v1, $0x10;
	v10 =	vld.idx.msk [tilespmem:v4+s17+$0x0], $0xffff  }
0xb9: {  	v11 =	vld.idx.msk [tilespmem:v4+s19+$0x0], $0xffff  }
0xba: {  	v13 =	vld.idx.msk [tilespmem:v4+s21+$0x0], $0xffff  }
0xbb: {  	v4 =	vld.idx.msk [tilespmem:v12+s17+$0x0], $0xffff  }
0xbc: {  	[tilespmem:v0+s16+$0x0] =	vst.idx.add.f32.msk $0xffff, v5  }
0xbd: {  	[tilespmem:v1+s16+$0x0] =	vst.idx.add.f32.msk $0xffff, v9  }
0xbe: {  	[tilespmem:v0+s18+$0x0] =	vst.idx.add.f32.msk $0xffff, v6  }
0xbf: {  	[tilespmem:v1+s18+$0x0] =	vst.idx.add.f32.msk $0xffff, v10  }
0xc0: {  	[tilespmem:v0+s20+$0x0] =	vst.idx.add.f32.msk $0xffff, v7  }
0xc1: {  	v5 =	vand.u32 $0xFFFF, v3;
	[tilespmem:v1+s20+$0x0] =	vst.idx.add.f32.msk $0xffff, v11  }
0xc2: {  	[tilespmem:v0+s22+$0x0] =	vst.idx.add.f32.msk $0xffff, v2  }
0xc3: {  	v2 =	vld.idx.msk [tilespmem:v12+s19+$0x0], $0xffff  }
0xc4: {  	v0 =	vshrl.u32 v3, $0x10;
	v3 =	vld.idx.msk [tilespmem:v12+s21+$0x0], $0xffff  }
0xc5: {  	[tilespmem:v1+s22+$0x0] =	vst.idx.add.f32.msk $0xffff, v13  }
0xc6: {  	v14 =	vld.idx.msk [tilespmem:v5+s0+$0x0], $0xffff  }
0xc7: {  	v15 =	vld.idx.msk [tilespmem:v5+s17+$0x0], $0xffff  }
0xc8: {  	v6 =	vld.idx.msk [tilespmem:v5+s19+$0x0], $0xffff  }
0xc9: {  	v7 =	vld.idx.msk [tilespmem:v5+s21+$0x0], $0xffff  }
0xca: {  	v5 =	vld.idx.msk [tilespmem:v12+s0+$0x0], $0xffff  }
0xcb: {  	[tilespmem:v0+s16+$0x0] =	vst.idx.add.f32.msk $0xffff, v14  }
0xcc: {  	s1 =	simm.s32 $0x0;
	s23 =	simm.s32 $0x18AE0;
	v1 =	vshrl.u32 v8, $0x10;
	[tilespmem:v0+s18+$0x0] =	vst.idx.add.f32.msk $0xffff, v15  }
.LBB2_7:
0xcd: {  	v8 =	vld [tilespmem:s23+$0x10]  }
0xce: {  	v9 =	vld [tilespmem:s23+$0xFFFFFFF0]  }
0xcf: {  	v10 =	vld [tilespmem:s23+$0x0]  }
0xd0: {  	s1 =	sadd.s32 $0x4, s1;
	v11 =	vld [tilespmem:s23+$0xFFFFFFE0]  }
0xd1: {  	p1 =	slt.u32 s1, $0x4DC;
	[tilespmem:v0+s20+$0x0] =	vst.idx.add.f32.msk $0xffff, v6  }
0xd2: {  	v6 =	vand.u32 $0xFFFF, v8;
	[tilespmem:v0+s22+$0x0] =	vst.idx.add.f32.msk $0xffff, v7  }
0xd3: {  	v0 =	vshrl.u32 v9, $0x10;
	v7 =	vand.u32 $0xFFFF, v9;
	[tilespmem:v1+s16+$0x0] =	vst.idx.add.f32.msk $0xffff, v5  }
0xd4: {  	v5 =	vshrl.u32 v10, $0x10;
	v9 =	vand.u32 $0xFFFF, v10;
	[tilespmem:v1+s18+$0x0] =	vst.idx.add.f32.msk $0xffff, v4  }
0xd5: {  	v10 =	vshrl.u32 v11, $0x10;
	v4 =	vand.u32 $0xFFFF, v11;
	[tilespmem:v1+s20+$0x0] =	vst.idx.add.f32.msk $0xffff, v2  }
0xd6: {  	[tilespmem:v1+s22+$0x0] =	vst.idx.add.f32.msk $0xffff, v3;
	v1 =	vmov v5  }
0xd7: {  	v2 =	vld.idx.msk [tilespmem:v6+s0+$0x0], $0xffff  }
0xd8: {  	v3 =	vshrl.u32 v8, $0x10;
	v5 =	vld.idx.msk [tilespmem:v6+s17+$0x0], $0xffff  }
0xd9: {  	v8 =	vld.idx.msk [tilespmem:v6+s19+$0x0], $0xffff  }
0xda: {  	v6 =	vld.idx.msk [tilespmem:v6+s21+$0x0], $0xffff  }
0xdb: {  	v11 =	vld.idx.msk [tilespmem:v4+s0+$0x0], $0xffff  }
0xdc: {  	v12 =	vld.idx.msk [tilespmem:v4+s17+$0x0], $0xffff  }
0xdd: {  	[tilespmem:v3+s16+$0x0] =	vst.idx.add.f32.msk $0xffff, v2  }
0xde: {  	[tilespmem:v3+s18+$0x0] =	vst.idx.add.f32.msk $0xffff, v5  }
0xdf: {  	[tilespmem:v3+s20+$0x0] =	vst.idx.add.f32.msk $0xffff, v8  }
0xe0: {  	[tilespmem:v3+s22+$0x0] =	vst.idx.add.f32.msk $0xffff, v6  }
0xe1: {  	v8 =	vld.idx.msk [tilespmem:v4+s19+$0x0], $0xffff  }
0xe2: {  	v13 =	vld.idx.msk [tilespmem:v4+s21+$0x0], $0xffff  }
0xe3: {  	v14 =	vld.idx.msk [tilespmem:v7+s0+$0x0], $0xffff  }
0xe4: {  	v15 =	vld.idx.msk [tilespmem:v7+s17+$0x0], $0xffff  }
0xe5: {  	v6 =	vld.idx.msk [tilespmem:v7+s19+$0x0], $0xffff  }
0xe6: {  	v7 =	vld.idx.msk [tilespmem:v7+s21+$0x0], $0xffff  }
0xe7: {  	v5 =	vld.idx.msk [tilespmem:v9+s0+$0x0], $0xffff  }
0xe8: {  	v4 =	vld.idx.msk [tilespmem:v9+s17+$0x0], $0xffff  }
0xe9: {  	v2 =	vld.idx.msk [tilespmem:v9+s19+$0x0], $0xffff  }
0xea: {  	v3 =	vld.idx.msk [tilespmem:v9+s21+$0x0], $0xffff  }
0xeb: {  	[tilespmem:v10+s16+$0x0] =	vst.idx.add.f32.msk $0xffff, v11  }
.Ltmp4:
0xec: {  	[tilespmem:v10+s18+$0x0] =	vst.idx.add.f32.msk $0xffff, v12;
	(pc) =	sbr.rel @p1 .LBB2_7-.Ltmp4, $4  }
0xed: {  	[tilespmem:v10+s20+$0x0] =	vst.idx.add.f32.msk $0xffff, v8  }
0xee: {  	[tilespmem:v10+s22+$0x0] =	vst.idx.add.f32.msk $0xffff, v13  }
0xef: {  	[tilespmem:v0+s16+$0x0] =	vst.idx.add.f32.msk $0xffff, v14  }
0xf0: {  	s23 =	sadd.s32 $0x40, s23;
	[tilespmem:v0+s18+$0x0] =	vst.idx.add.f32.msk $0xffff, v15  }
0xf1: {  	_ =	sdelay $0x3  }
0xf2: {  	[tilespmem:v0+s20+$0x0] =	vst.idx.add.f32.msk $0xffff, v6  }
0xf3: {  	[tilespmem:v1+s16+$0x0] =	vst.idx.add.f32.msk $0xffff, v5  }
0xf4: {  	[tilespmem:v0+s22+$0x0] =	vst.idx.add.f32.msk $0xffff, v7  }
0xf5: {  	[tilespmem:v1+s18+$0x0] =	vst.idx.add.f32.msk $0xffff, v4  }
0xf6: {  	[tilespmem:v1+s20+$0x0] =	vst.idx.add.f32.msk $0xffff, v2  }
0xf7: {  	[tilespmem:v1+s22+$0x0] =	vst.idx.add.f32.msk $0xffff, v3  }
.LBB2_9:
0xf8: {  	s1 =	sshra.s32 s0, $0x2  }
0xf9: {  	v0 =	vld [tilespmem:s1+$0x1D880];
	_ =	sdelay $0x4  }
0xfa: {  	v1 =	vand.u32 $0xFFFF, v0;
	_ =	sdelay $0x4  }
0xfb: {  	v0 =	vshrl.u32 v0, $0x10;
	v2 =	vld.idx.msk [tilespmem:v1+s2+$0x0], $0xffff  }
0xfc: {  	v3 =	vld.idx.msk [tilespmem:v1+s17+$0x0], $0xffff  }
0xfd: {  	v4 =	vld.idx.msk [tilespmem:v1+s19+$0x0], $0xffff  }
0xfe: {  	p1 =	sne.s32 s0, $0x40;
	v1 =	vld.idx.msk [tilespmem:v1+s21+$0x0], $0xffff  }
.Ltmp5:
0xff: {  	_ = 	snop;
	(pc) =	sbr.rel @p1 .LBB2_9-.Ltmp5, $4  }
0x100: {  	[tilespmem:v0+s16+$0x0] =	vst.idx.add.f32.msk $0xffff, v2  }
0x101: {  	[tilespmem:v0+s18+$0x0] =	vst.idx.add.f32.msk $0xffff, v3  }
0x102: {  	[tilespmem:v0+s20+$0x0] =	vst.idx.add.f32.msk $0xffff, v4  }
0x103: {  	s0 =	sadd.s32 $0x40, s0;
	[tilespmem:v0+s22+$0x0] =	vst.idx.add.f32.msk $0xffff, v1  }
.Ltmp6:
0x104: {  	(pc) =	sbr.rel @p0 .LBB2_12-.Ltmp6, $1  }
0x105: {  	_ =	sdelay $0x3  }
0x106: {  	s0 =	smul.u32 $0x9C40, s31  }
.Ltmp7:
0x107: {  	_ = 	snop;
	(pc) =	sbr.rel .LBB2_2-.Ltmp7, $4  }
0x108: {  	s0 =	sshrl.u32 s0, $0x3  }
0x109: {  	s0 =	sadd.s32 s3, s0  }
0x10a: {  	s31 =	sadd.s32 $0x1, s31;
	s0 =	sadd.s32 $0x1D4C, s0  }
0x10b: {  	[tilespmem:s24], [sflag:$0x2] =	stream.linear.gather [hbm4b:s0+s2], $0x4E20, $0x38;
	[tilespmem:$0x1D900] =	vst v63  }
.LBB2_13:
0x10c: {  	_ =	sfence.sel $0x180000  }
0x10d: {  	[bflag:$0x0] =	sbarrier.arrive $0xFFFF  }
0x10e: {  	_ =	strace $0x9000004D  }
0x10f: {  	s0 =	stileid.u32;
	[bflag:$0x2] =	sbarrier.arrive $0xFFFF  }
0x110: {  	p0 =	sne.s32 s0, $0x0;
	s0 =	rddreg [dreg:$0x1]  }
0x111: {  	s0 =	sadd.s32 @!p0 $0x100000, s0  }
0x112: {  	[sflag:s0] =	ssyncadd.tile.s32 @!p0 $0x1;
	_ =	shalt  }
.Lfunc_end2:
_tile_overlayer_lowered:
.L_overlay_start_2:
0x113: {  	(tag) =	ssettag $0x2  }
0x114: {  	s0 =	rddreg [dreg:$0x0];
	s2 =	stileid.u32  }
0x115: {  	s1 =	rddreg [dreg:$0x1];
	p0 =	sne.s32 s2, $0x0  }
0x116: {  	s3 =	rddreg [dreg:$0x2];
	[bflag:$0x3] =	sbarrier.arrive $0xFFFF;
	s2 =	simm.s32 @!p0 $0x1C04  }
0x117: {  	[timem:s3], [sflag:s2] =	dma.local @!p0 [hbm:s0], s1  }
0x118: {  	s0 =	simm.s32 @!p0 $0x4  }
0x119: {  	_ =	swait.ge @!p0 [sflag:s0], s1  }
0x11a: {  	s1 =	ssub.s32 @!p0 $0x0, s1;
	[sflag:s0] =	ssyncset.done @!p0 $0x0  }
0x11b: {  	[sflag:s0] =	ssyncadd.s32 @!p0 s1  }
0x11c: {  	[bflag:$0x3] =	sbarrier.arrive $0xFFFF  }
0x11d: {  	_ =	shalt  }

// kernel: kernel.20.cloned.1.call-start
scs
__scs_entry_jumppad:
0x0: {  	(pc) =	sbr.rel $0x88, $3  }
0x1: {  	(tag) =	ssettag $0x0;
	lr =	simm.s32 $0x1  }
0x2: {  	[smem:$0x3F90] =	sst lr;
	_ =	strace $0xD0000000  }
0x3: {  	_ = 	snop  }
0x4: {  	_ = 	snop  }
0x5: {  	_ = 	snop  }
0x6: {  	_ = 	snop  }
0x7: {  	_ = 	snop  }
__scs_overlays_trampoline_lowered:
0x8: {  	[smem:$0x3F9F] =	sst s0  }
0x9: {  	[smem:$0x3FA0] =	sst s1  }
0xa: {  	[smem:$0x3FA1] =	sst s2  }
0xb: {  	[smem:$0x3FA2] =	sst s3  }
0xc: {  	[smem:$0x3FA3] =	sst s4  }
0xd: {  	[smem:$0x3FA4] =	sst s5  }
0xe: {  	[smem:$0x3FA5] =	sst s6  }
0xf: {  	[smem:$0x3FA6] =	sst s7  }
0x10: {  	[smem:$0x3FA7] =	sst s8  }
0x11: {  	[smem:$0x3FA8] =	sst s9;
	s0 =	simm.s32 @!p0 $0x0  }
0x12: {  	s1 =	sld [smem:$0x3F8E];
	s0 =	simm.s32 @p0 $0x1  }
0x13: {  	[smem:$0x3FA9] =	sst s0;
	s0 =	simm.s32 @!p1 $0x0  }
0x14: {  	s2 =	sld [smem:$0x3F8D];
	s0 =	simm.s32 @p1 $0x1  }
0x15: {  	[smem:$0x3FAA] =	sst s0;
	s0 =	simm.s32 @!p2 $0x0  }
0x16: {  	s3 =	sld [smem:$0x3FDB];
	s0 =	simm.s32 @p2 $0x1  }
0x17: {  	s4 =	simm.s32 $0x1BF5;
	[smem:$0x3FAC] =	sst s0  }
0x18: {  	s0 =	sld [smem:$0x3F8F];
	_ =	swait.ge [sflag:s4], $0x0  }
0x19: {  	s7 =	sld [smem:$0x3F90]  }
0x1a: {  	s8 =	sadd.s32 $0xFFFFE003, lr  }
0x1b: {  	s9 =	sadd.s32 $0xFFFFFEF7, lr;
	s5 =	simm.s32 $0xFFFFFFFF;
	p2 =	slt.u32 s8, $0xFFFFF086  }
0x1c: {  	p1 =	slt.u32 s9, $0xF7A;
	s5 =	simm.s32 @!p2 $0x0  }
0x1d: {  	s5 =	simm.s32 @p1 $0x1;
	p0 =	seq.s32 s7, s2  }
0x1e: {  	s7 =	smul.u32 @!p0 $0xF7A, s2;
	p2 =	seq.s32 @!p0 s5, $0x0  }
0x1f: {  	s9 =	smul.u32 $0xF7A, s1;
	s8 =	simm.s32 @!p0 $0x1BF5;
	p2 =	por !p2, p0  }
0x20: {  	[sflag:s8] =	ssyncset.s32 @!p0 $0xFFFFF086;
	s6 =	sadd.s32 @!p0 s3, s7;
	s7 =	simm.s32 @!p0 $0x108  }
0x21: {  	s3 =	sadd.s32 s3, s9;
	s6 =	sadd.s32 @!p0 $0x88, s6;
	s7 =	simm.s32 @p2 $0x1082  }
0x22: {  	[simem:s7], [sflag:s8] =	dma.local @!p0 [hbm:s6], $0xF7A  }
0x23: {  	s9 =	sor.u32 $0xD0000000, s2;
	s6 =	simm.s32 $0x108;
	_ =	swait.ge @!p0 [sflag:s8], $0x0  }
0x24: {  	s3 =	sadd.s32 $0x88, s3;
	s6 =	simm.s32 @!p1 $0x1082;
	[sflag:s4] =	ssyncset.s32 $0xFFFFF086  }
0x25: {  	[simem:s6], [sflag:s4] =	dma.local [hbm:s3], $0xF7A  }
0x26: {  	[smem:$0x3F90] =	sst s1;
	(tag) =	ssettag s2;
	_ =	strace s9  }
0x27: {  	s1 =	sld [smem:$0x3FA0]  }
0x28: {  	s2 =	sld [smem:$0x3FA1]  }
0x29: {  	s4 =	sld [smem:$0x3FA3]  }
0x2a: {  	p0 =	seq.s32 s5, $0x0;
	s5 =	sld [smem:$0x3FA4]  }
0x2b: {  	s6 =	sld [smem:$0x3FA5]  }
0x2c: {  	s7 =	sld [smem:$0x3FA6]  }
0x2d: {  	s3 =	simm.s32 $0x108;
	s8 =	sld [smem:$0x3FA7]  }
0x2e: {  	s3 =	simm.s32 @!p0 $0x1082;
	s9 =	sld [smem:$0x3FA8]  }
0x2f: {  	lr =	sadd.s32 s0, s3;
	s0 =	sld [smem:$0x3F9F]  }
0x30: {  	s3 =	sld [smem:$0x3FA2]  }
0x31: {  	[smem:$0x3FAB] =	sst s10  }
0x32: {  	s10 =	sld [smem:$0x3FA9];
	_ =	sdelay $0x3  }
0x33: {  	p0 =	seq.s32 s10, $0x1;
	s10 =	sld [smem:$0x3FAB];
	_ =	sdelay $0x3  }
0x34: {  	[smem:$0x3FAB] =	sst s10  }
0x35: {  	s10 =	sld [smem:$0x3FAA];
	_ =	sdelay $0x3  }
0x36: {  	p1 =	seq.s32 s10, $0x1;
	s10 =	sld [smem:$0x3FAB];
	_ =	sdelay $0x3  }
0x37: {  	[smem:$0x3FAB] =	sst s10  }
0x38: {  	s10 =	sld [smem:$0x3FAC]  }
0x39: {  	_ = 	snop;
	(pc) =	sbr.ind lr, $3  }
0x3a: {  	_ = 	snop  }
0x3b: {  	_ = 	snop  }
0x3c: {  	p2 =	seq.s32 s10, $0x1;
	s10 =	sld [smem:$0x3FAB]  }
0x3d: {  	_ =	shalt  }
0x3e: {  	_ =	shalt  }
0x3f: {  	_ =	shalt  }
0x40: {  	_ =	shalt  }
0x41: {  	_ =	shalt  }
0x42: {  	_ =	shalt  }
0x43: {  	_ =	shalt  }
0x44: {  	_ =	shalt  }
0x45: {  	_ =	shalt  }
0x46: {  	_ =	shalt  }
0x47: {  	_ =	shalt  }
0x48: {  	_ =	shalt  }
0x49: {  	_ =	shalt  }
0x4a: {  	_ =	shalt  }
0x4b: {  	_ =	shalt  }
0x4c: {  	_ =	shalt  }
0x4d: {  	_ =	shalt  }
0x4e: {  	_ =	shalt  }
0x4f: {  	_ =	shalt  }
0x50: {  	_ =	shalt  }
0x51: {  	_ =	shalt  }
0x52: {  	_ =	shalt  }
0x53: {  	_ =	shalt  }
0x54: {  	_ =	shalt  }
0x55: {  	_ =	shalt  }
0x56: {  	_ =	shalt  }
0x57: {  	_ =	shalt  }
0x58: {  	_ =	shalt  }
0x59: {  	_ =	shalt  }
0x5a: {  	_ =	shalt  }
0x5b: {  	_ =	shalt  }
0x5c: {  	_ =	shalt  }
0x5d: {  	_ =	shalt  }
0x5e: {  	_ =	shalt  }
0x5f: {  	_ =	shalt  }
0x60: {  	_ =	shalt  }
0x61: {  	_ =	shalt  }
0x62: {  	_ =	shalt  }
0x63: {  	_ =	shalt  }
0x64: {  	_ =	shalt  }
0x65: {  	_ =	shalt  }
0x66: {  	_ =	shalt  }
0x67: {  	_ =	shalt  }
0x68: {  	_ =	shalt  }
0x69: {  	_ =	shalt  }
0x6a: {  	_ =	shalt  }
0x6b: {  	_ =	shalt  }
0x6c: {  	_ =	shalt  }
0x6d: {  	_ =	shalt  }
0x6e: {  	_ =	shalt  }
0x6f: {  	_ =	shalt  }
0x70: {  	_ =	shalt  }
0x71: {  	_ =	shalt  }
0x72: {  	_ =	shalt  }
0x73: {  	_ =	shalt  }
0x74: {  	_ =	shalt  }
0x75: {  	_ =	shalt  }
0x76: {  	_ =	shalt  }
0x77: {  	_ =	shalt  }
0x78: {  	_ =	shalt  }
0x79: {  	_ =	shalt  }
0x7a: {  	_ =	shalt  }
0x7b: {  	_ =	shalt  }
0x7c: {  	_ =	shalt  }
0x7d: {  	_ =	shalt  }
0x7e: {  	_ =	shalt  }
0x7f: {  	_ =	shalt  }
0x80: {  	_ =	shalt  }
0x81: {  	_ =	shalt  }
0x82: {  	_ =	shalt  }
0x83: {  	_ =	shalt  }
0x84: {  	_ =	shalt  }
0x85: {  	_ =	shalt  }
0x86: {  	_ =	shalt  }
0x87: {  	_ =	shalt  }
.Lfunc_end0:
.L_simem_size_0:
called_computation.3_lowered:
.L_overlay_start_0:
0x88: {  	s2 =	sld [smem:$0x3FD9]  }
0x89: {  	s3 =	sld [smem:$0x3FFE];
	_ =	sdelay $0x1  }
0x8a: {  	s1 =	srdreg.scid  }
0x8b: {  	s0 =	sand.u32 $0x1, s1  }
0x8c: {  	s16 =	sshll.u32 s0, $0xA;
	s2 =	sadd.s32 s3, s2  }
0x8d: {  	s2 =	sadd.s32 s2, s16  }
0x8e: {  	[smem:$0x3FB7] =	sst s2  }
0x8f: {  	_ = 	snop  }
0x90: {  	(tm) =	ssettm $0x1  }
0x91: {  	s17 =	sld [smem:$0x3FFB];
	_ =	sdelay $0x3  }
0x92: {  	_ =	strace s17  }
0x93: {  	s2 =	sld [smem:$0x3FFC];
	_ =	sdelay $0x3  }
0x94: {  	_ =	strace s2  }
0x95: {  	s2 =	sld [smem:$0x3FFD];
	_ =	sdelay $0x3  }
0x96: {  	_ =	strace s2  }
0x97: {  	_ =	strace $0x8FFFFFFF  }
0x98: {  	s18 =	sld [smem:$0x3FDB];
	_ =	sdelay $0x1  }
0x99: {  	s19 =	simm.s32 $_scs_section_size  }
0x9a: {  	s4 =	simm.s32 $_size__tile_overlayer_lowered;
	s5 =	simm.s32 $_tile_overlayer_lowered  }
0x9b: {  	s22 =	simm.s32 $0x1BFF;
	s21 =	sshll.u32 s5, $0x1;
	s2 =	sadd.s32 s19, s18  }
0x9c: {  	s6 =	simm.s32 $0x0;
	s20 =	sshll.u32 s4, $0x1;
	s4 =	sadd.s32 s21, s2  }
0x9d: {  	[timem:s6], [sflag:s22] =	dma.local [hbm:s4], s20  }
0x9e: {  	_ =	swait.ge [sflag:s22], s20  }
0x9f: {  	s3 =	ssub.s32 $0x0, s20;
	[sflag:s22] =	ssyncset.done $0x0  }
0xa0: {  	[sflag:s22] =	ssyncadd.s32 s3;
	_ =	sdelay $0x1  }
0xa1: {  	s23 =	simm.s32 $0x1B8B  }
0xa2: {  	_ =	swait.ge [sflag:s23], $0x1  }
0xa3: {  	[sflag:s23] =	ssyncset.done $0x0  }
0xa4: {  	s25 =	simm.s32 $0x1B8E;
	s24 =	sld [smem:$0x3FFE];
	[sflag:s23] =	ssyncadd.s32 $0xFFFFFFFF  }
0xa5: {  	s26 =	simm.s32 $execute0_lowered;
	[smem:$0x3FD2] =	sst s25  }
0xa6: {  	s4 =	sshll.u32 s26, $0x1;
	_ =	strace $0x8000004F;
	[dreg:$0x1] =	wrdreg $0xFFFFFFFF  }
0xa7: {  	s28 =	simm.s32 $_size_execute0_lowered;
	s2 =	sadd.s32 s2, s4;
	[dreg:$0x0] =	wrdreg $0x0  }
0xa8: {  	s4 =	sshll.u32 s28, $0x1;
	[dreg:$0x2] =	wrdreg s2  }
0xa9: {  	[dreg:$0x3] =	wrdreg s4  }
0xaa: {  	[dreg:$0x4] =	wrdreg $0xC0  }
0xab: {  	_ =	task [dreg:s6], $0x5FFFF  }
0xac: {  	[dreg:$0x1] =	wrdreg $0xFFFFFFFF  }
0xad: {  	[dreg:$0x0] =	wrdreg $0x60  }
0xae: {  	[dreg:$0x2] =	wrdreg s24  }
0xaf: {  	[dreg:$0x3] =	wrdreg $0x9  }
0xb0: {  	_ =	task.clear_ibuf [dreg:s6], $0x4FFFF;
	_ =	strace $0x9000004F  }
0xb1: {  	s29 =	simm.s32 $0x9;
	_ =	strace $0x80000051  }
0xb2: {  	_ =	swait.ge [sflag:s29], $0x1  }
0xb3: {  	[sflag:s29] =	ssyncadd.s32 $0xFFFFFFFF  }
0xb4: {  	_ =	strace $0x90000051  }
0xb5: {  	_ =	sfence  }
0xb6: {  	s30 =	sld [smem:$0x0];
	_ =	sdelay $0x2  }
0xb7: {  	s31 =	sshll.u32 s1, $0xD;
	s1 =	sshrl.u32 s1, $0x2  }
0xb8: {  	s3 =	sand.u32 $0x4000, s31;
	s1 =	sadd.s32 s1, s30  }
0xb9: {  	s0 =	sor.u32 s3, s0;
	s1 =	sshll.u32 s1, $0x11  }
0xba: {  	s0 =	sor.u32 s1, s0  }
0xbb: {  	s0 =	sadd.s32 $0x8F2B, s0  }
0xbc: {  	[sflag:s0] =	ssyncadd.remote.s32 $0x1  }
0xbd: {  	_ =	sfence.sel $0xFFFF  }
0xbe: {  	[dreg:$0x0] =	wrdreg $0xFFFFFFFF;
	(pc) =	sbr.abs _section_cstart, $3  }
0xbf: {  	[dreg:$0x1] =	wrdreg $0xFFFFFFFF  }
0xc0: {  	_ =	task.clear_ibuf [dreg:s6], $0x2FFFF;
	_ =	strace $0x9FFFFFFF  }
0xc1: {  	(tm) =	ssettm $0x7FFFFFFF  }
tec
execute0_lowered:
.L_overlay_start_1:
0x0: {  	(tag) =	ssettag $0x1  }
0x1: {  	s0 =	rddreg [dreg:$0x0]  }
0x2: {  	s2 =	simm.s32 $0x0;
	s1 =	srdreg.scid;
	s3 =	stileid.u32  }
0x3: {  	s14 =	simm.s32 $0x80;
	s15 =	simm.s32 $0x400;
	s16 =	simm.s32 $0x9E00  }
0x4: {  	s17 =	simm.s32 $0x2780;
	s18 =	simm.s32 $0xC580;
	s19 =	simm.s32 $0x4F00  }
0x5: {  	s20 =	simm.s32 $0xED00;
	s21 =	simm.s32 $0x7680;
	s22 =	simm.s32 $0x11480  }
0x6: {  	s24 =	simm.s32 $0x18A80;
	s25 =	simm.s32 $0x3;
	s26 =	simm.s32 $0x1  }
0x7: {  	s28 =	simm.s32 $0x2;
	s29 =	simm.s32 $0x4;
	s30 =	simm.s32 $0x0  }
0x8: {  	[smem:$0x7FF] =	sst s2;
	s1 =	sand.u32 $0x1, s1;
	s4 =	smul.u32 $0x13C00, s3  }
0x9: {  	s7 =	sadd.s32 $0x21600, s0;
	s3 =	sadd.s32 $0x17800, s0;
	s12 =	sadd.s32 $0x48E00, s0  }
0xa: {  	s8 =	sadd.s32 $0x181C4, s0;
	s5 =	sshll.u32 s1, $0x9;
	s1 =	ssub.s32 $0x2, s1  }
0xb: {  	_ =	strace $0x80000050;
	s4 =	sor.u32 s5, s4;
	s31 =	sshrl.u32 s1, $0x1  }
.Ltmp0:
0xc: {  	s9 =	sshrl.u32 s4, $0x3;
	s1 =	ssub.s32 s1, s31;
	(pc) =	sbr.rel .LBB2_1-.Ltmp0, $4  }
0xd: {  	s4 =	sadd.s32 s7, s9;
	s10 =	sor.u32 $0x10, s9;
	s11 =	sor.u32 $0x20, s9  }
0xe: {  	s13 =	sor.u32 $0x30, s9;
	s9 =	sadd.s32 s12, s9;
	s5 =	sadd.s32 s7, s10  }
0xf: {  	s6 =	sadd.s32 s7, s11;
	s7 =	sadd.s32 s7, s13;
	s10 =	sadd.s32 s12, s10  }
0x10: {  	s11 =	sadd.s32 s12, s11;
	s12 =	sadd.s32 s12, s13;
	s13 =	smax.u32 s1, $0x1  }
.LBB2_12:
0x11: {  	[hbm4b:s9+s14] =	stream.strided.scatter [tilespmem:s16], [sflag:$0x4], $0x2780, s15, s14, $0x38;
	[tilespmem:$0x1D900] =	vst v63  }
0x12: {  	_ =	swait.ge [sflag:s29], $0x2780  }
0x13: {  	[sflag:s29] =	ssyncset.done $0x0  }
0x14: {  	[sflag:s29] =	ssyncadd.s32 $0xFFFFD880  }
0x15: {  	[hbm4b:s10+s14] =	stream.strided.scatter [tilespmem:s18], [sflag:$0x4], $0x2780, s15, s14, $0x38;
	[tilespmem:$0x1D900] =	vst v63  }
0x16: {  	_ =	swait.ge [sflag:s29], $0x2780  }
0x17: {  	[sflag:s29] =	ssyncset.done $0x0  }
0x18: {  	[sflag:s29] =	ssyncadd.s32 $0xFFFFD880  }
0x19: {  	[hbm4b:s11+s14] =	stream.strided.scatter [tilespmem:s20], [sflag:$0x4], $0x2780, s15, s14, $0x38;
	[tilespmem:$0x1D900] =	vst v63  }
0x1a: {  	s30 =	sadd.s32 $0x1, s30;
	_ =	swait.ge [sflag:s29], $0x2780  }
0x1b: {  	p0 =	sne.s32 s30, s13;
	[sflag:s29] =	ssyncset.done $0x0  }
.Ltmp1:
0x1c: {  	[sflag:s29] =	ssyncadd.s32 $0xFFFFD880;
	(pc) =	sbr.rel @!p0 .LBB2_13-.Ltmp1, $4  }
0x1d: {  	[hbm4b:s12+s14] =	stream.strided.scatter [tilespmem:s22], [sflag:$0x4], $0x2780, s15, s14, $0x38;
	[tilespmem:$0x1D900] =	vst v63  }
0x1e: {  	_ =	swait.ge [sflag:s29], $0x2780  }
0x1f: {  	[sflag:s29] =	ssyncset.done $0x0  }
0x20: {  	[sflag:s29] =	ssyncadd.s32 $0xFFFFD880  }
.LBB2_1:
0x21: {  	[tilespmem:s2], [sflag:$0x3] =	stream.strided.gather [hbm4b:s4+s14], $0x2780, s15, s14, $0x38;
	[tilespmem:$0x1D900] =	vst v63  }
0x22: {  	_ = 	snop  }
0x23: {  	[tilespmem:s16], [sflag:$0x3] =	stream.strided.gather [hbm4b:s4+s14], $0x2780, s15, s14, $0x38;
	[tilespmem:$0x1D900] =	vst v63  }
0x24: {  	_ = 	snop  }
0x25: {  	[tilespmem:s17], [sflag:$0x3] =	stream.strided.gather [hbm4b:s5+s14], $0x2780, s15, s14, $0x38;
	[tilespmem:$0x1D900] =	vst v63  }
0x26: {  	_ = 	snop  }
0x27: {  	[tilespmem:s18], [sflag:$0x3] =	stream.strided.gather [hbm4b:s5+s14], $0x2780, s15, s14, $0x38;
	[tilespmem:$0x1D900] =	vst v63  }
0x28: {  	_ = 	snop  }
0x29: {  	[tilespmem:s19], [sflag:$0x3] =	stream.strided.gather [hbm4b:s6+s14], $0x2780, s15, s14, $0x38;
	[tilespmem:$0x1D900] =	vst v63  }
0x2a: {  	_ = 	snop  }
0x2b: {  	[tilespmem:s20], [sflag:$0x3] =	stream.strided.gather [hbm4b:s6+s14], $0x2780, s15, s14, $0x38;
	[tilespmem:$0x1D900] =	vst v63  }
0x2c: {  	_ = 	snop  }
0x2d: {  	[tilespmem:s21], [sflag:$0x3] =	stream.strided.gather [hbm4b:s7+s14], $0x2780, s15, s14, $0x38;
	[tilespmem:$0x1D900] =	vst v63  }
0x2e: {  	_ = 	snop  }
0x2f: {  	[tilespmem:s22], [sflag:$0x3] =	stream.strided.gather [hbm4b:s7+s14], $0x2780, s15, s14, $0x38;
	[tilespmem:$0x1D900] =	vst v63  }
0x30: {  	s0 =	simm.s32 $0x13C00  }
0x31: {  	[tilespmem:s0], [sflag:$0x1] =	stream.linear.gather [hbm4b:s3+s2], $0x4E20, $0x38;
	[tilespmem:$0x1D900] =	vst v63  }
0x32: {  	_ = 	snop  }
0x33: {  	[tilespmem:s24], [sflag:$0x2] =	stream.linear.gather [hbm4b:s8+s2], $0x4E20, $0x38;
	[tilespmem:$0x1D900] =	vst v63  }
0x34: {  	_ =	swait.ge [sflag:s25], $0x2780  }
0x35: {  	[sflag:s25] =	ssyncset.done $0x0  }
0x36: {  	[sflag:s25] =	ssyncadd.s32 $0xFFFFD880  }
0x37: {  	_ =	swait.ge [sflag:s25], $0x2780  }
0x38: {  	[sflag:s25] =	ssyncset.done $0x0  }
0x39: {  	[sflag:s25] =	ssyncadd.s32 $0xFFFFD880  }
0x3a: {  	_ =	swait.ge [sflag:s25], $0x2780  }
0x3b: {  	[sflag:s25] =	ssyncset.done $0x0  }
0x3c: {  	[sflag:s25] =	ssyncadd.s32 $0xFFFFD880  }
0x3d: {  	_ =	swait.ge [sflag:s25], $0x2780  }
0x3e: {  	[sflag:s25] =	ssyncset.done $0x0  }
0x3f: {  	[sflag:s25] =	ssyncadd.s32 $0xFFFFD880  }
0x40: {  	_ =	swait.ge [sflag:s25], $0x2780  }
0x41: {  	[sflag:s25] =	ssyncset.done $0x0  }
0x42: {  	[sflag:s25] =	ssyncadd.s32 $0xFFFFD880  }
0x43: {  	_ =	swait.ge [sflag:s25], $0x2780  }
0x44: {  	[sflag:s25] =	ssyncset.done $0x0  }
0x45: {  	[sflag:s25] =	ssyncadd.s32 $0xFFFFD880  }
0x46: {  	_ =	swait.ge [sflag:s25], $0x2780  }
0x47: {  	[sflag:s25] =	ssyncset.done $0x0  }
0x48: {  	[sflag:s25] =	ssyncadd.s32 $0xFFFFD880  }
0x49: {  	_ =	swait.ge [sflag:s25], $0x2780  }
0x4a: {  	[sflag:s25] =	ssyncset.done $0x0  }
0x4b: {  	s31 =	simm.s32 $0x0;
	[sflag:s25] =	ssyncadd.s32 $0xFFFFD880  }
.LBB2_2:
0x4c: {  	_ =	swait.ge [sflag:s26], $0x4E20  }
0x4d: {  	[sflag:s26] =	ssyncset.done $0x0  }
0x4e: {  	s0 =	simm.s32 $0x13C20;
	[sflag:s26] =	ssyncadd.s32 $0xFFFFB1E0  }
0x4f: {  	v0 =	vld [tilespmem:s0+$0x10];
	_ =	sdelay $0x3  }
0x50: {  	v1 =	vld [tilespmem:s0+$0xFFFFFFE0]  }
0x51: {  	v2 =	vand.u32 $0xFFFF, v0;
	_ =	sdelay $0x2  }
0x52: {  	v8 =	vld [tilespmem:s0+$0x0]  }
0x53: {  	v3 =	vld [tilespmem:s0+$0xFFFFFFF0];
	s0 =	simm.s32 $0x0;
	v4 =	vand.u32 $0xFFFF, v1  }
0x54: {  	v5 =	vld.idx.msk [tilespmem:v2+s0+$0x0], $0xffff  }
0x55: {  	v6 =	vld.idx.msk [tilespmem:v2+s17+$0x0], $0xffff  }
0x56: {  	v7 =	vld.idx.msk [tilespmem:v2+s19+$0x0], $0xffff  }
0x57: {  	v12 =	vand.u32 $0xFFFF, v8;
	v2 =	vld.idx.msk [tilespmem:v2+s21+$0x0], $0xffff  }
0x58: {  	v0 =	vshrl.u32 v0, $0x10;
	v9 =	vld.idx.msk [tilespmem:v4+s0+$0x0], $0xffff  }
0x59: {  	v1 =	vshrl.u32 v1, $0x10;
	v10 =	vld.idx.msk [tilespmem:v4+s17+$0x0], $0xffff  }
0x5a: {  	v11 =	vld.idx.msk [tilespmem:v4+s19+$0x0], $0xffff  }
0x5b: {  	v13 =	vld.idx.msk [tilespmem:v4+s21+$0x0], $0xffff  }
0x5c: {  	v4 =	vld.idx.msk [tilespmem:v12+s17+$0x0], $0xffff  }
0x5d: {  	[tilespmem:v0+s16+$0x0] =	vst.idx.add.f32.msk $0xffff, v5  }
0x5e: {  	[tilespmem:v1+s16+$0x0] =	vst.idx.add.f32.msk $0xffff, v9  }
0x5f: {  	[tilespmem:v0+s18+$0x0] =	vst.idx.add.f32.msk $0xffff, v6  }
0x60: {  	[tilespmem:v1+s18+$0x0] =	vst.idx.add.f32.msk $0xffff, v10  }
0x61: {  	[tilespmem:v0+s20+$0x0] =	vst.idx.add.f32.msk $0xffff, v7  }
0x62: {  	v5 =	vand.u32 $0xFFFF, v3;
	[tilespmem:v1+s20+$0x0] =	vst.idx.add.f32.msk $0xffff, v11  }
0x63: {  	[tilespmem:v0+s22+$0x0] =	vst.idx.add.f32.msk $0xffff, v2  }
0x64: {  	v2 =	vld.idx.msk [tilespmem:v12+s19+$0x0], $0xffff  }
0x65: {  	v0 =	vshrl.u32 v3, $0x10;
	v3 =	vld.idx.msk [tilespmem:v12+s21+$0x0], $0xffff  }
0x66: {  	[tilespmem:v1+s22+$0x0] =	vst.idx.add.f32.msk $0xffff, v13  }
0x67: {  	v14 =	vld.idx.msk [tilespmem:v5+s0+$0x0], $0xffff  }
0x68: {  	v15 =	vld.idx.msk [tilespmem:v5+s17+$0x0], $0xffff  }
0x69: {  	v6 =	vld.idx.msk [tilespmem:v5+s19+$0x0], $0xffff  }
0x6a: {  	v7 =	vld.idx.msk [tilespmem:v5+s21+$0x0], $0xffff  }
0x6b: {  	v5 =	vld.idx.msk [tilespmem:v12+s0+$0x0], $0xffff  }
0x6c: {  	[tilespmem:v0+s16+$0x0] =	vst.idx.add.f32.msk $0xffff, v14  }
0x6d: {  	s1 =	simm.s32 $0x0;
	s23 =	simm.s32 $0x13C60;
	v1 =	vshrl.u32 v8, $0x10;
	[tilespmem:v0+s18+$0x0] =	vst.idx.add.f32.msk $0xffff, v15  }
.LBB2_3:
0x6e: {  	v8 =	vld [tilespmem:s23+$0x10]  }
0x6f: {  	v9 =	vld [tilespmem:s23+$0xFFFFFFF0]  }
0x70: {  	v10 =	vld [tilespmem:s23+$0x0]  }
0x71: {  	s1 =	sadd.s32 $0x4, s1;
	v11 =	vld [tilespmem:s23+$0xFFFFFFE0]  }
0x72: {  	p0 =	slt.u32 s1, $0x4DC;
	[tilespmem:v0+s20+$0x0] =	vst.idx.add.f32.msk $0xffff, v6  }
0x73: {  	v6 =	vand.u32 $0xFFFF, v8;
	[tilespmem:v0+s22+$0x0] =	vst.idx.add.f32.msk $0xffff, v7  }
0x74: {  	v0 =	vshrl.u32 v9, $0x10;
	v7 =	vand.u32 $0xFFFF, v9;
	[tilespmem:v1+s16+$0x0] =	vst.idx.add.f32.msk $0xffff, v5  }
0x75: {  	v5 =	vshrl.u32 v10, $0x10;
	v9 =	vand.u32 $0xFFFF, v10;
	[tilespmem:v1+s18+$0x0] =	vst.idx.add.f32.msk $0xffff, v4  }
0x76: {  	v10 =	vshrl.u32 v11, $0x10;
	v4 =	vand.u32 $0xFFFF, v11;
	[tilespmem:v1+s20+$0x0] =	vst.idx.add.f32.msk $0xffff, v2  }
0x77: {  	[tilespmem:v1+s22+$0x0] =	vst.idx.add.f32.msk $0xffff, v3;
	v1 =	vmov v5  }
0x78: {  	v2 =	vld.idx.msk [tilespmem:v6+s0+$0x0], $0xffff  }
0x79: {  	v3 =	vshrl.u32 v8, $0x10;
	v5 =	vld.idx.msk [tilespmem:v6+s17+$0x0], $0xffff  }
0x7a: {  	v8 =	vld.idx.msk [tilespmem:v6+s19+$0x0], $0xffff  }
0x7b: {  	v6 =	vld.idx.msk [tilespmem:v6+s21+$0x0], $0xffff  }
0x7c: {  	v11 =	vld.idx.msk [tilespmem:v4+s0+$0x0], $0xffff  }
0x7d: {  	v12 =	vld.idx.msk [tilespmem:v4+s17+$0x0], $0xffff  }
0x7e: {  	[tilespmem:v3+s16+$0x0] =	vst.idx.add.f32.msk $0xffff, v2  }
0x7f: {  	[tilespmem:v3+s18+$0x0] =	vst.idx.add.f32.msk $0xffff, v5  }
0x80: {  	[tilespmem:v3+s20+$0x0] =	vst.idx.add.f32.msk $0xffff, v8  }
0x81: {  	[tilespmem:v3+s22+$0x0] =	vst.idx.add.f32.msk $0xffff, v6  }
0x82: {  	v8 =	vld.idx.msk [tilespmem:v4+s19+$0x0], $0xffff  }
0x83: {  	v13 =	vld.idx.msk [tilespmem:v4+s21+$0x0], $0xffff  }
0x84: {  	v14 =	vld.idx.msk [tilespmem:v7+s0+$0x0], $0xffff  }
0x85: {  	v15 =	vld.idx.msk [tilespmem:v7+s17+$0x0], $0xffff  }
0x86: {  	v6 =	vld.idx.msk [tilespmem:v7+s19+$0x0], $0xffff  }
0x87: {  	v7 =	vld.idx.msk [tilespmem:v7+s21+$0x0], $0xffff  }
0x88: {  	v5 =	vld.idx.msk [tilespmem:v9+s0+$0x0], $0xffff  }
0x89: {  	v4 =	vld.idx.msk [tilespmem:v9+s17+$0x0], $0xffff  }
0x8a: {  	v2 =	vld.idx.msk [tilespmem:v9+s19+$0x0], $0xffff  }
0x8b: {  	v3 =	vld.idx.msk [tilespmem:v9+s21+$0x0], $0xffff  }
0x8c: {  	[tilespmem:v10+s16+$0x0] =	vst.idx.add.f32.msk $0xffff, v11  }
.Ltmp2:
0x8d: {  	[tilespmem:v10+s18+$0x0] =	vst.idx.add.f32.msk $0xffff, v12;
	(pc) =	sbr.rel @p0 .LBB2_3-.Ltmp2, $4  }
0x8e: {  	[tilespmem:v10+s20+$0x0] =	vst.idx.add.f32.msk $0xffff, v8  }
0x8f: {  	[tilespmem:v10+s22+$0x0] =	vst.idx.add.f32.msk $0xffff, v13  }
0x90: {  	[tilespmem:v0+s16+$0x0] =	vst.idx.add.f32.msk $0xffff, v14  }
0x91: {  	s23 =	sadd.s32 $0x40, s23;
	[tilespmem:v0+s18+$0x0] =	vst.idx.add.f32.msk $0xffff, v15  }
0x92: {  	_ =	sdelay $0x3  }
0x93: {  	[tilespmem:v0+s20+$0x0] =	vst.idx.add.f32.msk $0xffff, v6  }
0x94: {  	[tilespmem:v1+s16+$0x0] =	vst.idx.add.f32.msk $0xffff, v5  }
0x95: {  	[tilespmem:v0+s22+$0x0] =	vst.idx.add.f32.msk $0xffff, v7  }
0x96: {  	[tilespmem:v1+s18+$0x0] =	vst.idx.add.f32.msk $0xffff, v4  }
0x97: {  	[tilespmem:v1+s20+$0x0] =	vst.idx.add.f32.msk $0xffff, v2  }
0x98: {  	[tilespmem:v1+s22+$0x0] =	vst.idx.add.f32.msk $0xffff, v3  }
.LBB2_5:
0x99: {  	s1 =	sshra.s32 s0, $0x2  }
0x9a: {  	v0 =	vld [tilespmem:s1+$0x18A00];
	_ =	sdelay $0x4  }
0x9b: {  	v1 =	vand.u32 $0xFFFF, v0;
	_ =	sdelay $0x4  }
0x9c: {  	v0 =	vshrl.u32 v0, $0x10;
	v2 =	vld.idx.msk [tilespmem:v1+s2+$0x0], $0xffff  }
0x9d: {  	v3 =	vld.idx.msk [tilespmem:v1+s17+$0x0], $0xffff  }
0x9e: {  	v4 =	vld.idx.msk [tilespmem:v1+s19+$0x0], $0xffff  }
0x9f: {  	p0 =	sne.s32 s0, $0x40;
	v1 =	vld.idx.msk [tilespmem:v1+s21+$0x0], $0xffff  }
.Ltmp3:
0xa0: {  	_ = 	snop;
	(pc) =	sbr.rel @p0 .LBB2_5-.Ltmp3, $4  }
0xa1: {  	[tilespmem:v0+s16+$0x0] =	vst.idx.add.f32.msk $0xffff, v2  }
0xa2: {  	[tilespmem:v0+s18+$0x0] =	vst.idx.add.f32.msk $0xffff, v3  }
0xa3: {  	[tilespmem:v0+s20+$0x0] =	vst.idx.add.f32.msk $0xffff, v4  }
0xa4: {  	s0 =	sadd.s32 $0x40, s0;
	[tilespmem:v0+s22+$0x0] =	vst.idx.add.f32.msk $0xffff, v1  }
0xa5: {  	p0 =	seq.s32 s31, $0x7  }
0xa6: {  	s0 =	smul.u32 @!p0 $0x9C40, s31;
	_ =	sdelay $0x1  }
0xa7: {  	s0 =	sshrl.u32 @!p0 s0, $0x3  }
0xa8: {  	s0 =	sadd.s32 @!p0 s3, s0  }
0xa9: {  	s1 =	simm.s32 @!p0 $0x0;
	s23 =	simm.s32 @!p0 $0x13C00;
	s0 =	sadd.s32 @!p0 $0x1388, s0  }
0xaa: {  	[tilespmem:s23], [sflag:$0x1] =	stream.linear.gather @!p0 [hbm4b:s0+s1], $0x4E20, $0x38;
	[tilespmem:$0x1D900] =	vst v63  }
0xab: {  	_ =	swait.ge [sflag:s28], $0x4E20  }
0xac: {  	[sflag:s28] =	ssyncset.done $0x0  }
0xad: {  	s23 =	simm.s32 $0x18AA0;
	[sflag:s28] =	ssyncadd.s32 $0xFFFFB1E0  }
0xae: {  	v0 =	vld [tilespmem:s23+$0x10];
	_ =	sdelay $0x3  }
0xaf: {  	v1 =	vld [tilespmem:s23+$0xFFFFFFE0]  }
0xb0: {  	v2 =	vand.u32 $0xFFFF, v0;
	_ =	sdelay $0x2  }
0xb1: {  	v8 =	vld [tilespmem:s23+$0x0]  }
0xb2: {  	s0 =	simm.s32 $0x0;
	v3 =	vld [tilespmem:s23+$0xFFFFFFF0];
	v4 =	vand.u32 $0xFFFF, v1  }
0xb3: {  	v5 =	vld.idx.msk [tilespmem:v2+s0+$0x0], $0xffff  }
0xb4: {  	v6 =	vld.idx.msk [tilespmem:v2+s17+$0x0], $0xffff  }
0xb5: {  	v7 =	vld.idx.msk [tilespmem:v2+s19+$0x0], $0xffff  }
0xb6: {  	v12 =	vand.u32 $0xFFFF, v8;
	v2 =	vld.idx.msk [tilespmem:v2+s21+$0x0], $0xffff  }
0xb7: {  	v0 =	vshrl.u32 v0, $0x10;
	v9 =	vld.idx.msk [tilespmem:v4+s0+$0x0], $0xffff  }
0xb8: {  	v1 =	vshrl.u32 v1, $0x10;
	v10 =	vld.idx.msk [tilespmem:v4+s17+$0x0], $0xffff  }
0xb9: {  	v11 =	vld.idx.msk [tilespmem:v4+s19+$0x0], $0xffff  }
0xba: {  	v13 =	vld.idx.msk [tilespmem:v4+s21+$0x0], $0xffff  }
0xbb: {  	v4 =	vld.idx.msk [tilespmem:v12+s17+$0x0], $0xffff  }
0xbc: {  	[tilespmem:v0+s16+$0x0] =	vst.idx.add.f32.msk $0xffff, v5  }
0xbd: {  	[tilespmem:v1+s16+$0x0] =	vst.idx.add.f32.msk $0xffff, v9  }
0xbe: {  	[tilespmem:v0+s18+$0x0] =	vst.idx.add.f32.msk $0xffff, v6  }
0xbf: {  	[tilespmem:v1+s18+$0x0] =	vst.idx.add.f32.msk $0xffff, v10  }
0xc0: {  	[tilespmem:v0+s20+$0x0] =	vst.idx.add.f32.msk $0xffff, v7  }
0xc1: {  	v5 =	vand.u32 $0xFFFF, v3;
	[tilespmem:v1+s20+$0x0] =	vst.idx.add.f32.msk $0xffff, v11  }
0xc2: {  	[tilespmem:v0+s22+$0x0] =	vst.idx.add.f32.msk $0xffff, v2  }
0xc3: {  	v2 =	vld.idx.msk [tilespmem:v12+s19+$0x0], $0xffff  }
0xc4: {  	v0 =	vshrl.u32 v3, $0x10;
	v3 =	vld.idx.msk [tilespmem:v12+s21+$0x0], $0xffff  }
0xc5: {  	[tilespmem:v1+s22+$0x0] =	vst.idx.add.f32.msk $0xffff, v13  }
0xc6: {  	v14 =	vld.idx.msk [tilespmem:v5+s0+$0x0], $0xffff  }
0xc7: {  	v15 =	vld.idx.msk [tilespmem:v5+s17+$0x0], $0xffff  }
0xc8: {  	v6 =	vld.idx.msk [tilespmem:v5+s19+$0x0], $0xffff  }
0xc9: {  	v7 =	vld.idx.msk [tilespmem:v5+s21+$0x0], $0xffff  }
0xca: {  	v5 =	vld.idx.msk [tilespmem:v12+s0+$0x0], $0xffff  }
0xcb: {  	[tilespmem:v0+s16+$0x0] =	vst.idx.add.f32.msk $0xffff, v14  }
0xcc: {  	s1 =	simm.s32 $0x0;
	s23 =	simm.s32 $0x18AE0;
	v1 =	vshrl.u32 v8, $0x10;
	[tilespmem:v0+s18+$0x0] =	vst.idx.add.f32.msk $0xffff, v15  }
.LBB2_7:
0xcd: {  	v8 =	vld [tilespmem:s23+$0x10]  }
0xce: {  	v9 =	vld [tilespmem:s23+$0xFFFFFFF0]  }
0xcf: {  	v10 =	vld [tilespmem:s23+$0x0]  }
0xd0: {  	s1 =	sadd.s32 $0x4, s1;
	v11 =	vld [tilespmem:s23+$0xFFFFFFE0]  }
0xd1: {  	p1 =	slt.u32 s1, $0x4DC;
	[tilespmem:v0+s20+$0x0] =	vst.idx.add.f32.msk $0xffff, v6  }
0xd2: {  	v6 =	vand.u32 $0xFFFF, v8;
	[tilespmem:v0+s22+$0x0] =	vst.idx.add.f32.msk $0xffff, v7  }
0xd3: {  	v0 =	vshrl.u32 v9, $0x10;
	v7 =	vand.u32 $0xFFFF, v9;
	[tilespmem:v1+s16+$0x0] =	vst.idx.add.f32.msk $0xffff, v5  }
0xd4: {  	v5 =	vshrl.u32 v10, $0x10;
	v9 =	vand.u32 $0xFFFF, v10;
	[tilespmem:v1+s18+$0x0] =	vst.idx.add.f32.msk $0xffff, v4  }
0xd5: {  	v10 =	vshrl.u32 v11, $0x10;
	v4 =	vand.u32 $0xFFFF, v11;
	[tilespmem:v1+s20+$0x0] =	vst.idx.add.f32.msk $0xffff, v2  }
0xd6: {  	[tilespmem:v1+s22+$0x0] =	vst.idx.add.f32.msk $0xffff, v3;
	v1 =	vmov v5  }
0xd7: {  	v2 =	vld.idx.msk [tilespmem:v6+s0+$0x0], $0xffff  }
0xd8: {  	v3 =	vshrl.u32 v8, $0x10;
	v5 =	vld.idx.msk [tilespmem:v6+s17+$0x0], $0xffff  }
0xd9: {  	v8 =	vld.idx.msk [tilespmem:v6+s19+$0x0], $0xffff  }
0xda: {  	v6 =	vld.idx.msk [tilespmem:v6+s21+$0x0], $0xffff  }
0xdb: {  	v11 =	vld.idx.msk [tilespmem:v4+s0+$0x0], $0xffff  }
0xdc: {  	v12 =	vld.idx.msk [tilespmem:v4+s17+$0x0], $0xffff  }
0xdd: {  	[tilespmem:v3+s16+$0x0] =	vst.idx.add.f32.msk $0xffff, v2  }
0xde: {  	[tilespmem:v3+s18+$0x0] =	vst.idx.add.f32.msk $0xffff, v5  }
0xdf: {  	[tilespmem:v3+s20+$0x0] =	vst.idx.add.f32.msk $0xffff, v8  }
0xe0: {  	[tilespmem:v3+s22+$0x0] =	vst.idx.add.f32.msk $0xffff, v6  }
0xe1: {  	v8 =	vld.idx.msk [tilespmem:v4+s19+$0x0], $0xffff  }
0xe2: {  	v13 =	vld.idx.msk [tilespmem:v4+s21+$0x0], $0xffff  }
0xe3: {  	v14 =	vld.idx.msk [tilespmem:v7+s0+$0x0], $0xffff  }
0xe4: {  	v15 =	vld.idx.msk [tilespmem:v7+s17+$0x0], $0xffff  }
0xe5: {  	v6 =	vld.idx.msk [tilespmem:v7+s19+$0x0], $0xffff  }
0xe6: {  	v7 =	vld.idx.msk [tilespmem:v7+s21+$0x0], $0xffff  }
0xe7: {  	v5 =	vld.idx.msk [tilespmem:v9+s0+$0x0], $0xffff  }
0xe8: {  	v4 =	vld.idx.msk [tilespmem:v9+s17+$0x0], $0xffff  }
0xe9: {  	v2 =	vld.idx.msk [tilespmem:v9+s19+$0x0], $0xffff  }
0xea: {  	v3 =	vld.idx.msk [tilespmem:v9+s21+$0x0], $0xffff  }
0xeb: {  	[tilespmem:v10+s16+$0x0] =	vst.idx.add.f32.msk $0xffff, v11  }
.Ltmp4:
0xec: {  	[tilespmem:v10+s18+$0x0] =	vst.idx.add.f32.msk $0xffff, v12;
	(pc) =	sbr.rel @p1 .LBB2_7-.Ltmp4, $4  }
0xed: {  	[tilespmem:v10+s20+$0x0] =	vst.idx.add.f32.msk $0xffff, v8  }
0xee: {  	[tilespmem:v10+s22+$0x0] =	vst.idx.add.f32.msk $0xffff, v13  }
0xef: {  	[tilespmem:v0+s16+$0x0] =	vst.idx.add.f32.msk $0xffff, v14  }
0xf0: {  	s23 =	sadd.s32 $0x40, s23;
	[tilespmem:v0+s18+$0x0] =	vst.idx.add.f32.msk $0xffff, v15  }
0xf1: {  	_ =	sdelay $0x3  }
0xf2: {  	[tilespmem:v0+s20+$0x0] =	vst.idx.add.f32.msk $0xffff, v6  }
0xf3: {  	[tilespmem:v1+s16+$0x0] =	vst.idx.add.f32.msk $0xffff, v5  }
0xf4: {  	[tilespmem:v0+s22+$0x0] =	vst.idx.add.f32.msk $0xffff, v7  }
0xf5: {  	[tilespmem:v1+s18+$0x0] =	vst.idx.add.f32.msk $0xffff, v4  }
0xf6: {  	[tilespmem:v1+s20+$0x0] =	vst.idx.add.f32.msk $0xffff, v2  }
0xf7: {  	[tilespmem:v1+s22+$0x0] =	vst.idx.add.f32.msk $0xffff, v3  }
.LBB2_9:
0xf8: {  	s1 =	sshra.s32 s0, $0x2  }
0xf9: {  	v0 =	vld [tilespmem:s1+$0x1D880];
	_ =	sdelay $0x4  }
0xfa: {  	v1 =	vand.u32 $0xFFFF, v0;
	_ =	sdelay $0x4  }
0xfb: {  	v0 =	vshrl.u32 v0, $0x10;
	v2 =	vld.idx.msk [tilespmem:v1+s2+$0x0], $0xffff  }
0xfc: {  	v3 =	vld.idx.msk [tilespmem:v1+s17+$0x0], $0xffff  }
0xfd: {  	v4 =	vld.idx.msk [tilespmem:v1+s19+$0x0], $0xffff  }
0xfe: {  	p1 =	sne.s32 s0, $0x40;
	v1 =	vld.idx.msk [tilespmem:v1+s21+$0x0], $0xffff  }
.Ltmp5:
0xff: {  	_ = 	snop;
	(pc) =	sbr.rel @p1 .LBB2_9-.Ltmp5, $4  }
0x100: {  	[tilespmem:v0+s16+$0x0] =	vst.idx.add.f32.msk $0xffff, v2  }
0x101: {  	[tilespmem:v0+s18+$0x0] =	vst.idx.add.f32.msk $0xffff, v3  }
0x102: {  	[tilespmem:v0+s20+$0x0] =	vst.idx.add.f32.msk $0xffff, v4  }
0x103: {  	s0 =	sadd.s32 $0x40, s0;
	[tilespmem:v0+s22+$0x0] =	vst.idx.add.f32.msk $0xffff, v1  }
.Ltmp6:
0x104: {  	(pc) =	sbr.rel @p0 .LBB2_12-.Ltmp6, $1  }
0x105: {  	_ =	sdelay $0x3  }
0x106: {  	s0 =	smul.u32 $0x9C40, s31  }
.Ltmp7:
0x107: {  	_ = 	snop;
	(pc) =	sbr.rel .LBB2_2-.Ltmp7, $4  }
0x108: {  	s0 =	sshrl.u32 s0, $0x3  }
0x109: {  	s0 =	sadd.s32 s3, s0  }
0x10a: {  	s31 =	sadd.s32 $0x1, s31;
	s0 =	sadd.s32 $0x1D4C, s0  }
0x10b: {  	[tilespmem:s24], [sflag:$0x2] =	stream.linear.gather [hbm4b:s0+s2], $0x4E20, $0x38;
	[tilespmem:$0x1D900] =	vst v63  }
.LBB2_13:
0x10c: {  	_ =	sfence.sel $0x180000  }
0x10d: {  	[bflag:$0x0] =	sbarrier.arrive $0xFFFF  }
0x10e: {  	_ =	strace $0x90000050  }
0x10f: {  	s0 =	stileid.u32;
	[bflag:$0x2] =	sbarrier.arrive $0xFFFF  }
0x110: {  	p0 =	sne.s32 s0, $0x0;
	s0 =	rddreg [dreg:$0x1]  }
0x111: {  	s0 =	sadd.s32 @!p0 $0x100000, s0  }
0x112: {  	[sflag:s0] =	ssyncadd.tile.s32 @!p0 $0x1;
	_ =	shalt  }
.Lfunc_end2:
_tile_overlayer_lowered:
.L_overlay_start_2:
0x113: {  	(tag) =	ssettag $0x2  }
0x114: {  	s0 =	rddreg [dreg:$0x0];
	s2 =	stileid.u32  }
0x115: {  	s1 =	rddreg [dreg:$0x1];
	p0 =	sne.s32 s2, $0x0  }
0x116: {  	s3 =	rddreg [dreg:$0x2];
	[bflag:$0x3] =	sbarrier.arrive $0xFFFF;
	s2 =	simm.s32 @!p0 $0x1C04  }
0x117: {  	[timem:s3], [sflag:s2] =	dma.local @!p0 [hbm:s0], s1  }
0x118: {  	s0 =	simm.s32 @!p0 $0x4  }
0x119: {  	_ =	swait.ge @!p0 [sflag:s0], s1  }
0x11a: {  	s1 =	ssub.s32 @!p0 $0x0, s1;
	[sflag:s0] =	ssyncset.done @!p0 $0x0  }
0x11b: {  	[sflag:s0] =	ssyncadd.s32 @!p0 s1  }
0x11c: {  	[bflag:$0x3] =	sbarrier.arrive $0xFFFF  }
0x11d: {  	_ =	shalt  }

</sc_bundles>
